<compile_context>
chip_gen: v7x
topology: tpu7x:2x2x1
jax: 0.10.2.dev20260603
libtpu: 0.0.44.dev20260713+nightly
codegen_flags: <defaults>
</compile_context>

<pallas_src>
import functools

import jax
import jax.numpy as jnp
from jax import lax
from jax.experimental import pallas as pl
from jax.experimental.pallas import tpu as pltpu
from jax.experimental.pallas import tpu_sc as plsc

N_NODES = 10000
N_EDGES = 320000
D_NODE = 128

NC = 2
NS = 16
NW = NC * NS
EW = N_EDGES // NW
CH = 1000
NCHUNK = EW // CH
ROWS_PER_TILE = N_NODES // NS

E4 = 4
E4R = N_EDGES // E4
RCH = CH // E4

_MESH = dict(core_axis_name="c", subcore_axis_name="s")
_SC_PARAMS = pltpu.CompilerParams(use_tc_tiling_on_sc=False)


def _worker(c, s):
    return s * NC + c



def _gather_kernel():
    mesh = plsc.VectorSubcoreMesh(**_MESH)

    @functools.partial(
        pl.kernel,
        out_type=(
            jax.ShapeDtypeStruct((E4R, 128), jnp.float32),
            jax.ShapeDtypeStruct((E4R, 128), jnp.float32),
        ),
        mesh=mesh,
        compiler_params=_SC_PARAMS,
        scratch_types=[
            pltpu.VMEM((CH,), jnp.int32),
            pltpu.VMEM((CH,), jnp.int32),
            pltpu.VMEM((CH, 32), jnp.float32),
            pltpu.VMEM((CH, 32), jnp.float32),
            pltpu.SemaphoreType.DMA,
            pltpu.SemaphoreType.DMA,
        ],
    )
    def gather(xa_hbm, xb_hbm, src_hbm, dst_hbm, ga_hbm, gb_hbm,
               ia_v, ib_v, ra_v, rb_v, sem_a, sem_b):
        c = lax.axis_index("c")
        s = lax.axis_index("s")
        wid = _worker(c, s)

        def chunk(k, _):
            base = wid * EW + k * CH
            rbase = wid * (EW // E4) + k * RCH
            pltpu.sync_copy(src_hbm.at[pl.ds(base, CH)], ia_v)
            pltpu.sync_copy(dst_hbm.at[pl.ds(base, CH)], ib_v)
            cp_a = pltpu.async_copy(xa_hbm.at[ia_v], ra_v, sem_a)
            cp_b = pltpu.async_copy(xb_hbm.at[ib_v], rb_v, sem_b)
            cp_a.wait()
            cp_b.wait()
            for j in range(E4):
                pltpu.sync_copy(ra_v.at[pl.ds(RCH * j, RCH)],
                                ga_hbm.at[pl.ds(rbase, RCH), pl.ds(32 * j, 32)])
                pltpu.sync_copy(rb_v.at[pl.ds(RCH * j, RCH)],
                                gb_hbm.at[pl.ds(rbase, RCH), pl.ds(32 * j, 32)])
            return 0
        lax.fori_loop(0, NCHUNK, chunk, 0)

    return gather


def _scatter_kernel(with_deg):
    mesh = plsc.VectorSubcoreMesh(**_MESH)
    out_type = [jax.ShapeDtypeStruct((NC, N_NODES, 32), jnp.float32)]
    scratch = [
        pltpu.VMEM((CH,), jnp.int32),
        pltpu.VMEM((CH, 32), jnp.float32),
        pltpu.VMEM((ROWS_PER_TILE, 32), jnp.float32),
        pltpu.VMEM_SHARED((N_NODES, 32), jnp.float32),
    ]
    if with_deg:
        out_type.append(jax.ShapeDtypeStruct((NC, N_NODES, 16), jnp.float32))
        scratch.append(pltpu.VMEM((CH, 16), jnp.float32))
        scratch.append(pltpu.VMEM((ROWS_PER_TILE, 16), jnp.float32))
        scratch.append(pltpu.VMEM_SHARED((N_NODES, 16), jnp.float32))

    @functools.partial(
        pl.kernel,
        out_type=tuple(out_type),
        mesh=mesh,
        compiler_params=_SC_PARAMS,
        scratch_types=scratch,
    )
    def scatter(e_hbm, dst_hbm, *refs):
        if with_deg:
            (out_hbm, deg_hbm, idx_v, rows_v, buf_v, acc_sh,
             ones_v, dbuf_v, deg_sh) = refs
        else:
            out_hbm, idx_v, rows_v, buf_v, acc_sh = refs
        c = lax.axis_index("c")
        s = lax.axis_index("s")
        wid = _worker(c, s)
        zeros16 = jnp.zeros((16,), jnp.float32)
        ones16 = jnp.ones((16,), jnp.float32)

        def init_row(i, _):
            buf_v[i, pl.ds(0, 16)] = zeros16
            buf_v[i, pl.ds(16, 16)] = zeros16
            if with_deg:
                ones_v[i, :] = ones16
                dbuf_v[i, :] = zeros16
            return 0
        lax.fori_loop(0, ROWS_PER_TILE, init_row, 0)
        if with_deg:
            def ones_row(i, _):
                ones_v[i, :] = ones16
                return 0
            lax.fori_loop(ROWS_PER_TILE, CH, ones_row, 0)

        row0 = s * ROWS_PER_TILE
        pltpu.sync_copy(buf_v, acc_sh.at[pl.ds(row0, ROWS_PER_TILE)])
        if with_deg:
            pltpu.sync_copy(dbuf_v, deg_sh.at[pl.ds(row0, ROWS_PER_TILE)])
        plsc.subcore_barrier()

        def chunk(k, _):
            base = wid * EW + k * CH
            rbase = wid * (EW // E4) + k * RCH
            pltpu.sync_copy(dst_hbm.at[pl.ds(base, CH)], idx_v)
            for j in range(E4):
                pltpu.sync_copy(e_hbm.at[pl.ds(rbase, RCH), pl.ds(32 * j, 32)],
                                rows_v.at[pl.ds(RCH * j, RCH)])
            pltpu.sync_copy(rows_v, acc_sh.at[idx_v], add=True)
            if with_deg:
                pltpu.sync_copy(ones_v, deg_sh.at[idx_v], add=True)
            return 0
        lax.fori_loop(0, NCHUNK, chunk, 0)
        plsc.subcore_barrier()

        pltpu.sync_copy(acc_sh.at[pl.ds(row0, ROWS_PER_TILE)], buf_v)
        pltpu.sync_copy(buf_v, out_hbm.at[c, pl.ds(row0, ROWS_PER_TILE)])
        if with_deg:
            pltpu.sync_copy(deg_sh.at[pl.ds(row0, ROWS_PER_TILE)], dbuf_v)
            pltpu.sync_copy(dbuf_v, deg_hbm.at[c, pl.ds(row0, ROWS_PER_TILE)])

    return scatter



BLK_E = 3200
GRID_E = N_EDGES // BLK_E
BLK_R = BLK_E // E4
BLK_N = 2000
GRID_N = N_NODES // BLK_N


def _proj_body(x_ref, w_ref, o_ref):
    o_ref[...] = jnp.dot(x_ref[...], w_ref[...],
                         preferred_element_type=jnp.float32)


def _proj(x, wab):
    return pl.pallas_call(
        _proj_body,
        grid=(GRID_N,),
        in_specs=[
            pl.BlockSpec((BLK_N, D_NODE), lambda i: (i, 0)),
            pl.BlockSpec((D_NODE, 64), lambda i: (0, 0)),
        ],
        out_specs=pl.BlockSpec((BLK_N, 64), lambda i: (i, 0)),
        out_shape=jax.ShapeDtypeStruct((N_NODES, 64), jnp.float32),
    )(x, wab)


def _edge_body(ga_ref, gb_ref, e_ref, wc_ref, be_ref, o_ref):
    t = jnp.dot(e_ref[...], wc_ref[...], preferred_element_type=jnp.float32)
    o_ref[...] = jnp.maximum(t + ga_ref[...] + gb_ref[...] + be_ref[...], 0.0)


def _edge_stage(ga, gb, e_prev, wc_bd, be_t):
    de4 = e_prev.shape[1]
    e_spec = pl.BlockSpec((BLK_R, de4), lambda i: (i, 0))
    return pl.pallas_call(
        _edge_body,
        grid=(GRID_E,),
        in_specs=[
            pl.BlockSpec((BLK_R, 128), lambda i: (i, 0)),
            pl.BlockSpec((BLK_R, 128), lambda i: (i, 0)),
            e_spec,
            pl.BlockSpec((de4, 128), lambda i: (0, 0)),
            pl.BlockSpec((1, 128), lambda i: (0, 0)),
        ],
        out_specs=pl.BlockSpec((BLK_R, 128), lambda i: (i, 0)),
        out_shape=jax.ShapeDtypeStruct((E4R, 128), jnp.float32),
    )(ga, gb, e_prev, wc_bd, be_t)


def _node_body(mix, x_ref, aggp_ref, degp_ref, wna_ref, wnb_ref, bn_ref,
               wea_ref, web_ref, n_ref, xa_ref, xb_ref):
    deg = degp_ref[0, :, 0:1] + degp_ref[1, :, 0:1]
    inv = 1.0 / jnp.maximum(deg, 1.0)
    agg = (aggp_ref[0] + aggp_ref[1]) * inv
    x = x_ref[...]
    n = jnp.dot(x, wna_ref[...], preferred_element_type=jnp.float32)
    n = n + jnp.dot(agg, wnb_ref[...], preferred_element_type=jnp.float32)
    n = jnp.maximum(n + bn_ref[...], 0.0)
    n_ref[...] = n
    p = 0.5 * (x + n) if mix else n
    xa_ref[...] = jnp.dot(p, wea_ref[...], preferred_element_type=jnp.float32)
    xb_ref[...] = jnp.dot(p, web_ref[...], preferred_element_type=jnp.float32)


def _node_stage(x, aggp, degp, wna, wnb, bn, wea, web, mix):
    return pl.pallas_call(
        functools.partial(_node_body, mix),
        grid=(GRID_N,),
        in_specs=[
            pl.BlockSpec((BLK_N, D_NODE), lambda i: (i, 0)),
            pl.BlockSpec((NC, BLK_N, 32), lambda i: (0, i, 0)),
            pl.BlockSpec((NC, BLK_N, 16), lambda i: (0, i, 0)),
            pl.BlockSpec((D_NODE, D_NODE), lambda i: (0, 0)),
            pl.BlockSpec((32, D_NODE), lambda i: (0, 0)),
            pl.BlockSpec((1, D_NODE), lambda i: (0, 0)),
            pl.BlockSpec((D_NODE, 32), lambda i: (0, 0)),
            pl.BlockSpec((D_NODE, 32), lambda i: (0, 0)),
        ],
        out_specs=[
            pl.BlockSpec((BLK_N, D_NODE), lambda i: (i, 0)),
            pl.BlockSpec((BLK_N, 32), lambda i: (i, 0)),
            pl.BlockSpec((BLK_N, 32), lambda i: (i, 0)),
        ],
        out_shape=[
            jax.ShapeDtypeStruct((N_NODES, D_NODE), jnp.float32),
            jax.ShapeDtypeStruct((N_NODES, 32), jnp.float32),
            jax.ShapeDtypeStruct((N_NODES, 32), jnp.float32),
        ],
    )(x, aggp, degp, wna, wnb, bn, wea, web)


def _final_body(ga_ref, gb_ref, e0_ref, e1_ref, wc_ref, be_ref,
                wm1_ref, bm1_ref, wm2_ref, bm2_ref, wm3_ref, bm3_ref, o_ref):
    em = 0.5 * (e0_ref[...] + e1_ref[...])
    t = jnp.dot(em, wc_ref[...], preferred_element_type=jnp.float32)
    e2 = jnp.maximum(t + ga_ref[...] + gb_ref[...] + be_ref[...], 0.0)
    h = jnp.maximum(jnp.dot(e2, wm1_ref[...],
                            preferred_element_type=jnp.float32)
                    + bm1_ref[...], 0.0)
    h = jnp.maximum(jnp.dot(h, wm2_ref[...],
                            preferred_element_type=jnp.float32)
                    + bm2_ref[...], 0.0)
    o_ref[...] = (jnp.dot(h, wm3_ref[...], preferred_element_type=jnp.float32)
                  + bm3_ref[0]).reshape(1, BLK_R, E4)


def _final_stage(ga, gb, e0, e1, wc_bd, be_t, wm1_bd, bm1_t, wm2_bd, bm2_t,
                 wm3_bd, bm3):
    bd = lambda: pl.BlockSpec((128, 128), lambda i: (0, 0))
    row = lambda: pl.BlockSpec((1, 128), lambda i: (0, 0))
    ebs = lambda: pl.BlockSpec((BLK_R, 128), lambda i: (i, 0))
    return pl.pallas_call(
        _final_body,
        grid=(GRID_E,),
        in_specs=[
            ebs(), ebs(), ebs(), ebs(),
            bd(), row(),
            bd(), row(),
            bd(), row(),
            pl.BlockSpec((128, E4), lambda i: (0, 0)),
            pl.BlockSpec(memory_space=pltpu.SMEM),
        ],
        out_specs=pl.BlockSpec((1, BLK_R, E4), lambda i: (i, 0, 0)),
        out_shape=jax.ShapeDtypeStruct((GRID_E, BLK_R, E4), jnp.float32),
    )(ga, gb, e0, e1, wc_bd, be_t, wm1_bd, bm1_t, wm2_bd, bm2_t, wm3_bd, bm3)



def kernel(edge_index, x, edge_attr,
           We0, be0, Wn0, bn0,
           We1, be1, Wn1, bn1,
           We2, be2, Wn2, bn2,
           Wm1, bm1, Wm2, bm2, Wm3, bm3):
    x = x.astype(jnp.float32)
    perm = lambda a: (a.reshape(NW * NCHUNK, RCH, E4)
                      .transpose(0, 2, 1).reshape(N_EDGES))
    src = perm(edge_index[0])
    dst = perm(edge_index[1])

    gather = _gather_kernel()
    scatter0 = _scatter_kernel(with_deg=True)
    scatter1 = _scatter_kernel(with_deg=False)

    wa0, wb0, wc0 = We0[:128], We0[128:256], We0[256:]
    wa1, wb1, wc1 = We1[:128], We1[128:256], We1[256:]
    wa2, wb2, wc2 = We2[:128], We2[128:256], We2[256:]
    wn0a, wn0b = Wn0[:128], Wn0[128:]
    wn1a, wn1b = Wn1[:128], Wn1[128:]
    bn0r, bn1r = bn0.reshape(1, D_NODE), bn1.reshape(1, D_NODE)
    eye4 = jnp.eye(E4, dtype=jnp.float32)
    wc0_bd = jnp.kron(eye4, wc0)
    wc1_bd = jnp.kron(eye4, wc1)
    wc2_bd = jnp.kron(eye4, wc2)
    wm1_bd = jnp.kron(eye4, Wm1)
    wm2_bd = jnp.kron(eye4, Wm2)
    wm3_bd = jnp.kron(eye4, Wm3)
    be0_t = jnp.tile(be0, E4).reshape(1, 128)
    be1_t = jnp.tile(be1, E4).reshape(1, 128)
    be2_t = jnp.tile(be2, E4).reshape(1, 128)
    bm1_t = jnp.tile(bm1, E4).reshape(1, 128)
    bm2_t = jnp.tile(bm2, E4).reshape(1, 128)

    xab0 = _proj(x, jnp.concatenate([wa0, wb0], axis=1))
    ga0, gb0 = gather(xab0[:, :32], xab0[:, 32:], src, dst)
    e0 = _edge_stage(ga0, gb0, edge_attr.reshape(E4R, E4 * 16), wc0_bd, be0_t)
    aggp0, degp = scatter0(e0, dst)
    n0, xa1, xb1 = _node_stage(x, aggp0, degp, wn0a, wn0b, bn0r,
                               wa1, wb1, mix=False)

    ga1, gb1 = gather(xa1, xb1, src, dst)
    e1 = _edge_stage(ga1, gb1, e0, wc1_bd, be1_t)
    (aggp1,) = scatter1(e1, dst)
    _, xa2, xb2 = _node_stage(n0, aggp1, degp, wn1a, wn1b, bn1r,
                              wa2, wb2, mix=True)

    ga2, gb2 = gather(xa2, xb2, src, dst)
    out = _final_stage(ga2, gb2, e0, e1,
                       wc2_bd, be2_t, wm1_bd, bm1_t, wm2_bd, bm2_t,
                       wm3_bd, bm3)
    return out.reshape(N_EDGES)

# --- scband reference (transcript-rebuilt; emitter-appended) ---
"""Pipeline reference for scband-disc-edge3-15573551415686 (READ-ONLY COPY).

The authoritative reference and input builder live on the scoring server;
editing this copy changes nothing except your own understanding.
"""

import jax, jax.numpy as jnp
import numpy as np

N_NODES = 10000
N_EDGES = 320000
D_NODE = 128
E_SIZES = [16, 32, 32, 32]


def _init_w(key, shape):
    fan_in = shape[0]
    return jax.random.normal(key, shape, dtype=jnp.float32) * (1.0 / np.sqrt(fan_in))


def setup_inputs(seed: int = 0) -> dict:
    key = jax.random.key(seed)
    ks = jax.random.split(key, 32)
    inp = {}
    inp["edge_index"] = jax.random.randint(ks[0], (2, N_EDGES), 0, N_NODES, dtype=jnp.int32)
    inp["x"] = jax.random.normal(ks[1], (N_NODES, D_NODE), dtype=jnp.float32)
    inp["edge_attr"] = jax.random.normal(ks[2], (N_EDGES, E_SIZES[0]), dtype=jnp.float32)
    # GNN3 layer params (spectral norm omitted at inference: plain weights)
    ki = 3
    for l in range(3):
        de_in, de_out = E_SIZES[l], E_SIZES[l + 1]
        inp[f"We{l}"] = _init_w(ks[ki], (2 * D_NODE + de_in, de_out)); ki += 1
        inp[f"be{l}"] = jnp.zeros((de_out,), dtype=jnp.float32)
        inp[f"Wn{l}"] = _init_w(ks[ki], (D_NODE + de_out, D_NODE)); ki += 1
        inp[f"bn{l}"] = jnp.zeros((D_NODE,), dtype=jnp.float32)
    # final mlp_sn: 32 -> 32 -> 32 -> 1
    inp["Wm1"] = _init_w(ks[ki], (32, 32)); ki += 1
    inp["bm1"] = jnp.zeros((32,), dtype=jnp.float32)
    inp["Wm2"] = _init_w(ks[ki], (32, 32)); ki += 1
    inp["bm2"] = jnp.zeros((32,), dtype=jnp.float32)
    inp["Wm3"] = _init_w(ks[ki], (32, 1)); ki += 1
    inp["bm3"] = jnp.zeros((1,), dtype=jnp.float32)
    return inp


def _gnn3(edge_index, x, e, We, be, Wn, bn):
    src = edge_index[0]
    dst = edge_index[1]
    m = jnp.concatenate([jnp.take(x, src, axis=0), jnp.take(x, dst, axis=0), e], axis=-1)
    e_new = jax.nn.relu(m @ We + be)
    agg = jax.ops.segment_sum(e_new, dst, num_segments=N_NODES)
    deg = jax.ops.segment_sum(jnp.ones((e_new.shape[0],), dtype=jnp.float32), dst, num_segments=N_NODES)
    agg = agg / jnp.clip(deg, 1.0, None)[:, None]
    n_new = jax.nn.relu(jnp.concatenate([x, agg], axis=-1) @ Wn + bn)
    return n_new, e_new


def reference(edge_index, x, edge_attr,
              We0, be0, Wn0, bn0,
              We1, be1, Wn1, bn1,
              We2, be2, Wn2, bn2,
              Wm1, bm1, Wm2, bm2, Wm3, bm3):
    x = x.astype(jnp.float32)
    nodes, e = _gnn3(edge_index, x, edge_attr, We0, be0, Wn0, bn0)
    nodes_, e_ = _gnn3(edge_index, nodes, e, We1, be1, Wn1, bn1)
    nodes = 0.5 * (nodes + nodes_)
    e = 0.5 * (e + e_)
    nodes, edges = _gnn3(edge_index, nodes, e, We2, be2, Wn2, bn2)
    # end == 'edge'
    h = edges
    h = jax.nn.relu(h @ Wm1 + bm1)
    h = jax.nn.relu(h @ Wm2 + bm2)
    h = h @ Wm3 + bm3
    return jnp.squeeze(h, axis=-1)

if __name__ == "__main__":
    import jax
    _d = setup_inputs()
    print(jax.jit(kernel)(*tuple(_d.values())))

</pallas_src>

<mosaic_0001>
#map = affine_map<(d0, d1) -> (0, 0)>
#map1 = affine_map<(d0, d1) -> (0)>
module attributes {stable_mosaic.version = 14 : i64} {
  func.func @gather(%arg0: i32, %arg1: i32, %arg2: memref<10000x32xf32, #tpu.memory_space<hbm>>, %arg3: memref<10000x32xf32, #tpu.memory_space<hbm>>, %arg4: memref<320000xi32, #tpu.memory_space<hbm>>, %arg5: memref<320000xi32, #tpu.memory_space<hbm>>, %arg6: memref<80000x128xf32, #tpu.memory_space<hbm>>, %arg7: memref<80000x128xf32, #tpu.memory_space<hbm>>, %arg8: memref<1000xi32, #tpu.memory_space<vmem>>, %arg9: memref<1000xi32, #tpu.memory_space<vmem>>, %arg10: memref<1000x32xf32, #tpu.memory_space<vmem>>, %arg11: memref<1000x32xf32, #tpu.memory_space<vmem>>, %arg12: memref<!tpu.dma_semaphore, #tpu.memory_space<semaphore_mem>>, %arg13: memref<!tpu.dma_semaphore, #tpu.memory_space<semaphore_mem>>) attributes {dimension_semantics = [#tpu.dimension_semantics<core_parallel>, #tpu.dimension_semantics<subcore_parallel>], iteration_bounds = array<i64: 2, 16>, scalar_prefetch = 0 : i64, scratch_operands = 6 : i64, tpu.core_type = #tpu.core_type<sc_vector_subcore>, window_params = [{transform_indices = #map}, {transform_indices = #map}, {transform_indices = #map1}, {transform_indices = #map1}, {transform_indices = #map}, {transform_indices = #map}]} {
    %mul3A = arith.constant 2 : i32
    %mul3A_0 = arith.muli %arg1, %mul3A : i32
    %add3A = arith.addi %mul3A_0, %arg0 : i32
    %scan3A = arith.constant 0 : i32
    %scan3A_1 = arith.constant 0 : i32
    %scan3A_2 = arith.constant 10 : i32
    %scan3A_3 = arith.addi %scan3A_1, %scan3A_2 : i32
    %scan3A_4 = arith.constant 1 : i32
    %scan3A_5 = scf.for %scan3A_7 = %scan3A_1 to %scan3A_3 step %scan3A_4 iter_args(%scan3A_8 = %scan3A) -> (i32)  : i32 {
      %mul3A_9 = arith.constant 10000 : i32
      %mul3A_10 = arith.muli %add3A, %mul3A_9 : i32
      %mul3A_11 = arith.constant 1000 : i32
      %mul3A_12 = arith.muli %scan3A_7, %mul3A_11 : i32
      %add3A_13 = arith.addi %mul3A_10, %mul3A_12 : i32
      %mul3A_14 = arith.constant 2500 : i32
      %mul3A_15 = arith.muli %add3A, %mul3A_14 : i32
      %mul3A_16 = arith.constant 250 : i32
      %mul3A_17 = arith.muli %scan3A_7, %mul3A_16 : i32
      %add3A_18 = arith.addi %mul3A_15, %mul3A_17 : i32
      "tpu.region"() ({
        %run_scoped3A = tpu.sem_alloc : memref<!tpu.dma_semaphore, #tpu.memory_space<semaphore_mem>>
        %dma_start3A_30 = tpu.memref_slice %arg4[%add3A_13] : memref<320000xi32, #tpu.memory_space<hbm>> -> memref<1000xi32, #tpu.memory_space<hbm>>
        %dma_start3A_31 = tpu.memref_slice %arg4[%add3A_13] : memref<320000xi32, #tpu.memory_space<hbm>> -> memref<1000xi32, #tpu.memory_space<hbm>>
        tpu.enqueue_dma source(%dma_start3A_31 : memref<1000xi32, #tpu.memory_space<hbm>>) target(%arg8 : memref<1000xi32, #tpu.memory_space<vmem>>) target_semaphore(%run_scoped3A : memref<!tpu.dma_semaphore, #tpu.memory_space<semaphore_mem>>)
        %dma_wait3A_32 = tpu.memref_slice %arg4[%add3A_13] : memref<320000xi32, #tpu.memory_space<hbm>> -> memref<1000xi32, #tpu.memory_space<hbm>>
        %dma_wait3A_33 = tpu.memref_slice %arg4[%add3A_13] : memref<320000xi32, #tpu.memory_space<hbm>> -> memref<1000xi32, #tpu.memory_space<hbm>>
        tpu.wait_dma2 semaphore(%run_scoped3A : memref<!tpu.dma_semaphore, #tpu.memory_space<semaphore_mem>>) src(%dma_wait3A_33 : memref<1000xi32, #tpu.memory_space<hbm>>) dst(%arg8 : memref<1000xi32, #tpu.memory_space<vmem>>)
        tpu.yield
      }) : () -> ()
      "tpu.region"() ({
        %run_scoped3A = tpu.sem_alloc : memref<!tpu.dma_semaphore, #tpu.memory_space<semaphore_mem>>
        %dma_start3A_30 = tpu.memref_slice %arg5[%add3A_13] : memref<320000xi32, #tpu.memory_space<hbm>> -> memref<1000xi32, #tpu.memory_space<hbm>>
        %dma_start3A_31 = tpu.memref_slice %arg5[%add3A_13] : memref<320000xi32, #tpu.memory_space<hbm>> -> memref<1000xi32, #tpu.memory_space<hbm>>
        tpu.enqueue_dma source(%dma_start3A_31 : memref<1000xi32, #tpu.memory_space<hbm>>) target(%arg9 : memref<1000xi32, #tpu.memory_space<vmem>>) target_semaphore(%run_scoped3A : memref<!tpu.dma_semaphore, #tpu.memory_space<semaphore_mem>>)
        %dma_wait3A_32 = tpu.memref_slice %arg5[%add3A_13] : memref<320000xi32, #tpu.memory_space<hbm>> -> memref<1000xi32, #tpu.memory_space<hbm>>
        %dma_wait3A_33 = tpu.memref_slice %arg5[%add3A_13] : memref<320000xi32, #tpu.memory_space<hbm>> -> memref<1000xi32, #tpu.memory_space<hbm>>
        tpu.wait_dma2 semaphore(%run_scoped3A : memref<!tpu.dma_semaphore, #tpu.memory_space<semaphore_mem>>) src(%dma_wait3A_33 : memref<1000xi32, #tpu.memory_space<hbm>>) dst(%arg9 : memref<1000xi32, #tpu.memory_space<vmem>>)
        tpu.yield
      }) : () -> ()
      %dma_start3A = arith.constant 0 : i32
      %dma_start3A_19 = arith.constant 0 : i32
      %dma_start3A_20 = tpu.memref_slice %arg2[%dma_start3A, %dma_start3A_19] : memref<10000x32xf32, #tpu.memory_space<hbm>> -> memref<10000x32xf32, #tpu.memory_space<hbm>>
      tpu.enqueue_indirect_dma source(%dma_start3A_20 : memref<10000x32xf32, #tpu.memory_space<hbm>>) target(%arg10 : memref<1000x32xf32, #tpu.memory_space<vmem>>) offsets(%arg8 : memref<1000xi32, #tpu.memory_space<vmem>>) semaphore(%arg12 : memref<!tpu.dma_semaphore, #tpu.memory_space<semaphore_mem>>)
      %dma_start3A_21 = arith.constant 0 : i32
      %dma_start3A_22 = arith.constant 0 : i32
      %dma_start3A_23 = tpu.memref_slice %arg3[%dma_start3A_21, %dma_start3A_22] : memref<10000x32xf32, #tpu.memory_space<hbm>> -> memref<10000x32xf32, #tpu.memory_space<hbm>>
      tpu.enqueue_indirect_dma source(%dma_start3A_23 : memref<10000x32xf32, #tpu.memory_space<hbm>>) target(%arg11 : memref<1000x32xf32, #tpu.memory_space<vmem>>) offsets(%arg9 : memref<1000xi32, #tpu.memory_space<vmem>>) semaphore(%arg13 : memref<!tpu.dma_semaphore, #tpu.memory_space<semaphore_mem>>)
      %dma_wait3A = arith.constant 0 : i32
      %dma_wait3A_24 = arith.constant 0 : i32
      %dma_wait3A_25 = tpu.memref_slice %arg2[%dma_wait3A, %dma_wait3A_24] : memref<10000x32xf32, #tpu.memory_space<hbm>> -> memref<10000x32xf32, #tpu.memory_space<hbm>>
      tpu.wait_indirect_dma semaphore(%arg12 : memref<!tpu.dma_semaphore, #tpu.memory_space<semaphore_mem>>) src(%dma_wait3A_25 : memref<10000x32xf32, #tpu.memory_space<hbm>>) dst(%arg10 : memref<1000x32xf32, #tpu.memory_space<vmem>>)
      %dma_wait3A_26 = arith.constant 0 : i32
      %dma_wait3A_27 = arith.constant 0 : i32
      %dma_wait3A_28 = tpu.memref_slice %arg3[%dma_wait3A_26, %dma_wait3A_27] : memref<10000x32xf32, #tpu.memory_space<hbm>> -> memref<10000x32xf32, #tpu.memory_space<hbm>>
      tpu.wait_indirect_dma semaphore(%arg13 : memref<!tpu.dma_semaphore, #tpu.memory_space<semaphore_mem>>) src(%dma_wait3A_28 : memref<10000x32xf32, #tpu.memory_space<hbm>>) dst(%arg11 : memref<1000x32xf32, #tpu.memory_space<vmem>>)
      "tpu.region"() ({
        %run_scoped3A = tpu.sem_alloc : memref<!tpu.dma_semaphore, #tpu.memory_space<semaphore_mem>>
        %dma_start3A_30 = arith.constant 0 : i32
        %dma_start3A_31 = arith.constant 0 : i32
        %dma_start3A_32 = tpu.memref_slice %arg10[%dma_start3A_30, %dma_start3A_31] : memref<1000x32xf32, #tpu.memory_space<vmem>> -> memref<250x32xf32, #tpu.memory_space<vmem>>
        %dma_start3A_33 = arith.constant 0 : i32
        %dma_start3A_34 = tpu.memref_slice %arg6[%add3A_18, %dma_start3A_33] : memref<80000x128xf32, #tpu.memory_space<hbm>> -> memref<250x32xf32, #tpu.memory_space<hbm>>
        %dma_start3A_35 = arith.constant 0 : i32
        %dma_start3A_36 = tpu.memref_slice %arg6[%add3A_18, %dma_start3A_35] : memref<80000x128xf32, #tpu.memory_space<hbm>> -> memref<250x32xf32, #tpu.memory_space<hbm>>
        %dma_start3A_37 = arith.constant 0 : i32
        %dma_start3A_38 = arith.constant 0 : i32
        %dma_start3A_39 = tpu.memref_slice %arg10[%dma_start3A_37, %dma_start3A_38] : memref<1000x32xf32, #tpu.memory_space<vmem>> -> memref<250x32xf32, #tpu.memory_space<vmem>>
        tpu.enqueue_dma source(%dma_start3A_39 : memref<250x32xf32, #tpu.memory_space<vmem>>) target(%dma_start3A_36 : memref<250x32xf32, #tpu.memory_space<hbm>>) target_semaphore(%run_scoped3A : memref<!tpu.dma_semaphore, #tpu.memory_space<semaphore_mem>>)
        %dma_wait3A_40 = arith.constant 0 : i32
        %dma_wait3A_41 = arith.constant 0 : i32
        %dma_wait3A_42 = tpu.memref_slice %arg10[%dma_wait3A_40, %dma_wait3A_41] : memref<1000x32xf32, #tpu.memory_space<vmem>> -> memref<250x32xf32, #tpu.memory_space<vmem>>
        %dma_wait3A_43 = arith.constant 0 : i32
        %dma_wait3A_44 = tpu.memref_slice %arg6[%add3A_18, %dma_wait3A_43] : memref<80000x128xf32, #tpu.memory_space<hbm>> -> memref<250x32xf32, #tpu.memory_space<hbm>>
        %dma_wait3A_45 = arith.constant 0 : i32
        %dma_wait3A_46 = tpu.memref_slice %arg6[%add3A_18, %dma_wait3A_45] : memref<80000x128xf32, #tpu.memory_space<hbm>> -> memref<250x32xf32, #tpu.memory_space<hbm>>
        %dma_wait3A_47 = arith.constant 0 : i32
        %dma_wait3A_48 = arith.constant 0 : i32
        %dma_wait3A_49 = tpu.memref_slice %arg10[%dma_wait3A_47, %dma_wait3A_48] : memref<1000x32xf32, #tpu.memory_space<vmem>> -> memref<250x32xf32, #tpu.memory_space<vmem>>
        tpu.wait_dma2 semaphore(%run_scoped3A : memref<!tpu.dma_semaphore, #tpu.memory_space<semaphore_mem>>) src(%dma_wait3A_49 : memref<250x32xf32, #tpu.memory_space<vmem>>) dst(%dma_wait3A_46 : memref<250x32xf32, #tpu.memory_space<hbm>>)
        tpu.yield
      }) : () -> ()
      "tpu.region"() ({
        %run_scoped3A = tpu.sem_alloc : memref<!tpu.dma_semaphore, #tpu.memory_space<semaphore_mem>>
        %dma_start3A_30 = arith.constant 0 : i32
        %dma_start3A_31 = arith.constant 0 : i32
        %dma_start3A_32 = tpu.memref_slice %arg11[%dma_start3A_30, %dma_start3A_31] : memref<1000x32xf32, #tpu.memory_space<vmem>> -> memref<250x32xf32, #tpu.memory_space<vmem>>
        %dma_start3A_33 = arith.constant 0 : i32
        %dma_start3A_34 = tpu.memref_slice %arg7[%add3A_18, %dma_start3A_33] : memref<80000x128xf32, #tpu.memory_space<hbm>> -> memref<250x32xf32, #tpu.memory_space<hbm>>
        %dma_start3A_35 = arith.constant 0 : i32
        %dma_start3A_36 = tpu.memref_slice %arg7[%add3A_18, %dma_start3A_35] : memref<80000x128xf32, #tpu.memory_space<hbm>> -> memref<250x32xf32, #tpu.memory_space<hbm>>
        %dma_start3A_37 = arith.constant 0 : i32
        %dma_start3A_38 = arith.constant 0 : i32
        %dma_start3A_39 = tpu.memref_slice %arg11[%dma_start3A_37, %dma_start3A_38] : memref<1000x32xf32, #tpu.memory_space<vmem>> -> memref<250x32xf32, #tpu.memory_space<vmem>>
        tpu.enqueue_dma source(%dma_start3A_39 : memref<250x32xf32, #tpu.memory_space<vmem>>) target(%dma_start3A_36 : memref<250x32xf32, #tpu.memory_space<hbm>>) target_semaphore(%run_scoped3A : memref<!tpu.dma_semaphore, #tpu.memory_space<semaphore_mem>>)
        %dma_wait3A_40 = arith.constant 0 : i32
        %dma_wait3A_41 = arith.constant 0 : i32
        %dma_wait3A_42 = tpu.memref_slice %arg11[%dma_wait3A_40, %dma_wait3A_41] : memref<1000x32xf32, #tpu.memory_space<vmem>> -> memref<250x32xf32, #tpu.memory_space<vmem>>
        %dma_wait3A_43 = arith.constant 0 : i32
        %dma_wait3A_44 = tpu.memref_slice %arg7[%add3A_18, %dma_wait3A_43] : memref<80000x128xf32, #tpu.memory_space<hbm>> -> memref<250x32xf32, #tpu.memory_space<hbm>>
        %dma_wait3A_45 = arith.constant 0 : i32
        %dma_wait3A_46 = tpu.memref_slice %arg7[%add3A_18, %dma_wait3A_45] : memref<80000x128xf32, #tpu.memory_space<hbm>> -> memref<250x32xf32, #tpu.memory_space<hbm>>
        %dma_wait3A_47 = arith.constant 0 : i32
        %dma_wait3A_48 = arith.constant 0 : i32
        %dma_wait3A_49 = tpu.memref_slice %arg11[%dma_wait3A_47, %dma_wait3A_48] : memref<1000x32xf32, #tpu.memory_space<vmem>> -> memref<250x32xf32, #tpu.memory_space<vmem>>
        tpu.wait_dma2 semaphore(%run_scoped3A : memref<!tpu.dma_semaphore, #tpu.memory_space<semaphore_mem>>) src(%dma_wait3A_49 : memref<250x32xf32, #tpu.memory_space<vmem>>) dst(%dma_wait3A_46 : memref<250x32xf32, #tpu.memory_space<hbm>>)
        tpu.yield
      }) : () -> ()
      "tpu.region"() ({
        %run_scoped3A = tpu.sem_alloc : memref<!tpu.dma_semaphore, #tpu.memory_space<semaphore_mem>>
        %dma_start3A_30 = arith.constant 250 : i32
        %dma_start3A_31 = arith.constant 0 : i32
        %dma_start3A_32 = tpu.memref_slice %arg10[%dma_start3A_30, %dma_start3A_31] : memref<1000x32xf32, #tpu.memory_space<vmem>> -> memref<250x32xf32, #tpu.memory_space<vmem>>
        %dma_start3A_33 = arith.constant 32 : i32
        %dma_start3A_34 = tpu.memref_slice %arg6[%add3A_18, %dma_start3A_33] : memref<80000x128xf32, #tpu.memory_space<hbm>> -> memref<250x32xf32, #tpu.memory_space<hbm>>
        %dma_start3A_35 = arith.constant 32 : i32
        %dma_start3A_36 = tpu.memref_slice %arg6[%add3A_18, %dma_start3A_35] : memref<80000x128xf32, #tpu.memory_space<hbm>> -> memref<250x32xf32, #tpu.memory_space<hbm>>
        %dma_start3A_37 = arith.constant 250 : i32
        %dma_start3A_38 = arith.constant 0 : i32
        %dma_start3A_39 = tpu.memref_slice %arg10[%dma_start3A_37, %dma_start3A_38] : memref<1000x32xf32, #tpu.memory_space<vmem>> -> memref<250x32xf32, #tpu.memory_space<vmem>>
        tpu.enqueue_dma source(%dma_start3A_39 : memref<250x32xf32, #tpu.memory_space<vmem>>) target(%dma_start3A_36 : memref<250x32xf32, #tpu.memory_space<hbm>>) target_semaphore(%run_scoped3A : memref<!tpu.dma_semaphore, #tpu.memory_space<semaphore_mem>>)
        %dma_wait3A_40 = arith.constant 250 : i32
        %dma_wait3A_41 = arith.constant 0 : i32
        %dma_wait3A_42 = tpu.memref_slice %arg10[%dma_wait3A_40, %dma_wait3A_41] : memref<1000x32xf32, #tpu.memory_space<vmem>> -> memref<250x32xf32, #tpu.memory_space<vmem>>
        %dma_wait3A_43 = arith.constant 32 : i32
        %dma_wait3A_44 = tpu.memref_slice %arg6[%add3A_18, %dma_wait3A_43] : memref<80000x128xf32, #tpu.memory_space<hbm>> -> memref<250x32xf32, #tpu.memory_space<hbm>>
        %dma_wait3A_45 = arith.constant 32 : i32
        %dma_wait3A_46 = tpu.memref_slice %arg6[%add3A_18, %dma_wait3A_45] : memref<80000x128xf32, #tpu.memory_space<hbm>> -> memref<250x32xf32, #tpu.memory_space<hbm>>
        %dma_wait3A_47 = arith.constant 250 : i32
        %dma_wait3A_48 = arith.constant 0 : i32
        %dma_wait3A_49 = tpu.memref_slice %arg10[%dma_wait3A_47, %dma_wait3A_48] : memref<1000x32xf32, #tpu.memory_space<vmem>> -> memref<250x32xf32, #tpu.memory_space<vmem>>
        tpu.wait_dma2 semaphore(%run_scoped3A : memref<!tpu.dma_semaphore, #tpu.memory_space<semaphore_mem>>) src(%dma_wait3A_49 : memref<250x32xf32, #tpu.memory_space<vmem>>) dst(%dma_wait3A_46 : memref<250x32xf32, #tpu.memory_space<hbm>>)
        tpu.yield
      }) : () -> ()
      "tpu.region"() ({
        %run_scoped3A = tpu.sem_alloc : memref<!tpu.dma_semaphore, #tpu.memory_space<semaphore_mem>>
        %dma_start3A_30 = arith.constant 250 : i32
        %dma_start3A_31 = arith.constant 0 : i32
        %dma_start3A_32 = tpu.memref_slice %arg11[%dma_start3A_30, %dma_start3A_31] : memref<1000x32xf32, #tpu.memory_space<vmem>> -> memref<250x32xf32, #tpu.memory_space<vmem>>
        %dma_start3A_33 = arith.constant 32 : i32
        %dma_start3A_34 = tpu.memref_slice %arg7[%add3A_18, %dma_start3A_33] : memref<80000x128xf32, #tpu.memory_space<hbm>> -> memref<250x32xf32, #tpu.memory_space<hbm>>
        %dma_start3A_35 = arith.constant 32 : i32
        %dma_start3A_36 = tpu.memref_slice %arg7[%add3A_18, %dma_start3A_35] : memref<80000x128xf32, #tpu.memory_space<hbm>> -> memref<250x32xf32, #tpu.memory_space<hbm>>
        %dma_start3A_37 = arith.constant 250 : i32
        %dma_start3A_38 = arith.constant 0 : i32
        %dma_start3A_39 = tpu.memref_slice %arg11[%dma_start3A_37, %dma_start3A_38] : memref<1000x32xf32, #tpu.memory_space<vmem>> -> memref<250x32xf32, #tpu.memory_space<vmem>>
        tpu.enqueue_dma source(%dma_start3A_39 : memref<250x32xf32, #tpu.memory_space<vmem>>) target(%dma_start3A_36 : memref<250x32xf32, #tpu.memory_space<hbm>>) target_semaphore(%run_scoped3A : memref<!tpu.dma_semaphore, #tpu.memory_space<semaphore_mem>>)
        %dma_wait3A_40 = arith.constant 250 : i32
        %dma_wait3A_41 = arith.constant 0 : i32
        %dma_wait3A_42 = tpu.memref_slice %arg11[%dma_wait3A_40, %dma_wait3A_41] : memref<1000x32xf32, #tpu.memory_space<vmem>> -> memref<250x32xf32, #tpu.memory_space<vmem>>
        %dma_wait3A_43 = arith.constant 32 : i32
        %dma_wait3A_44 = tpu.memref_slice %arg7[%add3A_18, %dma_wait3A_43] : memref<80000x128xf32, #tpu.memory_space<hbm>> -> memref<250x32xf32, #tpu.memory_space<hbm>>
        %dma_wait3A_45 = arith.constant 32 : i32
        %dma_wait3A_46 = tpu.memref_slice %arg7[%add3A_18, %dma_wait3A_45] : memref<80000x128xf32, #tpu.memory_space<hbm>> -> memref<250x32xf32, #tpu.memory_space<hbm>>
        %dma_wait3A_47 = arith.constant 250 : i32
        %dma_wait3A_48 = arith.constant 0 : i32
        %dma_wait3A_49 = tpu.memref_slice %arg11[%dma_wait3A_47, %dma_wait3A_48] : memref<1000x32xf32, #tpu.memory_space<vmem>> -> memref<250x32xf32, #tpu.memory_space<vmem>>
        tpu.wait_dma2 semaphore(%run_scoped3A : memref<!tpu.dma_semaphore, #tpu.memory_space<semaphore_mem>>) src(%dma_wait3A_49 : memref<250x32xf32, #tpu.memory_space<vmem>>) dst(%dma_wait3A_46 : memref<250x32xf32, #tpu.memory_space<hbm>>)
        tpu.yield
      }) : () -> ()
      "tpu.region"() ({
        %run_scoped3A = tpu.sem_alloc : memref<!tpu.dma_semaphore, #tpu.memory_space<semaphore_mem>>
        %dma_start3A_30 = arith.constant 500 : i32
        %dma_start3A_31 = arith.constant 0 : i32
        %dma_start3A_32 = tpu.memref_slice %arg10[%dma_start3A_30, %dma_start3A_31] : memref<1000x32xf32, #tpu.memory_space<vmem>> -> memref<250x32xf32, #tpu.memory_space<vmem>>
        %dma_start3A_33 = arith.constant 64 : i32
        %dma_start3A_34 = tpu.memref_slice %arg6[%add3A_18, %dma_start3A_33] : memref<80000x128xf32, #tpu.memory_space<hbm>> -> memref<250x32xf32, #tpu.memory_space<hbm>>
        %dma_start3A_35 = arith.constant 64 : i32
        %dma_start3A_36 = tpu.memref_slice %arg6[%add3A_18, %dma_start3A_35] : memref<80000x128xf32, #tpu.memory_space<hbm>> -> memref<250x32xf32, #tpu.memory_space<hbm>>
        %dma_start3A_37 = arith.constant 500 : i32
        %dma_start3A_38 = arith.constant 0 : i32
        %dma_start3A_39 = tpu.memref_slice %arg10[%dma_start3A_37, %dma_start3A_38] : memref<1000x32xf32, #tpu.memory_space<vmem>> -> memref<250x32xf32, #tpu.memory_space<vmem>>
        tpu.enqueue_dma source(%dma_start3A_39 : memref<250x32xf32, #tpu.memory_space<vmem>>) target(%dma_start3A_36 : memref<250x32xf32, #tpu.memory_space<hbm>>) target_semaphore(%run_scoped3A : memref<!tpu.dma_semaphore, #tpu.memory_space<semaphore_mem>>)
        %dma_wait3A_40 = arith.constant 500 : i32
        %dma_wait3A_41 = arith.constant 0 : i32
        %dma_wait3A_42 = tpu.memref_slice %arg10[%dma_wait3A_40, %dma_wait3A_41] : memref<1000x32xf32, #tpu.memory_space<vmem>> -> memref<250x32xf32, #tpu.memory_space<vmem>>
        %dma_wait3A_43 = arith.constant 64 : i32
        %dma_wait3A_44 = tpu.memref_slice %arg6[%add3A_18, %dma_wait3A_43] : memref<80000x128xf32, #tpu.memory_space<hbm>> -> memref<250x32xf32, #tpu.memory_space<hbm>>
        %dma_wait3A_45 = arith.constant 64 : i32
        %dma_wait3A_46 = tpu.memref_slice %arg6[%add3A_18, %dma_wait3A_45] : memref<80000x128xf32, #tpu.memory_space<hbm>> -> memref<250x32xf32, #tpu.memory_space<hbm>>
        %dma_wait3A_47 = arith.constant 500 : i32
        %dma_wait3A_48 = arith.constant 0 : i32
        %dma_wait3A_49 = tpu.memref_slice %arg10[%dma_wait3A_47, %dma_wait3A_48] : memref<1000x32xf32, #tpu.memory_space<vmem>> -> memref<250x32xf32, #tpu.memory_space<vmem>>
        tpu.wait_dma2 semaphore(%run_scoped3A : memref<!tpu.dma_semaphore, #tpu.memory_space<semaphore_mem>>) src(%dma_wait3A_49 : memref<250x32xf32, #tpu.memory_space<vmem>>) dst(%dma_wait3A_46 : memref<250x32xf32, #tpu.memory_space<hbm>>)
        tpu.yield
      }) : () -> ()
      "tpu.region"() ({
        %run_scoped3A = tpu.sem_alloc : memref<!tpu.dma_semaphore, #tpu.memory_space<semaphore_mem>>
        %dma_start3A_30 = arith.constant 500 : i32
        %dma_start3A_31 = arith.constant 0 : i32
        %dma_start3A_32 = tpu.memref_slice %arg11[%dma_start3A_30, %dma_start3A_31] : memref<1000x32xf32, #tpu.memory_space<vmem>> -> memref<250x32xf32, #tpu.memory_space<vmem>>
        %dma_start3A_33 = arith.constant 64 : i32
        %dma_start3A_34 = tpu.memref_slice %arg7[%add3A_18, %dma_start3A_33] : memref<80000x128xf32, #tpu.memory_space<hbm>> -> memref<250x32xf32, #tpu.memory_space<hbm>>
        %dma_start3A_35 = arith.constant 64 : i32
        %dma_start3A_36 = tpu.memref_slice %arg7[%add3A_18, %dma_start3A_35] : memref<80000x128xf32, #tpu.memory_space<hbm>> -> memref<250x32xf32, #tpu.memory_space<hbm>>
        %dma_start3A_37 = arith.constant 500 : i32
        %dma_start3A_38 = arith.constant 0 : i32
        %dma_start3A_39 = tpu.memref_slice %arg11[%dma_start3A_37, %dma_start3A_38] : memref<1000x32xf32, #tpu.memory_space<vmem>> -> memref<250x32xf32, #tpu.memory_space<vmem>>
        tpu.enqueue_dma source(%dma_start3A_39 : memref<250x32xf32, #tpu.memory_space<vmem>>) target(%dma_start3A_36 : memref<250x32xf32, #tpu.memory_space<hbm>>) target_semaphore(%run_scoped3A : memref<!tpu.dma_semaphore, #tpu.memory_space<semaphore_mem>>)
        %dma_wait3A_40 = arith.constant 500 : i32
        %dma_wait3A_41 = arith.constant 0 : i32
        %dma_wait3A_42 = tpu.memref_slice %arg11[%dma_wait3A_40, %dma_wait3A_41] : memref<1000x32xf32, #tpu.memory_space<vmem>> -> memref<250x32xf32, #tpu.memory_space<vmem>>
        %dma_wait3A_43 = arith.constant 64 : i32
        %dma_wait3A_44 = tpu.memref_slice %arg7[%add3A_18, %dma_wait3A_43] : memref<80000x128xf32, #tpu.memory_space<hbm>> -> memref<250x32xf32, #tpu.memory_space<hbm>>
        %dma_wait3A_45 = arith.constant 64 : i32
        %dma_wait3A_46 = tpu.memref_slice %arg7[%add3A_18, %dma_wait3A_45] : memref<80000x128xf32, #tpu.memory_space<hbm>> -> memref<250x32xf32, #tpu.memory_space<hbm>>
        %dma_wait3A_47 = arith.constant 500 : i32
        %dma_wait3A_48 = arith.constant 0 : i32
        %dma_wait3A_49 = tpu.memref_slice %arg11[%dma_wait3A_47, %dma_wait3A_48] : memref<1000x32xf32, #tpu.memory_space<vmem>> -> memref<250x32xf32, #tpu.memory_space<vmem>>
        tpu.wait_dma2 semaphore(%run_scoped3A : memref<!tpu.dma_semaphore, #tpu.memory_space<semaphore_mem>>) src(%dma_wait3A_49 : memref<250x32xf32, #tpu.memory_space<vmem>>) dst(%dma_wait3A_46 : memref<250x32xf32, #tpu.memory_space<hbm>>)
        tpu.yield
      }) : () -> ()
      "tpu.region"() ({
        %run_scoped3A = tpu.sem_alloc : memref<!tpu.dma_semaphore, #tpu.memory_space<semaphore_mem>>
        %dma_start3A_30 = arith.constant 750 : i32
        %dma_start3A_31 = arith.constant 0 : i32
        %dma_start3A_32 = tpu.memref_slice %arg10[%dma_start3A_30, %dma_start3A_31] : memref<1000x32xf32, #tpu.memory_space<vmem>> -> memref<250x32xf32, #tpu.memory_space<vmem>>
        %dma_start3A_33 = arith.constant 96 : i32
        %dma_start3A_34 = tpu.memref_slice %arg6[%add3A_18, %dma_start3A_33] : memref<80000x128xf32, #tpu.memory_space<hbm>> -> memref<250x32xf32, #tpu.memory_space<hbm>>
        %dma_start3A_35 = arith.constant 96 : i32
        %dma_start3A_36 = tpu.memref_slice %arg6[%add3A_18, %dma_start3A_35] : memref<80000x128xf32, #tpu.memory_space<hbm>> -> memref<250x32xf32, #tpu.memory_space<hbm>>
        %dma_start3A_37 = arith.constant 750 : i32
        %dma_start3A_38 = arith.constant 0 : i32
        %dma_start3A_39 = tpu.memref_slice %arg10[%dma_start3A_37, %dma_start3A_38] : memref<1000x32xf32, #tpu.memory_space<vmem>> -> memref<250x32xf32, #tpu.memory_space<vmem>>
        tpu.enqueue_dma source(%dma_start3A_39 : memref<250x32xf32, #tpu.memory_space<vmem>>) target(%dma_start3A_36 : memref<250x32xf32, #tpu.memory_space<hbm>>) target_semaphore(%run_scoped3A : memref<!tpu.dma_semaphore, #tpu.memory_space<semaphore_mem>>)
        %dma_wait3A_40 = arith.constant 750 : i32
        %dma_wait3A_41 = arith.constant 0 : i32
        %dma_wait3A_42 = tpu.memref_slice %arg10[%dma_wait3A_40, %dma_wait3A_41] : memref<1000x32xf32, #tpu.memory_space<vmem>> -> memref<250x32xf32, #tpu.memory_space<vmem>>
        %dma_wait3A_43 = arith.constant 96 : i32
        %dma_wait3A_44 = tpu.memref_slice %arg6[%add3A_18, %dma_wait3A_43] : memref<80000x128xf32, #tpu.memory_space<hbm>> -> memref<250x32xf32, #tpu.memory_space<hbm>>
        %dma_wait3A_45 = arith.constant 96 : i32
        %dma_wait3A_46 = tpu.memref_slice %arg6[%add3A_18, %dma_wait3A_45] : memref<80000x128xf32, #tpu.memory_space<hbm>> -> memref<250x32xf32, #tpu.memory_space<hbm>>
        %dma_wait3A_47 = arith.constant 750 : i32
        %dma_wait3A_48 = arith.constant 0 : i32
        %dma_wait3A_49 = tpu.memref_slice %arg10[%dma_wait3A_47, %dma_wait3A_48] : memref<1000x32xf32, #tpu.memory_space<vmem>> -> memref<250x32xf32, #tpu.memory_space<vmem>>
        tpu.wait_dma2 semaphore(%run_scoped3A : memref<!tpu.dma_semaphore, #tpu.memory_space<semaphore_mem>>) src(%dma_wait3A_49 : memref<250x32xf32, #tpu.memory_space<vmem>>) dst(%dma_wait3A_46 : memref<250x32xf32, #tpu.memory_space<hbm>>)
        tpu.yield
      }) : () -> ()
      "tpu.region"() ({
        %run_scoped3A = tpu.sem_alloc : memref<!tpu.dma_semaphore, #tpu.memory_space<semaphore_mem>>
        %dma_start3A_30 = arith.constant 750 : i32
        %dma_start3A_31 = arith.constant 0 : i32
        %dma_start3A_32 = tpu.memref_slice %arg11[%dma_start3A_30, %dma_start3A_31] : memref<1000x32xf32, #tpu.memory_space<vmem>> -> memref<250x32xf32, #tpu.memory_space<vmem>>
        %dma_start3A_33 = arith.constant 96 : i32
        %dma_start3A_34 = tpu.memref_slice %arg7[%add3A_18, %dma_start3A_33] : memref<80000x128xf32, #tpu.memory_space<hbm>> -> memref<250x32xf32, #tpu.memory_space<hbm>>
        %dma_start3A_35 = arith.constant 96 : i32
        %dma_start3A_36 = tpu.memref_slice %arg7[%add3A_18, %dma_start3A_35] : memref<80000x128xf32, #tpu.memory_space<hbm>> -> memref<250x32xf32, #tpu.memory_space<hbm>>
        %dma_start3A_37 = arith.constant 750 : i32
        %dma_start3A_38 = arith.constant 0 : i32
        %dma_start3A_39 = tpu.memref_slice %arg11[%dma_start3A_37, %dma_start3A_38] : memref<1000x32xf32, #tpu.memory_space<vmem>> -> memref<250x32xf32, #tpu.memory_space<vmem>>
        tpu.enqueue_dma source(%dma_start3A_39 : memref<250x32xf32, #tpu.memory_space<vmem>>) target(%dma_start3A_36 : memref<250x32xf32, #tpu.memory_space<hbm>>) target_semaphore(%run_scoped3A : memref<!tpu.dma_semaphore, #tpu.memory_space<semaphore_mem>>)
        %dma_wait3A_40 = arith.constant 750 : i32
        %dma_wait3A_41 = arith.constant 0 : i32
        %dma_wait3A_42 = tpu.memref_slice %arg11[%dma_wait3A_40, %dma_wait3A_41] : memref<1000x32xf32, #tpu.memory_space<vmem>> -> memref<250x32xf32, #tpu.memory_space<vmem>>
        %dma_wait3A_43 = arith.constant 96 : i32
        %dma_wait3A_44 = tpu.memref_slice %arg7[%add3A_18, %dma_wait3A_43] : memref<80000x128xf32, #tpu.memory_space<hbm>> -> memref<250x32xf32, #tpu.memory_space<hbm>>
        %dma_wait3A_45 = arith.constant 96 : i32
        %dma_wait3A_46 = tpu.memref_slice %arg7[%add3A_18, %dma_wait3A_45] : memref<80000x128xf32, #tpu.memory_space<hbm>> -> memref<250x32xf32, #tpu.memory_space<hbm>>
        %dma_wait3A_47 = arith.constant 750 : i32
        %dma_wait3A_48 = arith.constant 0 : i32
        %dma_wait3A_49 = tpu.memref_slice %arg11[%dma_wait3A_47, %dma_wait3A_48] : memref<1000x32xf32, #tpu.memory_space<vmem>> -> memref<250x32xf32, #tpu.memory_space<vmem>>
        tpu.wait_dma2 semaphore(%run_scoped3A : memref<!tpu.dma_semaphore, #tpu.memory_space<semaphore_mem>>) src(%dma_wait3A_49 : memref<250x32xf32, #tpu.memory_space<vmem>>) dst(%dma_wait3A_46 : memref<250x32xf32, #tpu.memory_space<hbm>>)
        tpu.yield
      }) : () -> ()
      %scan3A_29 = arith.constant 0 : i32
      scf.yield %scan3A_29 : i32
    }
    %scan3A_6 = arith.constant 10 : i32
    return
  }
}

#map = affine_map<(d0, d1) -> (0, 0)>
#map1 = affine_map<(d0, d1) -> (0)>
module attributes {stable_mosaic.version = 14 : i64} {
  func.func @gather(%arg0: i32, %arg1: i32, %arg2: memref<10000x32xf32, #tpu.memory_space<hbm>>, %arg3: memref<10000x32xf32, #tpu.memory_space<hbm>>, %arg4: memref<320000xi32, #tpu.memory_space<hbm>>, %arg5: memref<320000xi32, #tpu.memory_space<hbm>>, %arg6: memref<80000x128xf32, #tpu.memory_space<hbm>>, %arg7: memref<80000x128xf32, #tpu.memory_space<hbm>>, %arg8: memref<1000xi32, #tpu.memory_space<vmem>>, %arg9: memref<1000xi32, #tpu.memory_space<vmem>>, %arg10: memref<1000x32xf32, #tpu.memory_space<vmem>>, %arg11: memref<1000x32xf32, #tpu.memory_space<vmem>>, %arg12: memref<!tpu.dma_semaphore, #tpu.memory_space<semaphore_mem>>, %arg13: memref<!tpu.dma_semaphore, #tpu.memory_space<semaphore_mem>>) attributes {dimension_semantics = [#tpu.dimension_semantics<core_parallel>, #tpu.dimension_semantics<subcore_parallel>], iteration_bounds = array<i64: 2, 16>, scalar_prefetch = 0 : i64, scratch_operands = 6 : i64, tpu.core_type = #tpu.core_type<sc_vector_subcore>, window_params = [{transform_indices = #map}, {transform_indices = #map}, {transform_indices = #map1}, {transform_indices = #map1}, {transform_indices = #map}, {transform_indices = #map}]} {
    %mul3A = arith.constant 2 : i32
    %mul3A_0 = arith.muli %arg1, %mul3A : i32
    %add3A = arith.addi %mul3A_0, %arg0 : i32
    %scan3A = arith.constant 0 : i32
    %scan3A_1 = arith.constant 0 : i32
    %scan3A_2 = arith.constant 10 : i32
    %scan3A_3 = arith.addi %scan3A_1, %scan3A_2 : i32
    %scan3A_4 = arith.constant 1 : i32
    %scan3A_5 = scf.for %scan3A_7 = %scan3A_1 to %scan3A_3 step %scan3A_4 iter_args(%scan3A_8 = %scan3A) -> (i32)  : i32 {
      %mul3A_9 = arith.constant 10000 : i32
      %mul3A_10 = arith.muli %add3A, %mul3A_9 : i32
      %mul3A_11 = arith.constant 1000 : i32
      %mul3A_12 = arith.muli %scan3A_7, %mul3A_11 : i32
      %add3A_13 = arith.addi %mul3A_10, %mul3A_12 : i32
      %mul3A_14 = arith.constant 2500 : i32
      %mul3A_15 = arith.muli %add3A, %mul3A_14 : i32
      %mul3A_16 = arith.constant 250 : i32
      %mul3A_17 = arith.muli %scan3A_7, %mul3A_16 : i32
      %add3A_18 = arith.addi %mul3A_15, %mul3A_17 : i32
      "tpu.region"() ({
        %run_scoped3A = tpu.sem_alloc : memref<!tpu.dma_semaphore, #tpu.memory_space<semaphore_mem>>
        %dma_start3A_30 = tpu.memref_slice %arg4[%add3A_13] : memref<320000xi32, #tpu.memory_space<hbm>> -> memref<1000xi32, #tpu.memory_space<hbm>>
        %dma_start3A_31 = tpu.memref_slice %arg4[%add3A_13] : memref<320000xi32, #tpu.memory_space<hbm>> -> memref<1000xi32, #tpu.memory_space<hbm>>
        tpu.enqueue_dma source(%dma_start3A_31 : memref<1000xi32, #tpu.memory_space<hbm>>) target(%arg8 : memref<1000xi32, #tpu.memory_space<vmem>>) target_semaphore(%run_scoped3A : memref<!tpu.dma_semaphore, #tpu.memory_space<semaphore_mem>>)
        %dma_wait3A_32 = tpu.memref_slice %arg4[%add3A_13] : memref<320000xi32, #tpu.memory_space<hbm>> -> memref<1000xi32, #tpu.memory_space<hbm>>
        %dma_wait3A_33 = tpu.memref_slice %arg4[%add3A_13] : memref<320000xi32, #tpu.memory_space<hbm>> -> memref<1000xi32, #tpu.memory_space<hbm>>
        tpu.wait_dma2 semaphore(%run_scoped3A : memref<!tpu.dma_semaphore, #tpu.memory_space<semaphore_mem>>) src(%dma_wait3A_33 : memref<1000xi32, #tpu.memory_space<hbm>>) dst(%arg8 : memref<1000xi32, #tpu.memory_space<vmem>>)
        tpu.yield
      }) : () -> ()
      "tpu.region"() ({
        %run_scoped3A = tpu.sem_alloc : memref<!tpu.dma_semaphore, #tpu.memory_space<semaphore_mem>>
        %dma_start3A_30 = tpu.memref_slice %arg5[%add3A_13] : memref<320000xi32, #tpu.memory_space<hbm>> -> memref<1000xi32, #tpu.memory_space<hbm>>
        %dma_start3A_31 = tpu.memref_slice %arg5[%add3A_13] : memref<320000xi32, #tpu.memory_space<hbm>> -> memref<1000xi32, #tpu.memory_space<hbm>>
        tpu.enqueue_dma source(%dma_start3A_31 : memref<1000xi32, #tpu.memory_space<hbm>>) target(%arg9 : memref<1000xi32, #tpu.memory_space<vmem>>) target_semaphore(%run_scoped3A : memref<!tpu.dma_semaphore, #tpu.memory_space<semaphore_mem>>)
        %dma_wait3A_32 = tpu.memref_slice %arg5[%add3A_13] : memref<320000xi32, #tpu.memory_space<hbm>> -> memref<1000xi32, #tpu.memory_space<hbm>>
        %dma_wait3A_33 = tpu.memref_slice %arg5[%add3A_13] : memref<320000xi32, #tpu.memory_space<hbm>> -> memref<1000xi32, #tpu.memory_space<hbm>>
        tpu.wait_dma2 semaphore(%run_scoped3A : memref<!tpu.dma_semaphore, #tpu.memory_space<semaphore_mem>>) src(%dma_wait3A_33 : memref<1000xi32, #tpu.memory_space<hbm>>) dst(%arg9 : memref<1000xi32, #tpu.memory_space<vmem>>)
        tpu.yield
      }) : () -> ()
      %dma_start3A = arith.constant 0 : i32
      %dma_start3A_19 = arith.constant 0 : i32
      %dma_start3A_20 = tpu.memref_slice %arg2[%dma_start3A, %dma_start3A_19] : memref<10000x32xf32, #tpu.memory_space<hbm>> -> memref<10000x32xf32, #tpu.memory_space<hbm>>
      tpu.enqueue_indirect_dma source(%dma_start3A_20 : memref<10000x32xf32, #tpu.memory_space<hbm>>) target(%arg10 : memref<1000x32xf32, #tpu.memory_space<vmem>>) offsets(%arg8 : memref<1000xi32, #tpu.memory_space<vmem>>) semaphore(%arg12 : memref<!tpu.dma_semaphore, #tpu.memory_space<semaphore_mem>>)
      %dma_start3A_21 = arith.constant 0 : i32
      %dma_start3A_22 = arith.constant 0 : i32
      %dma_start3A_23 = tpu.memref_slice %arg3[%dma_start3A_21, %dma_start3A_22] : memref<10000x32xf32, #tpu.memory_space<hbm>> -> memref<10000x32xf32, #tpu.memory_space<hbm>>
      tpu.enqueue_indirect_dma source(%dma_start3A_23 : memref<10000x32xf32, #tpu.memory_space<hbm>>) target(%arg11 : memref<1000x32xf32, #tpu.memory_space<vmem>>) offsets(%arg9 : memref<1000xi32, #tpu.memory_space<vmem>>) semaphore(%arg13 : memref<!tpu.dma_semaphore, #tpu.memory_space<semaphore_mem>>)
      %dma_wait3A = arith.constant 0 : i32
      %dma_wait3A_24 = arith.constant 0 : i32
      %dma_wait3A_25 = tpu.memref_slice %arg2[%dma_wait3A, %dma_wait3A_24] : memref<10000x32xf32, #tpu.memory_space<hbm>> -> memref<10000x32xf32, #tpu.memory_space<hbm>>
      tpu.wait_indirect_dma semaphore(%arg12 : memref<!tpu.dma_semaphore, #tpu.memory_space<semaphore_mem>>) src(%dma_wait3A_25 : memref<10000x32xf32, #tpu.memory_space<hbm>>) dst(%arg10 : memref<1000x32xf32, #tpu.memory_space<vmem>>)
      %dma_wait3A_26 = arith.constant 0 : i32
      %dma_wait3A_27 = arith.constant 0 : i32
      %dma_wait3A_28 = tpu.memref_slice %arg3[%dma_wait3A_26, %dma_wait3A_27] : memref<10000x32xf32, #tpu.memory_space<hbm>> -> memref<10000x32xf32, #tpu.memory_space<hbm>>
      tpu.wait_indirect_dma semaphore(%arg13 : memref<!tpu.dma_semaphore, #tpu.memory_space<semaphore_mem>>) src(%dma_wait3A_28 : memref<10000x32xf32, #tpu.memory_space<hbm>>) dst(%arg11 : memref<1000x32xf32, #tpu.memory_space<vmem>>)
      "tpu.region"() ({
        %run_scoped3A = tpu.sem_alloc : memref<!tpu.dma_semaphore, #tpu.memory_space<semaphore_mem>>
        %dma_start3A_30 = arith.constant 0 : i32
        %dma_start3A_31 = arith.constant 0 : i32
        %dma_start3A_32 = tpu.memref_slice %arg10[%dma_start3A_30, %dma_start3A_31] : memref<1000x32xf32, #tpu.memory_space<vmem>> -> memref<250x32xf32, #tpu.memory_space<vmem>>
        %dma_start3A_33 = arith.constant 0 : i32
        %dma_start3A_34 = tpu.memref_slice %arg6[%add3A_18, %dma_start3A_33] : memref<80000x128xf32, #tpu.memory_space<hbm>> -> memref<250x32xf32, #tpu.memory_space<hbm>>
        %dma_start3A_35 = arith.constant 0 : i32
        %dma_start3A_36 = tpu.memref_slice %arg6[%add3A_18, %dma_start3A_35] : memref<80000x128xf32, #tpu.memory_space<hbm>> -> memref<250x32xf32, #tpu.memory_space<hbm>>
        %dma_start3A_37 = arith.constant 0 : i32
        %dma_start3A_38 = arith.constant 0 : i32
        %dma_start3A_39 = tpu.memref_slice %arg10[%dma_start3A_37, %dma_start3A_38] : memref<1000x32xf32, #tpu.memory_space<vmem>> -> memref<250x32xf32, #tpu.memory_space<vmem>>
        tpu.enqueue_dma source(%dma_start3A_39 : memref<250x32xf32, #tpu.memory_space<vmem>>) target(%dma_start3A_36 : memref<250x32xf32, #tpu.memory_space<hbm>>) target_semaphore(%run_scoped3A : memref<!tpu.dma_semaphore, #tpu.memory_space<semaphore_mem>>)
        %dma_wait3A_40 = arith.constant 0 : i32
        %dma_wait3A_41 = arith.constant 0 : i32
        %dma_wait3A_42 = tpu.memref_slice %arg10[%dma_wait3A_40, %dma_wait3A_41] : memref<1000x32xf32, #tpu.memory_space<vmem>> -> memref<250x32xf32, #tpu.memory_space<vmem>>
        %dma_wait3A_43 = arith.constant 0 : i32
        %dma_wait3A_44 = tpu.memref_slice %arg6[%add3A_18, %dma_wait3A_43] : memref<80000x128xf32, #tpu.memory_space<hbm>> -> memref<250x32xf32, #tpu.memory_space<hbm>>
        %dma_wait3A_45 = arith.constant 0 : i32
        %dma_wait3A_46 = tpu.memref_slice %arg6[%add3A_18, %dma_wait3A_45] : memref<80000x128xf32, #tpu.memory_space<hbm>> -> memref<250x32xf32, #tpu.memory_space<hbm>>
        %dma_wait3A_47 = arith.constant 0 : i32
        %dma_wait3A_48 = arith.constant 0 : i32
        %dma_wait3A_49 = tpu.memref_slice %arg10[%dma_wait3A_47, %dma_wait3A_48] : memref<1000x32xf32, #tpu.memory_space<vmem>> -> memref<250x32xf32, #tpu.memory_space<vmem>>
        tpu.wait_dma2 semaphore(%run_scoped3A : memref<!tpu.dma_semaphore, #tpu.memory_space<semaphore_mem>>) src(%dma_wait3A_49 : memref<250x32xf32, #tpu.memory_space<vmem>>) dst(%dma_wait3A_46 : memref<250x32xf32, #tpu.memory_space<hbm>>)
        tpu.yield
      }) : () -> ()
      "tpu.region"() ({
        %run_scoped3A = tpu.sem_alloc : memref<!tpu.dma_semaphore, #tpu.memory_space<semaphore_mem>>
        %dma_start3A_30 = arith.constant 0 : i32
        %dma_start3A_31 = arith.constant 0 : i32
        %dma_start3A_32 = tpu.memref_slice %arg11[%dma_start3A_30, %dma_start3A_31] : memref<1000x32xf32, #tpu.memory_space<vmem>> -> memref<250x32xf32, #tpu.memory_space<vmem>>
        %dma_start3A_33 = arith.constant 0 : i32
        %dma_start3A_34 = tpu.memref_slice %arg7[%add3A_18, %dma_start3A_33] : memref<80000x128xf32, #tpu.memory_space<hbm>> -> memref<250x32xf32, #tpu.memory_space<hbm>>
        %dma_start3A_35 = arith.constant 0 : i32
        %dma_start3A_36 = tpu.memref_slice %arg7[%add3A_18, %dma_start3A_35] : memref<80000x128xf32, #tpu.memory_space<hbm>> -> memref<250x32xf32, #tpu.memory_space<hbm>>
        %dma_start3A_37 = arith.constant 0 : i32
        %dma_start3A_38 = arith.constant 0 : i32
        %dma_start3A_39 = tpu.memref_slice %arg11[%dma_start3A_37, %dma_start3A_38] : memref<1000x32xf32, #tpu.memory_space<vmem>> -> memref<250x32xf32, #tpu.memory_space<vmem>>
        tpu.enqueue_dma source(%dma_start3A_39 : memref<250x32xf32, #tpu.memory_space<vmem>>) target(%dma_start3A_36 : memref<250x32xf32, #tpu.memory_space<hbm>>) target_semaphore(%run_scoped3A : memref<!tpu.dma_semaphore, #tpu.memory_space<semaphore_mem>>)
        %dma_wait3A_40 = arith.constant 0 : i32
        %dma_wait3A_41 = arith.constant 0 : i32
        %dma_wait3A_42 = tpu.memref_slice %arg11[%dma_wait3A_40, %dma_wait3A_41] : memref<1000x32xf32, #tpu.memory_space<vmem>> -> memref<250x32xf32, #tpu.memory_space<vmem>>
        %dma_wait3A_43 = arith.constant 0 : i32
        %dma_wait3A_44 = tpu.memref_slice %arg7[%add3A_18, %dma_wait3A_43] : memref<80000x128xf32, #tpu.memory_space<hbm>> -> memref<250x32xf32, #tpu.memory_space<hbm>>
        %dma_wait3A_45 = arith.constant 0 : i32
        %dma_wait3A_46 = tpu.memref_slice %arg7[%add3A_18, %dma_wait3A_45] : memref<80000x128xf32, #tpu.memory_space<hbm>> -> memref<250x32xf32, #tpu.memory_space<hbm>>
        %dma_wait3A_47 = arith.constant 0 : i32
        %dma_wait3A_48 = arith.constant 0 : i32
        %dma_wait3A_49 = tpu.memref_slice %arg11[%dma_wait3A_47, %dma_wait3A_48] : memref<1000x32xf32, #tpu.memory_space<vmem>> -> memref<250x32xf32, #tpu.memory_space<vmem>>
        tpu.wait_dma2 semaphore(%run_scoped3A : memref<!tpu.dma_semaphore, #tpu.memory_space<semaphore_mem>>) src(%dma_wait3A_49 : memref<250x32xf32, #tpu.memory_space<vmem>>) dst(%dma_wait3A_46 : memref<250x32xf32, #tpu.memory_space<hbm>>)
        tpu.yield
      }) : () -> ()
      "tpu.region"() ({
        %run_scoped3A = tpu.sem_alloc : memref<!tpu.dma_semaphore, #tpu.memory_space<semaphore_mem>>
        %dma_start3A_30 = arith.constant 250 : i32
        %dma_start3A_31 = arith.constant 0 : i32
        %dma_start3A_32 = tpu.memref_slice %arg10[%dma_start3A_30, %dma_start3A_31] : memref<1000x32xf32, #tpu.memory_space<vmem>> -> memref<250x32xf32, #tpu.memory_space<vmem>>
        %dma_start3A_33 = arith.constant 32 : i32
        %dma_start3A_34 = tpu.memref_slice %arg6[%add3A_18, %dma_start3A_33] : memref<80000x128xf32, #tpu.memory_space<hbm>> -> memref<250x32xf32, #tpu.memory_space<hbm>>
        %dma_start3A_35 = arith.constant 32 : i32
        %dma_start3A_36 = tpu.memref_slice %arg6[%add3A_18, %dma_start3A_35] : memref<80000x128xf32, #tpu.memory_space<hbm>> -> memref<250x32xf32, #tpu.memory_space<hbm>>
        %dma_start3A_37 = arith.constant 250 : i32
        %dma_start3A_38 = arith.constant 0 : i32
        %dma_start3A_39 = tpu.memref_slice %arg10[%dma_start3A_37, %dma_start3A_38] : memref<1000x32xf32, #tpu.memory_space<vmem>> -> memref<250x32xf32, #tpu.memory_space<vmem>>
        tpu.enqueue_dma source(%dma_start3A_39 : memref<250x32xf32, #tpu.memory_space<vmem>>) target(%dma_start3A_36 : memref<250x32xf32, #tpu.memory_space<hbm>>) target_semaphore(%run_scoped3A : memref<!tpu.dma_semaphore, #tpu.memory_space<semaphore_mem>>)
        %dma_wait3A_40 = arith.constant 250 : i32
        %dma_wait3A_41 = arith.constant 0 : i32
        %dma_wait3A_42 = tpu.memref_slice %arg10[%dma_wait3A_40, %dma_wait3A_41] : memref<1000x32xf32, #tpu.memory_space<vmem>> -> memref<250x32xf32, #tpu.memory_space<vmem>>
        %dma_wait3A_43 = arith.constant 32 : i32
        %dma_wait3A_44 = tpu.memref_slice %arg6[%add3A_18, %dma_wait3A_43] : memref<80000x128xf32, #tpu.memory_space<hbm>> -> memref<250x32xf32, #tpu.memory_space<hbm>>
        %dma_wait3A_45 = arith.constant 32 : i32
        %dma_wait3A_46 = tpu.memref_slice %arg6[%add3A_18, %dma_wait3A_45] : memref<80000x128xf32, #tpu.memory_space<hbm>> -> memref<250x32xf32, #tpu.memory_space<hbm>>
        %dma_wait3A_47 = arith.constant 250 : i32
        %dma_wait3A_48 = arith.constant 0 : i32
        %dma_wait3A_49 = tpu.memref_slice %arg10[%dma_wait3A_47, %dma_wait3A_48] : memref<1000x32xf32, #tpu.memory_space<vmem>> -> memref<250x32xf32, #tpu.memory_space<vmem>>
        tpu.wait_dma2 semaphore(%run_scoped3A : memref<!tpu.dma_semaphore, #tpu.memory_space<semaphore_mem>>) src(%dma_wait3A_49 : memref<250x32xf32, #tpu.memory_space<vmem>>) dst(%dma_wait3A_46 : memref<250x32xf32, #tpu.memory_space<hbm>>)
        tpu.yield
      }) : () -> ()
      "tpu.region"() ({
        %run_scoped3A = tpu.sem_alloc : memref<!tpu.dma_semaphore, #tpu.memory_space<semaphore_mem>>
        %dma_start3A_30 = arith.constant 250 : i32
        %dma_start3A_31 = arith.constant 0 : i32
        %dma_start3A_32 = tpu.memref_slice %arg11[%dma_start3A_30, %dma_start3A_31] : memref<1000x32xf32, #tpu.memory_space<vmem>> -> memref<250x32xf32, #tpu.memory_space<vmem>>
        %dma_start3A_33 = arith.constant 32 : i32
        %dma_start3A_34 = tpu.memref_slice %arg7[%add3A_18, %dma_start3A_33] : memref<80000x128xf32, #tpu.memory_space<hbm>> -> memref<250x32xf32, #tpu.memory_space<hbm>>
        %dma_start3A_35 = arith.constant 32 : i32
        %dma_start3A_36 = tpu.memref_slice %arg7[%add3A_18, %dma_start3A_35] : memref<80000x128xf32, #tpu.memory_space<hbm>> -> memref<250x32xf32, #tpu.memory_space<hbm>>
        %dma_start3A_37 = arith.constant 250 : i32
        %dma_start3A_38 = arith.constant 0 : i32
        %dma_start3A_39 = tpu.memref_slice %arg11[%dma_start3A_37, %dma_start3A_38] : memref<1000x32xf32, #tpu.memory_space<vmem>> -> memref<250x32xf32, #tpu.memory_space<vmem>>
        tpu.enqueue_dma source(%dma_start3A_39 : memref<250x32xf32, #tpu.memory_space<vmem>>) target(%dma_start3A_36 : memref<250x32xf32, #tpu.memory_space<hbm>>) target_semaphore(%run_scoped3A : memref<!tpu.dma_semaphore, #tpu.memory_space<semaphore_mem>>)
        %dma_wait3A_40 = arith.constant 250 : i32
        %dma_wait3A_41 = arith.constant 0 : i32
        %dma_wait3A_42 = tpu.memref_slice %arg11[%dma_wait3A_40, %dma_wait3A_41] : memref<1000x32xf32, #tpu.memory_space<vmem>> -> memref<250x32xf32, #tpu.memory_space<vmem>>
        %dma_wait3A_43 = arith.constant 32 : i32
        %dma_wait3A_44 = tpu.memref_slice %arg7[%add3A_18, %dma_wait3A_43] : memref<80000x128xf32, #tpu.memory_space<hbm>> -> memref<250x32xf32, #tpu.memory_space<hbm>>
        %dma_wait3A_45 = arith.constant 32 : i32
        %dma_wait3A_46 = tpu.memref_slice %arg7[%add3A_18, %dma_wait3A_45] : memref<80000x128xf32, #tpu.memory_space<hbm>> -> memref<250x32xf32, #tpu.memory_space<hbm>>
        %dma_wait3A_47 = arith.constant 250 : i32
        %dma_wait3A_48 = arith.constant 0 : i32
        %dma_wait3A_49 = tpu.memref_slice %arg11[%dma_wait3A_47, %dma_wait3A_48] : memref<1000x32xf32, #tpu.memory_space<vmem>> -> memref<250x32xf32, #tpu.memory_space<vmem>>
        tpu.wait_dma2 semaphore(%run_scoped3A : memref<!tpu.dma_semaphore, #tpu.memory_space<semaphore_mem>>) src(%dma_wait3A_49 : memref<250x32xf32, #tpu.memory_space<vmem>>) dst(%dma_wait3A_46 : memref<250x32xf32, #tpu.memory_space<hbm>>)
        tpu.yield
      }) : () -> ()
      "tpu.region"() ({
        %run_scoped3A = tpu.sem_alloc : memref<!tpu.dma_semaphore, #tpu.memory_space<semaphore_mem>>
        %dma_start3A_30 = arith.constant 500 : i32
        %dma_start3A_31 = arith.constant 0 : i32
        %dma_start3A_32 = tpu.memref_slice %arg10[%dma_start3A_30, %dma_start3A_31] : memref<1000x32xf32, #tpu.memory_space<vmem>> -> memref<250x32xf32, #tpu.memory_space<vmem>>
        %dma_start3A_33 = arith.constant 64 : i32
        %dma_start3A_34 = tpu.memref_slice %arg6[%add3A_18, %dma_start3A_33] : memref<80000x128xf32, #tpu.memory_space<hbm>> -> memref<250x32xf32, #tpu.memory_space<hbm>>
        %dma_start3A_35 = arith.constant 64 : i32
        %dma_start3A_36 = tpu.memref_slice %arg6[%add3A_18, %dma_start3A_35] : memref<80000x128xf32, #tpu.memory_space<hbm>> -> memref<250x32xf32, #tpu.memory_space<hbm>>
        %dma_start3A_37 = arith.constant 500 : i32
        %dma_start3A_38 = arith.constant 0 : i32
        %dma_start3A_39 = tpu.memref_slice %arg10[%dma_start3A_37, %dma_start3A_38] : memref<1000x32xf32, #tpu.memory_space<vmem>> -> memref<250x32xf32, #tpu.memory_space<vmem>>
        tpu.enqueue_dma source(%dma_start3A_39 : memref<250x32xf32, #tpu.memory_space<vmem>>) target(%dma_start3A_36 : memref<250x32xf32, #tpu.memory_space<hbm>>) target_semaphore(%run_scoped3A : memref<!tpu.dma_semaphore, #tpu.memory_space<semaphore_mem>>)
        %dma_wait3A_40 = arith.constant 500 : i32
        %dma_wait3A_41 = arith.constant 0 : i32
        %dma_wait3A_42 = tpu.memref_slice %arg10[%dma_wait3A_40, %dma_wait3A_41] : memref<1000x32xf32, #tpu.memory_space<vmem>> -> memref<250x32xf32, #tpu.memory_space<vmem>>
        %dma_wait3A_43 = arith.constant 64 : i32
        %dma_wait3A_44 = tpu.memref_slice %arg6[%add3A_18, %dma_wait3A_43] : memref<80000x128xf32, #tpu.memory_space<hbm>> -> memref<250x32xf32, #tpu.memory_space<hbm>>
        %dma_wait3A_45 = arith.constant 64 : i32
        %dma_wait3A_46 = tpu.memref_slice %arg6[%add3A_18, %dma_wait3A_45] : memref<80000x128xf32, #tpu.memory_space<hbm>> -> memref<250x32xf32, #tpu.memory_space<hbm>>
        %dma_wait3A_47 = arith.constant 500 : i32
        %dma_wait3A_48 = arith.constant 0 : i32
        %dma_wait3A_49 = tpu.memref_slice %arg10[%dma_wait3A_47, %dma_wait3A_48] : memref<1000x32xf32, #tpu.memory_space<vmem>> -> memref<250x32xf32, #tpu.memory_space<vmem>>
        tpu.wait_dma2 semaphore(%run_scoped3A : memref<!tpu.dma_semaphore, #tpu.memory_space<semaphore_mem>>) src(%dma_wait3A_49 : memref<250x32xf32, #tpu.memory_space<vmem>>) dst(%dma_wait3A_46 : memref<250x32xf32, #tpu.memory_space<hbm>>)
        tpu.yield
      }) : () -> ()
      "tpu.region"() ({
        %run_scoped3A = tpu.sem_alloc : memref<!tpu.dma_semaphore, #tpu.memory_space<semaphore_mem>>
        %dma_start3A_30 = arith.constant 500 : i32
        %dma_start3A_31 = arith.constant 0 : i32
        %dma_start3A_32 = tpu.memref_slice %arg11[%dma_start3A_30, %dma_start3A_31] : memref<1000x32xf32, #tpu.memory_space<vmem>> -> memref<250x32xf32, #tpu.memory_space<vmem>>
        %dma_start3A_33 = arith.constant 64 : i32
        %dma_start3A_34 = tpu.memref_slice %arg7[%add3A_18, %dma_start3A_33] : memref<80000x128xf32, #tpu.memory_space<hbm>> -> memref<250x32xf32, #tpu.memory_space<hbm>>
        %dma_start3A_35 = arith.constant 64 : i32
        %dma_start3A_36 = tpu.memref_slice %arg7[%add3A_18, %dma_start3A_35] : memref<80000x128xf32, #tpu.memory_space<hbm>> -> memref<250x32xf32, #tpu.memory_space<hbm>>
        %dma_start3A_37 = arith.constant 500 : i32
        %dma_start3A_38 = arith.constant 0 : i32
        %dma_start3A_39 = tpu.memref_slice %arg11[%dma_start3A_37, %dma_start3A_38] : memref<1000x32xf32, #tpu.memory_space<vmem>> -> memref<250x32xf32, #tpu.memory_space<vmem>>
        tpu.enqueue_dma source(%dma_start3A_39 : memref<250x32xf32, #tpu.memory_space<vmem>>) target(%dma_start3A_36 : memref<250x32xf32, #tpu.memory_space<hbm>>) target_semaphore(%run_scoped3A : memref<!tpu.dma_semaphore, #tpu.memory_space<semaphore_mem>>)
        %dma_wait3A_40 = arith.constant 500 : i32
        %dma_wait3A_41 = arith.constant 0 : i32
        %dma_wait3A_42 = tpu.memref_slice %arg11[%dma_wait3A_40, %dma_wait3A_41] : memref<1000x32xf32, #tpu.memory_space<vmem>> -> memref<250x32xf32, #tpu.memory_space<vmem>>
        %dma_wait3A_43 = arith.constant 64 : i32
        %dma_wait3A_44 = tpu.memref_slice %arg7[%add3A_18, %dma_wait3A_43] : memref<80000x128xf32, #tpu.memory_space<hbm>> -> memref<250x32xf32, #tpu.memory_space<hbm>>
        %dma_wait3A_45 = arith.constant 64 : i32
        %dma_wait3A_46 = tpu.memref_slice %arg7[%add3A_18, %dma_wait3A_45] : memref<80000x128xf32, #tpu.memory_space<hbm>> -> memref<250x32xf32, #tpu.memory_space<hbm>>
        %dma_wait3A_47 = arith.constant 500 : i32
        %dma_wait3A_48 = arith.constant 0 : i32
        %dma_wait3A_49 = tpu.memref_slice %arg11[%dma_wait3A_47, %dma_wait3A_48] : memref<1000x32xf32, #tpu.memory_space<vmem>> -> memref<250x32xf32, #tpu.memory_space<vmem>>
        tpu.wait_dma2 semaphore(%run_scoped3A : memref<!tpu.dma_semaphore, #tpu.memory_space<semaphore_mem>>) src(%dma_wait3A_49 : memref<250x32xf32, #tpu.memory_space<vmem>>) dst(%dma_wait3A_46 : memref<250x32xf32, #tpu.memory_space<hbm>>)
        tpu.yield
      }) : () -> ()
      "tpu.region"() ({
        %run_scoped3A = tpu.sem_alloc : memref<!tpu.dma_semaphore, #tpu.memory_space<semaphore_mem>>
        %dma_start3A_30 = arith.constant 750 : i32
        %dma_start3A_31 = arith.constant 0 : i32
        %dma_start3A_32 = tpu.memref_slice %arg10[%dma_start3A_30, %dma_start3A_31] : memref<1000x32xf32, #tpu.memory_space<vmem>> -> memref<250x32xf32, #tpu.memory_space<vmem>>
        %dma_start3A_33 = arith.constant 96 : i32
        %dma_start3A_34 = tpu.memref_slice %arg6[%add3A_18, %dma_start3A_33] : memref<80000x128xf32, #tpu.memory_space<hbm>> -> memref<250x32xf32, #tpu.memory_space<hbm>>
        %dma_start3A_35 = arith.constant 96 : i32
        %dma_start3A_36 = tpu.memref_slice %arg6[%add3A_18, %dma_start3A_35] : memref<80000x128xf32, #tpu.memory_space<hbm>> -> memref<250x32xf32, #tpu.memory_space<hbm>>
        %dma_start3A_37 = arith.constant 750 : i32
        %dma_start3A_38 = arith.constant 0 : i32
        %dma_start3A_39 = tpu.memref_slice %arg10[%dma_start3A_37, %dma_start3A_38] : memref<1000x32xf32, #tpu.memory_space<vmem>> -> memref<250x32xf32, #tpu.memory_space<vmem>>
        tpu.enqueue_dma source(%dma_start3A_39 : memref<250x32xf32, #tpu.memory_space<vmem>>) target(%dma_start3A_36 : memref<250x32xf32, #tpu.memory_space<hbm>>) target_semaphore(%run_scoped3A : memref<!tpu.dma_semaphore, #tpu.memory_space<semaphore_mem>>)
        %dma_wait3A_40 = arith.constant 750 : i32
        %dma_wait3A_41 = arith.constant 0 : i32
        %dma_wait3A_42 = tpu.memref_slice %arg10[%dma_wait3A_40, %dma_wait3A_41] : memref<1000x32xf32, #tpu.memory_space<vmem>> -> memref<250x32xf32, #tpu.memory_space<vmem>>
        %dma_wait3A_43 = arith.constant 96 : i32
        %dma_wait3A_44 = tpu.memref_slice %arg6[%add3A_18, %dma_wait3A_43] : memref<80000x128xf32, #tpu.memory_space<hbm>> -> memref<250x32xf32, #tpu.memory_space<hbm>>
        %dma_wait3A_45 = arith.constant 96 : i32
        %dma_wait3A_46 = tpu.memref_slice %arg6[%add3A_18, %dma_wait3A_45] : memref<80000x128xf32, #tpu.memory_space<hbm>> -> memref<250x32xf32, #tpu.memory_space<hbm>>
        %dma_wait3A_47 = arith.constant 750 : i32
        %dma_wait3A_48 = arith.constant 0 : i32
        %dma_wait3A_49 = tpu.memref_slice %arg10[%dma_wait3A_47, %dma_wait3A_48] : memref<1000x32xf32, #tpu.memory_space<vmem>> -> memref<250x32xf32, #tpu.memory_space<vmem>>
        tpu.wait_dma2 semaphore(%run_scoped3A : memref<!tpu.dma_semaphore, #tpu.memory_space<semaphore_mem>>) src(%dma_wait3A_49 : memref<250x32xf32, #tpu.memory_space<vmem>>) dst(%dma_wait3A_46 : memref<250x32xf32, #tpu.memory_space<hbm>>)
        tpu.yield
      }) : () -> ()
      "tpu.region"() ({
        %run_scoped3A = tpu.sem_alloc : memref<!tpu.dma_semaphore, #tpu.memory_space<semaphore_mem>>
        %dma_start3A_30 = arith.constant 750 : i32
        %dma_start3A_31 = arith.constant 0 : i32
        %dma_start3A_32 = tpu.memref_slice %arg11[%dma_start3A_30, %dma_start3A_31] : memref<1000x32xf32, #tpu.memory_space<vmem>> -> memref<250x32xf32, #tpu.memory_space<vmem>>
        %dma_start3A_33 = arith.constant 96 : i32
        %dma_start3A_34 = tpu.memref_slice %arg7[%add3A_18, %dma_start3A_33] : memref<80000x128xf32, #tpu.memory_space<hbm>> -> memref<250x32xf32, #tpu.memory_space<hbm>>
        %dma_start3A_35 = arith.constant 96 : i32
        %dma_start3A_36 = tpu.memref_slice %arg7[%add3A_18, %dma_start3A_35] : memref<80000x128xf32, #tpu.memory_space<hbm>> -> memref<250x32xf32, #tpu.memory_space<hbm>>
        %dma_start3A_37 = arith.constant 750 : i32
        %dma_start3A_38 = arith.constant 0 : i32
        %dma_start3A_39 = tpu.memref_slice %arg11[%dma_start3A_37, %dma_start3A_38] : memref<1000x32xf32, #tpu.memory_space<vmem>> -> memref<250x32xf32, #tpu.memory_space<vmem>>
        tpu.enqueue_dma source(%dma_start3A_39 : memref<250x32xf32, #tpu.memory_space<vmem>>) target(%dma_start3A_36 : memref<250x32xf32, #tpu.memory_space<hbm>>) target_semaphore(%run_scoped3A : memref<!tpu.dma_semaphore, #tpu.memory_space<semaphore_mem>>)
        %dma_wait3A_40 = arith.constant 750 : i32
        %dma_wait3A_41 = arith.constant 0 : i32
        %dma_wait3A_42 = tpu.memref_slice %arg11[%dma_wait3A_40, %dma_wait3A_41] : memref<1000x32xf32, #tpu.memory_space<vmem>> -> memref<250x32xf32, #tpu.memory_space<vmem>>
        %dma_wait3A_43 = arith.constant 96 : i32
        %dma_wait3A_44 = tpu.memref_slice %arg7[%add3A_18, %dma_wait3A_43] : memref<80000x128xf32, #tpu.memory_space<hbm>> -> memref<250x32xf32, #tpu.memory_space<hbm>>
        %dma_wait3A_45 = arith.constant 96 : i32
        %dma_wait3A_46 = tpu.memref_slice %arg7[%add3A_18, %dma_wait3A_45] : memref<80000x128xf32, #tpu.memory_space<hbm>> -> memref<250x32xf32, #tpu.memory_space<hbm>>
        %dma_wait3A_47 = arith.constant 750 : i32
        %dma_wait3A_48 = arith.constant 0 : i32
        %dma_wait3A_49 = tpu.memref_slice %arg11[%dma_wait3A_47, %dma_wait3A_48] : memref<1000x32xf32, #tpu.memory_space<vmem>> -> memref<250x32xf32, #tpu.memory_space<vmem>>
        tpu.wait_dma2 semaphore(%run_scoped3A : memref<!tpu.dma_semaphore, #tpu.memory_space<semaphore_mem>>) src(%dma_wait3A_49 : memref<250x32xf32, #tpu.memory_space<vmem>>) dst(%dma_wait3A_46 : memref<250x32xf32, #tpu.memory_space<hbm>>)
        tpu.yield
      }) : () -> ()
      %scan3A_29 = arith.constant 0 : i32
      scf.yield %scan3A_29 : i32
    }
    %scan3A_6 = arith.constant 10 : i32
    return
  }
}

#map = affine_map<(d0, d1) -> (0, 0)>
#map1 = affine_map<(d0, d1) -> (0)>
#map2 = affine_map<(d0, d1) -> (0, 0, 0)>
module attributes {stable_mosaic.version = 14 : i64} {
  func.func @scatter(%arg0: i32, %arg1: i32, %arg2: memref<80000x128xf32, #tpu.memory_space<hbm>>, %arg3: memref<320000xi32, #tpu.memory_space<hbm>>, %arg4: memref<2x10000x32xf32, #tpu.memory_space<hbm>>, %arg5: memref<2x10000x16xf32, #tpu.memory_space<hbm>>, %arg6: memref<1000xi32, #tpu.memory_space<vmem>>, %arg7: memref<1000x32xf32, #tpu.memory_space<vmem>>, %arg8: memref<625x32xf32, #tpu.memory_space<vmem>>, %arg9: memref<10000x32xf32, #tpu.memory_space<vmem_shared>>, %arg10: memref<1000x16xf32, #tpu.memory_space<vmem>>, %arg11: memref<625x16xf32, #tpu.memory_space<vmem>>, %arg12: memref<10000x16xf32, #tpu.memory_space<vmem_shared>>) attributes {dimension_semantics = [#tpu.dimension_semantics<core_parallel>, #tpu.dimension_semantics<subcore_parallel>], iteration_bounds = array<i64: 2, 16>, scalar_prefetch = 0 : i64, scratch_operands = 7 : i64, tpu.core_type = #tpu.core_type<sc_vector_subcore>, window_params = [{transform_indices = #map}, {transform_indices = #map1}, {transform_indices = #map2}, {transform_indices = #map2}]} {
    %mul3A = arith.constant 2 : i32
    %mul3A_0 = arith.muli %arg1, %mul3A : i32
    %add3A = arith.addi %mul3A_0, %arg0 : i32
    %broadcast_in_dim3A = arith.constant 0.000000e+00 : f32
    %broadcast_in_dim3A_1 = vector.broadcast %broadcast_in_dim3A : f32 to vector<16xf32>
    %broadcast_in_dim3A_2 = arith.constant 1.000000e+00 : f32
    %broadcast_in_dim3A_3 = vector.broadcast %broadcast_in_dim3A_2 : f32 to vector<16xf32>
    %scan3A = arith.constant 0 : i32
    %scan3A_4 = arith.constant 0 : i32
    %scan3A_5 = arith.constant 625 : i32
    %scan3A_6 = arith.addi %scan3A_4, %scan3A_5 : i32
    %scan3A_7 = arith.constant 1 : i32
    %scan3A_8 = scf.for %scan3A_27 = %scan3A_4 to %scan3A_6 step %scan3A_7 iter_args(%scan3A_28 = %scan3A) -> (i32)  : i32 {
      %swap3A = arith.index_cast %scan3A_27 : i32 to index
      %swap3A_29 = arith.constant 0 : index
      %swap3A_30 = tpu.vector_load %arg8[%swap3A, %swap3A_29] {strides = array<i32>} : memref<625x32xf32, #tpu.memory_space<vmem>>, vector<1x16xf32>,
      %swap3A_31 = vector.shape_cast %swap3A_30 : vector<1x16xf32> to vector<16xf32>
      %swap3A_32 = vector.shape_cast %broadcast_in_dim3A_1 : vector<16xf32> to vector<1x16xf32>
      tpu.vector_store %arg8[%swap3A, %swap3A_29], %swap3A_32 {strides = array<i32>} : memref<625x32xf32, #tpu.memory_space<vmem>>, vector<1x16xf32>,
      %swap3A_33 = arith.index_cast %scan3A_27 : i32 to index
      %swap3A_34 = arith.constant 16 : index
      %swap3A_35 = tpu.vector_load %arg8[%swap3A_33, %swap3A_34] {strides = array<i32>} : memref<625x32xf32, #tpu.memory_space<vmem>>, vector<1x16xf32>,
      %swap3A_36 = vector.shape_cast %swap3A_35 : vector<1x16xf32> to vector<16xf32>
      %swap3A_37 = vector.shape_cast %broadcast_in_dim3A_1 : vector<16xf32> to vector<1x16xf32>
      tpu.vector_store %arg8[%swap3A_33, %swap3A_34], %swap3A_37 {strides = array<i32>} : memref<625x32xf32, #tpu.memory_space<vmem>>, vector<1x16xf32>,
      %swap3A_38 = arith.index_cast %scan3A_27 : i32 to index
      %swap3A_39 = arith.constant 0 : index
      %swap3A_40 = tpu.vector_load %arg10[%swap3A_38, %swap3A_39] {strides = array<i32>} : memref<1000x16xf32, #tpu.memory_space<vmem>>, vector<1x16xf32>,
      %swap3A_41 = vector.shape_cast %swap3A_40 : vector<1x16xf32> to vector<16xf32>
      %swap3A_42 = vector.shape_cast %broadcast_in_dim3A_3 : vector<16xf32> to vector<1x16xf32>
      tpu.vector_store %arg10[%swap3A_38, %swap3A_39], %swap3A_42 {strides = array<i32>} : memref<1000x16xf32, #tpu.memory_space<vmem>>, vector<1x16xf32>,
      %swap3A_43 = arith.index_cast %scan3A_27 : i32 to index
      %swap3A_44 = arith.constant 0 : index
      %swap3A_45 = tpu.vector_load %arg11[%swap3A_43, %swap3A_44] {strides = array<i32>} : memref<625x16xf32, #tpu.memory_space<vmem>>, vector<1x16xf32>,
      %swap3A_46 = vector.shape_cast %swap3A_45 : vector<1x16xf32> to vector<16xf32>
      %swap3A_47 = vector.shape_cast %broadcast_in_dim3A_1 : vector<16xf32> to vector<1x16xf32>
      tpu.vector_store %arg11[%swap3A_43, %swap3A_44], %swap3A_47 {strides = array<i32>} : memref<625x16xf32, #tpu.memory_space<vmem>>, vector<1x16xf32>,
      %scan3A_48 = arith.constant 0 : i32
      scf.yield %scan3A_48 : i32
    }
    %scan3A_9 = arith.constant 625 : i32
    %scan3A_10 = arith.constant 0 : i32
    %scan3A_11 = arith.constant 625 : i32
    %scan3A_12 = arith.constant 375 : i32
    %scan3A_13 = arith.addi %scan3A_11, %scan3A_12 : i32
    %scan3A_14 = arith.constant 1 : i32
    %scan3A_15 = scf.for %scan3A_27 = %scan3A_11 to %scan3A_13 step %scan3A_14 iter_args(%scan3A_28 = %scan3A_10) -> (i32)  : i32 {
      %swap3A = arith.index_cast %scan3A_27 : i32 to index
      %swap3A_29 = arith.constant 0 : index
      %swap3A_30 = tpu.vector_load %arg10[%swap3A, %swap3A_29] {strides = array<i32>} : memref<1000x16xf32, #tpu.memory_space<vmem>>, vector<1x16xf32>,
      %swap3A_31 = vector.shape_cast %swap3A_30 : vector<1x16xf32> to vector<16xf32>
      %swap3A_32 = vector.shape_cast %broadcast_in_dim3A_3 : vector<16xf32> to vector<1x16xf32>
      tpu.vector_store %arg10[%swap3A, %swap3A_29], %swap3A_32 {strides = array<i32>} : memref<1000x16xf32, #tpu.memory_space<vmem>>, vector<1x16xf32>,
      %scan3A_33 = arith.constant 0 : i32
      scf.yield %scan3A_33 : i32
    }
    %scan3A_16 = arith.constant 375 : i32
    %mul3A_17 = arith.constant 625 : i32
    %mul3A_18 = arith.muli %arg1, %mul3A_17 : i32
    "tpu.region"() ({
      %run_scoped3A = tpu.sem_alloc : memref<!tpu.dma_semaphore, #tpu.memory_space<semaphore_mem>>
      %dma_start3A = arith.constant 0 : i32
      %dma_start3A_27 = tpu.memref_slice %arg9[%mul3A_18, %dma_start3A] : memref<10000x32xf32, #tpu.memory_space<vmem_shared>> -> memref<625x32xf32, #tpu.memory_space<vmem_shared>>
      %dma_start3A_28 = arith.constant 0 : i32
      %dma_start3A_29 = tpu.memref_slice %arg9[%mul3A_18, %dma_start3A_28] : memref<10000x32xf32, #tpu.memory_space<vmem_shared>> -> memref<625x32xf32, #tpu.memory_space<vmem_shared>>
      tpu.enqueue_dma source(%arg8 : memref<625x32xf32, #tpu.memory_space<vmem>>) target(%dma_start3A_29 : memref<625x32xf32, #tpu.memory_space<vmem_shared>>) target_semaphore(%run_scoped3A : memref<!tpu.dma_semaphore, #tpu.memory_space<semaphore_mem>>)
      %dma_wait3A = arith.constant 0 : i32
      %dma_wait3A_30 = tpu.memref_slice %arg9[%mul3A_18, %dma_wait3A] : memref<10000x32xf32, #tpu.memory_space<vmem_shared>> -> memref<625x32xf32, #tpu.memory_space<vmem_shared>>
      %dma_wait3A_31 = arith.constant 0 : i32
      %dma_wait3A_32 = tpu.memref_slice %arg9[%mul3A_18, %dma_wait3A_31] : memref<10000x32xf32, #tpu.memory_space<vmem_shared>> -> memref<625x32xf32, #tpu.memory_space<vmem_shared>>
      tpu.wait_dma2 semaphore(%run_scoped3A : memref<!tpu.dma_semaphore, #tpu.memory_space<semaphore_mem>>) src(%arg8 : memref<625x32xf32, #tpu.memory_space<vmem>>) dst(%dma_wait3A_32 : memref<625x32xf32, #tpu.memory_space<vmem_shared>>)
      tpu.yield
    }) : () -> ()
    "tpu.region"() ({
      %run_scoped3A = tpu.sem_alloc : memref<!tpu.dma_semaphore, #tpu.memory_space<semaphore_mem>>
      %dma_start3A = arith.constant 0 : i32
      %dma_start3A_27 = tpu.memref_slice %arg12[%mul3A_18, %dma_start3A] : memref<10000x16xf32, #tpu.memory_space<vmem_shared>> -> memref<625x16xf32, #tpu.memory_space<vmem_shared>>
      %dma_start3A_28 = arith.constant 0 : i32
      %dma_start3A_29 = tpu.memref_slice %arg12[%mul3A_18, %dma_start3A_28] : memref<10000x16xf32, #tpu.memory_space<vmem_shared>> -> memref<625x16xf32, #tpu.memory_space<vmem_shared>>
      tpu.enqueue_dma source(%arg11 : memref<625x16xf32, #tpu.memory_space<vmem>>) target(%dma_start3A_29 : memref<625x16xf32, #tpu.memory_space<vmem_shared>>) target_semaphore(%run_scoped3A : memref<!tpu.dma_semaphore, #tpu.memory_space<semaphore_mem>>)
      %dma_wait3A = arith.constant 0 : i32
      %dma_wait3A_30 = tpu.memref_slice %arg12[%mul3A_18, %dma_wait3A] : memref<10000x16xf32, #tpu.memory_space<vmem_shared>> -> memref<625x16xf32, #tpu.memory_space<vmem_shared>>
      %dma_wait3A_31 = arith.constant 0 : i32
      %dma_wait3A_32 = tpu.memref_slice %arg12[%mul3A_18, %dma_wait3A_31] : memref<10000x16xf32, #tpu.memory_space<vmem_shared>> -> memref<625x16xf32, #tpu.memory_space<vmem_shared>>
      tpu.wait_dma2 semaphore(%run_scoped3A : memref<!tpu.dma_semaphore, #tpu.memory_space<semaphore_mem>>) src(%arg11 : memref<625x16xf32, #tpu.memory_space<vmem>>) dst(%dma_wait3A_32 : memref<625x16xf32, #tpu.memory_space<vmem_shared>>)
      tpu.yield
    }) : () -> ()
    %barrier3A = arith.constant 0 : index
    tpu.barrier barrier_id(%barrier3A)
    %scan3A_19 = arith.constant 0 : i32
    %scan3A_20 = arith.constant 0 : i32
    %scan3A_21 = arith.constant 10 : i32
    %scan3A_22 = arith.addi %scan3A_20, %scan3A_21 : i32
    %scan3A_23 = arith.constant 1 : i32
    %scan3A_24 = scf.for %scan3A_27 = %scan3A_20 to %scan3A_22 step %scan3A_23 iter_args(%scan3A_28 = %scan3A_19) -> (i32)  : i32 {
      %mul3A_29 = arith.constant 10000 : i32
      %mul3A_30 = arith.muli %add3A, %mul3A_29 : i32
      %mul3A_31 = arith.constant 1000 : i32
      %mul3A_32 = arith.muli %scan3A_27, %mul3A_31 : i32
      %add3A_33 = arith.addi %mul3A_30, %mul3A_32 : i32
      %mul3A_34 = arith.constant 2500 : i32
      %mul3A_35 = arith.muli %add3A, %mul3A_34 : i32
      %mul3A_36 = arith.constant 250 : i32
      %mul3A_37 = arith.muli %scan3A_27, %mul3A_36 : i32
      %add3A_38 = arith.addi %mul3A_35, %mul3A_37 : i32
      "tpu.region"() ({
        %run_scoped3A = tpu.sem_alloc : memref<!tpu.dma_semaphore, #tpu.memory_space<semaphore_mem>>
        %dma_start3A = tpu.memref_slice %arg3[%add3A_33] : memref<320000xi32, #tpu.memory_space<hbm>> -> memref<1000xi32, #tpu.memory_space<hbm>>
        %dma_start3A_40 = tpu.memref_slice %arg3[%add3A_33] : memref<320000xi32, #tpu.memory_space<hbm>> -> memref<1000xi32, #tpu.memory_space<hbm>>
        tpu.enqueue_dma source(%dma_start3A_40 : memref<1000xi32, #tpu.memory_space<hbm>>) target(%arg6 : memref<1000xi32, #tpu.memory_space<vmem>>) target_semaphore(%run_scoped3A : memref<!tpu.dma_semaphore, #tpu.memory_space<semaphore_mem>>)
        %dma_wait3A = tpu.memref_slice %arg3[%add3A_33] : memref<320000xi32, #tpu.memory_space<hbm>> -> memref<1000xi32, #tpu.memory_space<hbm>>
        %dma_wait3A_41 = tpu.memref_slice %arg3[%add3A_33] : memref<320000xi32, #tpu.memory_space<hbm>> -> memref<1000xi32, #tpu.memory_space<hbm>>
        tpu.wait_dma2 semaphore(%run_scoped3A : memref<!tpu.dma_semaphore, #tpu.memory_space<semaphore_mem>>) src(%dma_wait3A_41 : memref<1000xi32, #tpu.memory_space<hbm>>) dst(%arg6 : memref<1000xi32, #tpu.memory_space<vmem>>)
        tpu.yield
      }) : () -> ()
      "tpu.region"() ({
        %run_scoped3A = tpu.sem_alloc : memref<!tpu.dma_semaphore, #tpu.memory_space<semaphore_mem>>
        %dma_start3A = arith.constant 0 : i32
        %dma_start3A_40 = arith.constant 0 : i32
        %dma_start3A_41 = tpu.memref_slice %arg7[%dma_start3A, %dma_start3A_40] : memref<1000x32xf32, #tpu.memory_space<vmem>> -> memref<250x32xf32, #tpu.memory_space<vmem>>
        %dma_start3A_42 = arith.constant 0 : i32
        %dma_start3A_43 = tpu.memref_slice %arg2[%add3A_38, %dma_start3A_42] : memref<80000x128xf32, #tpu.memory_space<hbm>> -> memref<250x32xf32, #tpu.memory_space<hbm>>
        %dma_start3A_44 = arith.constant 0 : i32
        %dma_start3A_45 = arith.constant 0 : i32
        %dma_start3A_46 = tpu.memref_slice %arg7[%dma_start3A_44, %dma_start3A_45] : memref<1000x32xf32, #tpu.memory_space<vmem>> -> memref<250x32xf32, #tpu.memory_space<vmem>>
        %dma_start3A_47 = arith.constant 0 : i32
        %dma_start3A_48 = tpu.memref_slice %arg2[%add3A_38, %dma_start3A_47] : memref<80000x128xf32, #tpu.memory_space<hbm>> -> memref<250x32xf32, #tpu.memory_space<hbm>>
        tpu.enqueue_dma source(%dma_start3A_48 : memref<250x32xf32, #tpu.memory_space<hbm>>) target(%dma_start3A_46 : memref<250x32xf32, #tpu.memory_space<vmem>>) target_semaphore(%run_scoped3A : memref<!tpu.dma_semaphore, #tpu.memory_space<semaphore_mem>>)
        %dma_wait3A = arith.constant 0 : i32
        %dma_wait3A_49 = arith.constant 0 : i32
        %dma_wait3A_50 = tpu.memref_slice %arg7[%dma_wait3A, %dma_wait3A_49] : memref<1000x32xf32, #tpu.memory_space<vmem>> -> memref<250x32xf32, #tpu.memory_space<vmem>>
        %dma_wait3A_51 = arith.constant 0 : i32
        %dma_wait3A_52 = tpu.memref_slice %arg2[%add3A_38, %dma_wait3A_51] : memref<80000x128xf32, #tpu.memory_space<hbm>> -> memref<250x32xf32, #tpu.memory_space<hbm>>
        %dma_wait3A_53 = arith.constant 0 : i32
        %dma_wait3A_54 = arith.constant 0 : i32
        %dma_wait3A_55 = tpu.memref_slice %arg7[%dma_wait3A_53, %dma_wait3A_54] : memref<1000x32xf32, #tpu.memory_space<vmem>> -> memref<250x32xf32, #tpu.memory_space<vmem>>
        %dma_wait3A_56 = arith.constant 0 : i32
        %dma_wait3A_57 = tpu.memref_slice %arg2[%add3A_38, %dma_wait3A_56] : memref<80000x128xf32, #tpu.memory_space<hbm>> -> memref<250x32xf32, #tpu.memory_space<hbm>>
        tpu.wait_dma2 semaphore(%run_scoped3A : memref<!tpu.dma_semaphore, #tpu.memory_space<semaphore_mem>>) src(%dma_wait3A_57 : memref<250x32xf32, #tpu.memory_space<hbm>>) dst(%dma_wait3A_55 : memref<250x32xf32, #tpu.memory_space<vmem>>)
        tpu.yield
      }) : () -> ()
      "tpu.region"() ({
        %run_scoped3A = tpu.sem_alloc : memref<!tpu.dma_semaphore, #tpu.memory_space<semaphore_mem>>
        %dma_start3A = arith.constant 250 : i32
        %dma_start3A_40 = arith.constant 0 : i32
        %dma_start3A_41 = tpu.memref_slice %arg7[%dma_start3A, %dma_start3A_40] : memref<1000x32xf32, #tpu.memory_space<vmem>> -> memref<250x32xf32, #tpu.memory_space<vmem>>
        %dma_start3A_42 = arith.constant 32 : i32
        %dma_start3A_43 = tpu.memref_slice %arg2[%add3A_38, %dma_start3A_42] : memref<80000x128xf32, #tpu.memory_space<hbm>> -> memref<250x32xf32, #tpu.memory_space<hbm>>
        %dma_start3A_44 = arith.constant 250 : i32
        %dma_start3A_45 = arith.constant 0 : i32
        %dma_start3A_46 = tpu.memref_slice %arg7[%dma_start3A_44, %dma_start3A_45] : memref<1000x32xf32, #tpu.memory_space<vmem>> -> memref<250x32xf32, #tpu.memory_space<vmem>>
        %dma_start3A_47 = arith.constant 32 : i32
        %dma_start3A_48 = tpu.memref_slice %arg2[%add3A_38, %dma_start3A_47] : memref<80000x128xf32, #tpu.memory_space<hbm>> -> memref<250x32xf32, #tpu.memory_space<hbm>>
        tpu.enqueue_dma source(%dma_start3A_48 : memref<250x32xf32, #tpu.memory_space<hbm>>) target(%dma_start3A_46 : memref<250x32xf32, #tpu.memory_space<vmem>>) target_semaphore(%run_scoped3A : memref<!tpu.dma_semaphore, #tpu.memory_space<semaphore_mem>>)
        %dma_wait3A = arith.constant 250 : i32
        %dma_wait3A_49 = arith.constant 0 : i32
        %dma_wait3A_50 = tpu.memref_slice %arg7[%dma_wait3A, %dma_wait3A_49] : memref<1000x32xf32, #tpu.memory_space<vmem>> -> memref<250x32xf32, #tpu.memory_space<vmem>>
        %dma_wait3A_51 = arith.constant 32 : i32
        %dma_wait3A_52 = tpu.memref_slice %arg2[%add3A_38, %dma_wait3A_51] : memref<80000x128xf32, #tpu.memory_space<hbm>> -> memref<250x32xf32, #tpu.memory_space<hbm>>
        %dma_wait3A_53 = arith.constant 250 : i32
        %dma_wait3A_54 = arith.constant 0 : i32
        %dma_wait3A_55 = tpu.memref_slice %arg7[%dma_wait3A_53, %dma_wait3A_54] : memref<1000x32xf32, #tpu.memory_space<vmem>> -> memref<250x32xf32, #tpu.memory_space<vmem>>
        %dma_wait3A_56 = arith.constant 32 : i32
        %dma_wait3A_57 = tpu.memref_slice %arg2[%add3A_38, %dma_wait3A_56] : memref<80000x128xf32, #tpu.memory_space<hbm>> -> memref<250x32xf32, #tpu.memory_space<hbm>>
        tpu.wait_dma2 semaphore(%run_scoped3A : memref<!tpu.dma_semaphore, #tpu.memory_space<semaphore_mem>>) src(%dma_wait3A_57 : memref<250x32xf32, #tpu.memory_space<hbm>>) dst(%dma_wait3A_55 : memref<250x32xf32, #tpu.memory_space<vmem>>)
        tpu.yield
      }) : () -> ()
      "tpu.region"() ({
        %run_scoped3A = tpu.sem_alloc : memref<!tpu.dma_semaphore, #tpu.memory_space<semaphore_mem>>
        %dma_start3A = arith.constant 500 : i32
        %dma_start3A_40 = arith.constant 0 : i32
        %dma_start3A_41 = tpu.memref_slice %arg7[%dma_start3A, %dma_start3A_40] : memref<1000x32xf32, #tpu.memory_space<vmem>> -> memref<250x32xf32, #tpu.memory_space<vmem>>
        %dma_start3A_42 = arith.constant 64 : i32
        %dma_start3A_43 = tpu.memref_slice %arg2[%add3A_38, %dma_start3A_42] : memref<80000x128xf32, #tpu.memory_space<hbm>> -> memref<250x32xf32, #tpu.memory_space<hbm>>
        %dma_start3A_44 = arith.constant 500 : i32
        %dma_start3A_45 = arith.constant 0 : i32
        %dma_start3A_46 = tpu.memref_slice %arg7[%dma_start3A_44, %dma_start3A_45] : memref<1000x32xf32, #tpu.memory_space<vmem>> -> memref<250x32xf32, #tpu.memory_space<vmem>>
        %dma_start3A_47 = arith.constant 64 : i32
        %dma_start3A_48 = tpu.memref_slice %arg2[%add3A_38, %dma_start3A_47] : memref<80000x128xf32, #tpu.memory_space<hbm>> -> memref<250x32xf32, #tpu.memory_space<hbm>>
        tpu.enqueue_dma source(%dma_start3A_48 : memref<250x32xf32, #tpu.memory_space<hbm>>) target(%dma_start3A_46 : memref<250x32xf32, #tpu.memory_space<vmem>>) target_semaphore(%run_scoped3A : memref<!tpu.dma_semaphore, #tpu.memory_space<semaphore_mem>>)
        %dma_wait3A = arith.constant 500 : i32
        %dma_wait3A_49 = arith.constant 0 : i32
        %dma_wait3A_50 = tpu.memref_slice %arg7[%dma_wait3A, %dma_wait3A_49] : memref<1000x32xf32, #tpu.memory_space<vmem>> -> memref<250x32xf32, #tpu.memory_space<vmem>>
        %dma_wait3A_51 = arith.constant 64 : i32
        %dma_wait3A_52 = tpu.memref_slice %arg2[%add3A_38, %dma_wait3A_51] : memref<80000x128xf32, #tpu.memory_space<hbm>> -> memref<250x32xf32, #tpu.memory_space<hbm>>
        %dma_wait3A_53 = arith.constant 500 : i32
        %dma_wait3A_54 = arith.constant 0 : i32
        %dma_wait3A_55 = tpu.memref_slice %arg7[%dma_wait3A_53, %dma_wait3A_54] : memref<1000x32xf32, #tpu.memory_space<vmem>> -> memref<250x32xf32, #tpu.memory_space<vmem>>
        %dma_wait3A_56 = arith.constant 64 : i32
        %dma_wait3A_57 = tpu.memref_slice %arg2[%add3A_38, %dma_wait3A_56] : memref<80000x128xf32, #tpu.memory_space<hbm>> -> memref<250x32xf32, #tpu.memory_space<hbm>>
        tpu.wait_dma2 semaphore(%run_scoped3A : memref<!tpu.dma_semaphore, #tpu.memory_space<semaphore_mem>>) src(%dma_wait3A_57 : memref<250x32xf32, #tpu.memory_space<hbm>>) dst(%dma_wait3A_55 : memref<250x32xf32, #tpu.memory_space<vmem>>)
        tpu.yield
      }) : () -> ()
      "tpu.region"() ({
        %run_scoped3A = tpu.sem_alloc : memref<!tpu.dma_semaphore, #tpu.memory_space<semaphore_mem>>
        %dma_start3A = arith.constant 750 : i32
        %dma_start3A_40 = arith.constant 0 : i32
        %dma_start3A_41 = tpu.memref_slice %arg7[%dma_start3A, %dma_start3A_40] : memref<1000x32xf32, #tpu.memory_space<vmem>> -> memref<250x32xf32, #tpu.memory_space<vmem>>
        %dma_start3A_42 = arith.constant 96 : i32
        %dma_start3A_43 = tpu.memref_slice %arg2[%add3A_38, %dma_start3A_42] : memref<80000x128xf32, #tpu.memory_space<hbm>> -> memref<250x32xf32, #tpu.memory_space<hbm>>
        %dma_start3A_44 = arith.constant 750 : i32
        %dma_start3A_45 = arith.constant 0 : i32
        %dma_start3A_46 = tpu.memref_slice %arg7[%dma_start3A_44, %dma_start3A_45] : memref<1000x32xf32, #tpu.memory_space<vmem>> -> memref<250x32xf32, #tpu.memory_space<vmem>>
        %dma_start3A_47 = arith.constant 96 : i32
        %dma_start3A_48 = tpu.memref_slice %arg2[%add3A_38, %dma_start3A_47] : memref<80000x128xf32, #tpu.memory_space<hbm>> -> memref<250x32xf32, #tpu.memory_space<hbm>>
        tpu.enqueue_dma source(%dma_start3A_48 : memref<250x32xf32, #tpu.memory_space<hbm>>) target(%dma_start3A_46 : memref<250x32xf32, #tpu.memory_space<vmem>>) target_semaphore(%run_scoped3A : memref<!tpu.dma_semaphore, #tpu.memory_space<semaphore_mem>>)
        %dma_wait3A = arith.constant 750 : i32
        %dma_wait3A_49 = arith.constant 0 : i32
        %dma_wait3A_50 = tpu.memref_slice %arg7[%dma_wait3A, %dma_wait3A_49] : memref<1000x32xf32, #tpu.memory_space<vmem>> -> memref<250x32xf32, #tpu.memory_space<vmem>>
        %dma_wait3A_51 = arith.constant 96 : i32
        %dma_wait3A_52 = tpu.memref_slice %arg2[%add3A_38, %dma_wait3A_51] : memref<80000x128xf32, #tpu.memory_space<hbm>> -> memref<250x32xf32, #tpu.memory_space<hbm>>
        %dma_wait3A_53 = arith.constant 750 : i32
        %dma_wait3A_54 = arith.constant 0 : i32
        %dma_wait3A_55 = tpu.memref_slice %arg7[%dma_wait3A_53, %dma_wait3A_54] : memref<1000x32xf32, #tpu.memory_space<vmem>> -> memref<250x32xf32, #tpu.memory_space<vmem>>
        %dma_wait3A_56 = arith.constant 96 : i32
        %dma_wait3A_57 = tpu.memref_slice %arg2[%add3A_38, %dma_wait3A_56] : memref<80000x128xf32, #tpu.memory_space<hbm>> -> memref<250x32xf32, #tpu.memory_space<hbm>>
        tpu.wait_dma2 semaphore(%run_scoped3A : memref<!tpu.dma_semaphore, #tpu.memory_space<semaphore_mem>>) src(%dma_wait3A_57 : memref<250x32xf32, #tpu.memory_space<hbm>>) dst(%dma_wait3A_55 : memref<250x32xf32, #tpu.memory_space<vmem>>)
        tpu.yield
      }) : () -> ()
      "tpu.region"() ({
        %run_scoped3A = tpu.sem_alloc : memref<!tpu.dma_semaphore, #tpu.memory_space<semaphore_mem>>
        %dma_start3A = arith.constant 0 : i32
        %dma_start3A_40 = arith.constant 0 : i32
        %dma_start3A_41 = tpu.memref_slice %arg9[%dma_start3A, %dma_start3A_40] : memref<10000x32xf32, #tpu.memory_space<vmem_shared>> -> memref<10000x32xf32, #tpu.memory_space<vmem_shared>>
        tpu.enqueue_indirect_dma source(%arg7 : memref<1000x32xf32, #tpu.memory_space<vmem>>) target(%dma_start3A_41 : memref<10000x32xf32, #tpu.memory_space<vmem_shared>>) offsets(%arg6 : memref<1000xi32, #tpu.memory_space<vmem>>) semaphore(%run_scoped3A : memref<!tpu.dma_semaphore, #tpu.memory_space<semaphore_mem>>) {add = true}
        %dma_wait3A = arith.constant 0 : i32
        %dma_wait3A_42 = arith.constant 0 : i32
        %dma_wait3A_43 = tpu.memref_slice %arg9[%dma_wait3A, %dma_wait3A_42] : memref<10000x32xf32, #tpu.memory_space<vmem_shared>> -> memref<10000x32xf32, #tpu.memory_space<vmem_shared>>
        tpu.wait_indirect_dma semaphore(%run_scoped3A : memref<!tpu.dma_semaphore, #tpu.memory_space<semaphore_mem>>) src(%arg7 : memref<1000x32xf32, #tpu.memory_space<vmem>>) dst(%dma_wait3A_43 : memref<10000x32xf32, #tpu.memory_space<vmem_shared>>)
        tpu.yield
      }) : () -> ()
      "tpu.region"() ({
        %run_scoped3A = tpu.sem_alloc : memref<!tpu.dma_semaphore, #tpu.memory_space<semaphore_mem>>
        %dma_start3A = arith.constant 0 : i32
        %dma_start3A_40 = arith.constant 0 : i32
        %dma_start3A_41 = tpu.memref_slice %arg12[%dma_start3A, %dma_start3A_40] : memref<10000x16xf32, #tpu.memory_space<vmem_shared>> -> memref<10000x16xf32, #tpu.memory_space<vmem_shared>>
        tpu.enqueue_indirect_dma source(%arg10 : memref<1000x16xf32, #tpu.memory_space<vmem>>) target(%dma_start3A_41 : memref<10000x16xf32, #tpu.memory_space<vmem_shared>>) offsets(%arg6 : memref<1000xi32, #tpu.memory_space<vmem>>) semaphore(%run_scoped3A : memref<!tpu.dma_semaphore, #tpu.memory_space<semaphore_mem>>) {add = true}
        %dma_wait3A = arith.constant 0 : i32
        %dma_wait3A_42 = arith.constant 0 : i32
        %dma_wait3A_43 = tpu.memref_slice %arg12[%dma_wait3A, %dma_wait3A_42] : memref<10000x16xf32, #tpu.memory_space<vmem_shared>> -> memref<10000x16xf32, #tpu.memory_space<vmem_shared>>
        tpu.wait_indirect_dma semaphore(%run_scoped3A : memref<!tpu.dma_semaphore, #tpu.memory_space<semaphore_mem>>) src(%arg10 : memref<1000x16xf32, #tpu.memory_space<vmem>>) dst(%dma_wait3A_43 : memref<10000x16xf32, #tpu.memory_space<vmem_shared>>)
        tpu.yield
      }) : () -> ()
      %scan3A_39 = arith.constant 0 : i32
      scf.yield %scan3A_39 : i32
    }
    %scan3A_25 = arith.constant 10 : i32
    %barrier3A_26 = arith.constant 0 : index
    tpu.barrier barrier_id(%barrier3A_26)
    "tpu.region"() ({
      %run_scoped3A = tpu.sem_alloc : memref<!tpu.dma_semaphore, #tpu.memory_space<semaphore_mem>>
      %dma_start3A = arith.constant 0 : i32
      %dma_start3A_27 = tpu.memref_slice %arg9[%mul3A_18, %dma_start3A] : memref<10000x32xf32, #tpu.memory_space<vmem_shared>> -> memref<625x32xf32, #tpu.memory_space<vmem_shared>>
      %dma_start3A_28 = arith.constant 0 : i32
      %dma_start3A_29 = tpu.memref_slice %arg9[%mul3A_18, %dma_start3A_28] : memref<10000x32xf32, #tpu.memory_space<vmem_shared>> -> memref<625x32xf32, #tpu.memory_space<vmem_shared>>
      tpu.enqueue_dma source(%dma_start3A_29 : memref<625x32xf32, #tpu.memory_space<vmem_shared>>) target(%arg8 : memref<625x32xf32, #tpu.memory_space<vmem>>) target_semaphore(%run_scoped3A : memref<!tpu.dma_semaphore, #tpu.memory_space<semaphore_mem>>)
      %dma_wait3A = arith.constant 0 : i32
      %dma_wait3A_30 = tpu.memref_slice %arg9[%mul3A_18, %dma_wait3A] : memref<10000x32xf32, #tpu.memory_space<vmem_shared>> -> memref<625x32xf32, #tpu.memory_space<vmem_shared>>
      %dma_wait3A_31 = arith.constant 0 : i32
      %dma_wait3A_32 = tpu.memref_slice %arg9[%mul3A_18, %dma_wait3A_31] : memref<10000x32xf32, #tpu.memory_space<vmem_shared>> -> memref<625x32xf32, #tpu.memory_space<vmem_shared>>
      tpu.wait_dma2 semaphore(%run_scoped3A : memref<!tpu.dma_semaphore, #tpu.memory_space<semaphore_mem>>) src(%dma_wait3A_32 : memref<625x32xf32, #tpu.memory_space<vmem_shared>>) dst(%arg8 : memref<625x32xf32, #tpu.memory_space<vmem>>)
      tpu.yield
    }) : () -> ()
    "tpu.region"() ({
      %run_scoped3A = tpu.sem_alloc : memref<!tpu.dma_semaphore, #tpu.memory_space<semaphore_mem>>
      %dma_start3A = arith.constant 0 : i32
      %dma_start3A_27 = tpu.memref_slice %arg4[%arg0, %mul3A_18, %dma_start3A] : memref<2x10000x32xf32, #tpu.memory_space<hbm>> -> memref<1x625x32xf32, #tpu.memory_space<hbm>>
      %dma_start3A_28 = tpu.memref_squeeze %dma_start3A_27 : memref<1x625x32xf32, #tpu.memory_space<hbm>> -> memref<625x32xf32, #tpu.memory_space<hbm>>
      %dma_start3A_29 = arith.constant 0 : i32
      %dma_start3A_30 = tpu.memref_slice %arg4[%arg0, %mul3A_18, %dma_start3A_29] : memref<2x10000x32xf32, #tpu.memory_space<hbm>> -> memref<1x625x32xf32, #tpu.memory_space<hbm>>
      %dma_start3A_31 = tpu.memref_squeeze %dma_start3A_30 : memref<1x625x32xf32, #tpu.memory_space<hbm>> -> memref<625x32xf32, #tpu.memory_space<hbm>>
      tpu.enqueue_dma source(%arg8 : memref<625x32xf32, #tpu.memory_space<vmem>>) target(%dma_start3A_31 : memref<625x32xf32, #tpu.memory_space<hbm>>) target_semaphore(%run_scoped3A : memref<!tpu.dma_semaphore, #tpu.memory_space<semaphore_mem>>)
      %dma_wait3A = arith.constant 0 : i32
      %dma_wait3A_32 = tpu.memref_slice %arg4[%arg0, %mul3A_18, %dma_wait3A] : memref<2x10000x32xf32, #tpu.memory_space<hbm>> -> memref<1x625x32xf32, #tpu.memory_space<hbm>>
      %dma_wait3A_33 = tpu.memref_squeeze %dma_wait3A_32 : memref<1x625x32xf32, #tpu.memory_space<hbm>> -> memref<625x32xf32, #tpu.memory_space<hbm>>
      %dma_wait3A_34 = arith.constant 0 : i32
      %dma_wait3A_35 = tpu.memref_slice %arg4[%arg0, %mul3A_18, %dma_wait3A_34] : memref<2x10000x32xf32, #tpu.memory_space<hbm>> -> memref<1x625x32xf32, #tpu.memory_space<hbm>>
      %dma_wait3A_36 = tpu.memref_squeeze %dma_wait3A_35 : memref<1x625x32xf32, #tpu.memory_space<hbm>> -> memref<625x32xf32, #tpu.memory_space<hbm>>
      tpu.wait_dma2 semaphore(%run_scoped3A : memref<!tpu.dma_semaphore, #tpu.memory_space<semaphore_mem>>) src(%arg8 : memref<625x32xf32, #tpu.memory_space<vmem>>) dst(%dma_wait3A_36 : memref<625x32xf32, #tpu.memory_space<hbm>>)
      tpu.yield
    }) : () -> ()
    "tpu.region"() ({
      %run_scoped3A = tpu.sem_alloc : memref<!tpu.dma_semaphore, #tpu.memory_space<semaphore_mem>>
      %dma_start3A = arith.constant 0 : i32
      %dma_start3A_27 = tpu.memref_slice %arg12[%mul3A_18, %dma_start3A] : memref<10000x16xf32, #tpu.memory_space<vmem_shared>> -> memref<625x16xf32, #tpu.memory_space<vmem_shared>>
      %dma_start3A_28 = arith.constant 0 : i32
      %dma_start3A_29 = tpu.memref_slice %arg12[%mul3A_18, %dma_start3A_28] : memref<10000x16xf32, #tpu.memory_space<vmem_shared>> -> memref<625x16xf32, #tpu.memory_space<vmem_shared>>
      tpu.enqueue_dma source(%dma_start3A_29 : memref<625x16xf32, #tpu.memory_space<vmem_shared>>) target(%arg11 : memref<625x16xf32, #tpu.memory_space<vmem>>) target_semaphore(%run_scoped3A : memref<!tpu.dma_semaphore, #tpu.memory_space<semaphore_mem>>)
      %dma_wait3A = arith.constant 0 : i32
      %dma_wait3A_30 = tpu.memref_slice %arg12[%mul3A_18, %dma_wait3A] : memref<10000x16xf32, #tpu.memory_space<vmem_shared>> -> memref<625x16xf32, #tpu.memory_space<vmem_shared>>
      %dma_wait3A_31 = arith.constant 0 : i32
      %dma_wait3A_32 = tpu.memref_slice %arg12[%mul3A_18, %dma_wait3A_31] : memref<10000x16xf32, #tpu.memory_space<vmem_shared>> -> memref<625x16xf32, #tpu.memory_space<vmem_shared>>
      tpu.wait_dma2 semaphore(%run_scoped3A : memref<!tpu.dma_semaphore, #tpu.memory_space<semaphore_mem>>) src(%dma_wait3A_32 : memref<625x16xf32, #tpu.memory_space<vmem_shared>>) dst(%arg11 : memref<625x16xf32, #tpu.memory_space<vmem>>)
      tpu.yield
    }) : () -> ()
    "tpu.region"() ({
      %run_scoped3A = tpu.sem_alloc : memref<!tpu.dma_semaphore, #tpu.memory_space<semaphore_mem>>
      %dma_start3A = arith.constant 0 : i32
      %dma_start3A_27 = tpu.memref_slice %arg5[%arg0, %mul3A_18, %dma_start3A] : memref<2x10000x16xf32, #tpu.memory_space<hbm>> -> memref<1x625x16xf32, #tpu.memory_space<hbm>>
      %dma_start3A_28 = tpu.memref_squeeze %dma_start3A_27 : memref<1x625x16xf32, #tpu.memory_space<hbm>> -> memref<625x16xf32, #tpu.memory_space<hbm>>
      %dma_start3A_29 = arith.constant 0 : i32
      %dma_start3A_30 = tpu.memref_slice %arg5[%arg0, %mul3A_18, %dma_start3A_29] : memref<2x10000x16xf32, #tpu.memory_space<hbm>> -> memref<1x625x16xf32, #tpu.memory_space<hbm>>
      %dma_start3A_31 = tpu.memref_squeeze %dma_start3A_30 : memref<1x625x16xf32, #tpu.memory_space<hbm>> -> memref<625x16xf32, #tpu.memory_space<hbm>>
      tpu.enqueue_dma source(%arg11 : memref<625x16xf32, #tpu.memory_space<vmem>>) target(%dma_start3A_31 : memref<625x16xf32, #tpu.memory_space<hbm>>) target_semaphore(%run_scoped3A : memref<!tpu.dma_semaphore, #tpu.memory_space<semaphore_mem>>)
      %dma_wait3A = arith.constant 0 : i32
      %dma_wait3A_32 = tpu.memref_slice %arg5[%arg0, %mul3A_18, %dma_wait3A] : memref<2x10000x16xf32, #tpu.memory_space<hbm>> -> memref<1x625x16xf32, #tpu.memory_space<hbm>>
      %dma_wait3A_33 = tpu.memref_squeeze %dma_wait3A_32 : memref<1x625x16xf32, #tpu.memory_space<hbm>> -> memref<625x16xf32, #tpu.memory_space<hbm>>
      %dma_wait3A_34 = arith.constant 0 : i32
      %dma_wait3A_35 = tpu.memref_slice %arg5[%arg0, %mul3A_18, %dma_wait3A_34] : memref<2x10000x16xf32, #tpu.memory_space<hbm>> -> memref<1x625x16xf32, #tpu.memory_space<hbm>>
      %dma_wait3A_36 = tpu.memref_squeeze %dma_wait3A_35 : memref<1x625x16xf32, #tpu.memory_space<hbm>> -> memref<625x16xf32, #tpu.memory_space<hbm>>
      tpu.wait_dma2 semaphore(%run_scoped3A : memref<!tpu.dma_semaphore, #tpu.memory_space<semaphore_mem>>) src(%arg11 : memref<625x16xf32, #tpu.memory_space<vmem>>) dst(%dma_wait3A_36 : memref<625x16xf32, #tpu.memory_space<hbm>>)
      tpu.yield
    }) : () -> ()
    return
  }
}

#map = affine_map<(d0, d1) -> (0, 0)>
#map1 = affine_map<(d0, d1) -> (0)>
#map2 = affine_map<(d0, d1) -> (0, 0, 0)>
module attributes {stable_mosaic.version = 14 : i64} {
  func.func @scatter(%arg0: i32, %arg1: i32, %arg2: memref<80000x128xf32, #tpu.memory_space<hbm>>, %arg3: memref<320000xi32, #tpu.memory_space<hbm>>, %arg4: memref<2x10000x32xf32, #tpu.memory_space<hbm>>, %arg5: memref<1000xi32, #tpu.memory_space<vmem>>, %arg6: memref<1000x32xf32, #tpu.memory_space<vmem>>, %arg7: memref<625x32xf32, #tpu.memory_space<vmem>>, %arg8: memref<10000x32xf32, #tpu.memory_space<vmem_shared>>) attributes {dimension_semantics = [#tpu.dimension_semantics<core_parallel>, #tpu.dimension_semantics<subcore_parallel>], iteration_bounds = array<i64: 2, 16>, scalar_prefetch = 0 : i64, scratch_operands = 4 : i64, tpu.core_type = #tpu.core_type<sc_vector_subcore>, window_params = [{transform_indices = #map}, {transform_indices = #map1}, {transform_indices = #map2}]} {
    %mul3A = arith.constant 2 : i32
    %mul3A_0 = arith.muli %arg1, %mul3A : i32
    %add3A = arith.addi %mul3A_0, %arg0 : i32
    %broadcast_in_dim3A = arith.constant 0.000000e+00 : f32
    %broadcast_in_dim3A_1 = vector.broadcast %broadcast_in_dim3A : f32 to vector<16xf32>
    %broadcast_in_dim3A_2 = arith.constant 1.000000e+00 : f32
    %broadcast_in_dim3A_3 = vector.broadcast %broadcast_in_dim3A_2 : f32 to vector<16xf32>
    %scan3A = arith.constant 0 : i32
    %scan3A_4 = arith.constant 0 : i32
    %scan3A_5 = arith.constant 625 : i32
    %scan3A_6 = arith.addi %scan3A_4, %scan3A_5 : i32
    %scan3A_7 = arith.constant 1 : i32
    %scan3A_8 = scf.for %scan3A_20 = %scan3A_4 to %scan3A_6 step %scan3A_7 iter_args(%scan3A_21 = %scan3A) -> (i32)  : i32 {
      %swap3A = arith.index_cast %scan3A_20 : i32 to index
      %swap3A_22 = arith.constant 0 : index
      %swap3A_23 = tpu.vector_load %arg7[%swap3A, %swap3A_22] {strides = array<i32>} : memref<625x32xf32, #tpu.memory_space<vmem>>, vector<1x16xf32>,
      %swap3A_24 = vector.shape_cast %swap3A_23 : vector<1x16xf32> to vector<16xf32>
      %swap3A_25 = vector.shape_cast %broadcast_in_dim3A_1 : vector<16xf32> to vector<1x16xf32>
      tpu.vector_store %arg7[%swap3A, %swap3A_22], %swap3A_25 {strides = array<i32>} : memref<625x32xf32, #tpu.memory_space<vmem>>, vector<1x16xf32>,
      %swap3A_26 = arith.index_cast %scan3A_20 : i32 to index
      %swap3A_27 = arith.constant 16 : index
      %swap3A_28 = tpu.vector_load %arg7[%swap3A_26, %swap3A_27] {strides = array<i32>} : memref<625x32xf32, #tpu.memory_space<vmem>>, vector<1x16xf32>,
      %swap3A_29 = vector.shape_cast %swap3A_28 : vector<1x16xf32> to vector<16xf32>
      %swap3A_30 = vector.shape_cast %broadcast_in_dim3A_1 : vector<16xf32> to vector<1x16xf32>
      tpu.vector_store %arg7[%swap3A_26, %swap3A_27], %swap3A_30 {strides = array<i32>} : memref<625x32xf32, #tpu.memory_space<vmem>>, vector<1x16xf32>,
      %scan3A_31 = arith.constant 0 : i32
      scf.yield %scan3A_31 : i32
    }
    %scan3A_9 = arith.constant 625 : i32
    %mul3A_10 = arith.constant 625 : i32
    %mul3A_11 = arith.muli %arg1, %mul3A_10 : i32
    "tpu.region"() ({
      %run_scoped3A = tpu.sem_alloc : memref<!tpu.dma_semaphore, #tpu.memory_space<semaphore_mem>>
      %dma_start3A = arith.constant 0 : i32
      %dma_start3A_20 = tpu.memref_slice %arg8[%mul3A_11, %dma_start3A] : memref<10000x32xf32, #tpu.memory_space<vmem_shared>> -> memref<625x32xf32, #tpu.memory_space<vmem_shared>>
      %dma_start3A_21 = arith.constant 0 : i32
      %dma_start3A_22 = tpu.memref_slice %arg8[%mul3A_11, %dma_start3A_21] : memref<10000x32xf32, #tpu.memory_space<vmem_shared>> -> memref<625x32xf32, #tpu.memory_space<vmem_shared>>
      tpu.enqueue_dma source(%arg7 : memref<625x32xf32, #tpu.memory_space<vmem>>) target(%dma_start3A_22 : memref<625x32xf32, #tpu.memory_space<vmem_shared>>) target_semaphore(%run_scoped3A : memref<!tpu.dma_semaphore, #tpu.memory_space<semaphore_mem>>)
      %dma_wait3A = arith.constant 0 : i32
      %dma_wait3A_23 = tpu.memref_slice %arg8[%mul3A_11, %dma_wait3A] : memref<10000x32xf32, #tpu.memory_space<vmem_shared>> -> memref<625x32xf32, #tpu.memory_space<vmem_shared>>
      %dma_wait3A_24 = arith.constant 0 : i32
      %dma_wait3A_25 = tpu.memref_slice %arg8[%mul3A_11, %dma_wait3A_24] : memref<10000x32xf32, #tpu.memory_space<vmem_shared>> -> memref<625x32xf32, #tpu.memory_space<vmem_shared>>
      tpu.wait_dma2 semaphore(%run_scoped3A : memref<!tpu.dma_semaphore, #tpu.memory_space<semaphore_mem>>) src(%arg7 : memref<625x32xf32, #tpu.memory_space<vmem>>) dst(%dma_wait3A_25 : memref<625x32xf32, #tpu.memory_space<vmem_shared>>)
      tpu.yield
    }) : () -> ()
    %barrier3A = arith.constant 0 : index
    tpu.barrier barrier_id(%barrier3A)
    %scan3A_12 = arith.constant 0 : i32
    %scan3A_13 = arith.constant 0 : i32
    %scan3A_14 = arith.constant 10 : i32
    %scan3A_15 = arith.addi %scan3A_13, %scan3A_14 : i32
    %scan3A_16 = arith.constant 1 : i32
    %scan3A_17 = scf.for %scan3A_20 = %scan3A_13 to %scan3A_15 step %scan3A_16 iter_args(%scan3A_21 = %scan3A_12) -> (i32)  : i32 {
      %mul3A_22 = arith.constant 10000 : i32
      %mul3A_23 = arith.muli %add3A, %mul3A_22 : i32
      %mul3A_24 = arith.constant 1000 : i32
      %mul3A_25 = arith.muli %scan3A_20, %mul3A_24 : i32
      %add3A_26 = arith.addi %mul3A_23, %mul3A_25 : i32
      %mul3A_27 = arith.constant 2500 : i32
      %mul3A_28 = arith.muli %add3A, %mul3A_27 : i32
      %mul3A_29 = arith.constant 250 : i32
      %mul3A_30 = arith.muli %scan3A_20, %mul3A_29 : i32
      %add3A_31 = arith.addi %mul3A_28, %mul3A_30 : i32
      "tpu.region"() ({
        %run_scoped3A = tpu.sem_alloc : memref<!tpu.dma_semaphore, #tpu.memory_space<semaphore_mem>>
        %dma_start3A = tpu.memref_slice %arg3[%add3A_26] : memref<320000xi32, #tpu.memory_space<hbm>> -> memref<1000xi32, #tpu.memory_space<hbm>>
        %dma_start3A_33 = tpu.memref_slice %arg3[%add3A_26] : memref<320000xi32, #tpu.memory_space<hbm>> -> memref<1000xi32, #tpu.memory_space<hbm>>
        tpu.enqueue_dma source(%dma_start3A_33 : memref<1000xi32, #tpu.memory_space<hbm>>) target(%arg5 : memref<1000xi32, #tpu.memory_space<vmem>>) target_semaphore(%run_scoped3A : memref<!tpu.dma_semaphore, #tpu.memory_space<semaphore_mem>>)
        %dma_wait3A = tpu.memref_slice %arg3[%add3A_26] : memref<320000xi32, #tpu.memory_space<hbm>> -> memref<1000xi32, #tpu.memory_space<hbm>>
        %dma_wait3A_34 = tpu.memref_slice %arg3[%add3A_26] : memref<320000xi32, #tpu.memory_space<hbm>> -> memref<1000xi32, #tpu.memory_space<hbm>>
        tpu.wait_dma2 semaphore(%run_scoped3A : memref<!tpu.dma_semaphore, #tpu.memory_space<semaphore_mem>>) src(%dma_wait3A_34 : memref<1000xi32, #tpu.memory_space<hbm>>) dst(%arg5 : memref<1000xi32, #tpu.memory_space<vmem>>)
        tpu.yield
      }) : () -> ()
      "tpu.region"() ({
        %run_scoped3A = tpu.sem_alloc : memref<!tpu.dma_semaphore, #tpu.memory_space<semaphore_mem>>
        %dma_start3A = arith.constant 0 : i32
        %dma_start3A_33 = arith.constant 0 : i32
        %dma_start3A_34 = tpu.memref_slice %arg6[%dma_start3A, %dma_start3A_33] : memref<1000x32xf32, #tpu.memory_space<vmem>> -> memref<250x32xf32, #tpu.memory_space<vmem>>
        %dma_start3A_35 = arith.constant 0 : i32
        %dma_start3A_36 = tpu.memref_slice %arg2[%add3A_31, %dma_start3A_35] : memref<80000x128xf32, #tpu.memory_space<hbm>> -> memref<250x32xf32, #tpu.memory_space<hbm>>
        %dma_start3A_37 = arith.constant 0 : i32
        %dma_start3A_38 = arith.constant 0 : i32
        %dma_start3A_39 = tpu.memref_slice %arg6[%dma_start3A_37, %dma_start3A_38] : memref<1000x32xf32, #tpu.memory_space<vmem>> -> memref<250x32xf32, #tpu.memory_space<vmem>>
        %dma_start3A_40 = arith.constant 0 : i32
        %dma_start3A_41 = tpu.memref_slice %arg2[%add3A_31, %dma_start3A_40] : memref<80000x128xf32, #tpu.memory_space<hbm>> -> memref<250x32xf32, #tpu.memory_space<hbm>>
        tpu.enqueue_dma source(%dma_start3A_41 : memref<250x32xf32, #tpu.memory_space<hbm>>) target(%dma_start3A_39 : memref<250x32xf32, #tpu.memory_space<vmem>>) target_semaphore(%run_scoped3A : memref<!tpu.dma_semaphore, #tpu.memory_space<semaphore_mem>>)
        %dma_wait3A = arith.constant 0 : i32
        %dma_wait3A_42 = arith.constant 0 : i32
        %dma_wait3A_43 = tpu.memref_slice %arg6[%dma_wait3A, %dma_wait3A_42] : memref<1000x32xf32, #tpu.memory_space<vmem>> -> memref<250x32xf32, #tpu.memory_space<vmem>>
        %dma_wait3A_44 = arith.constant 0 : i32
        %dma_wait3A_45 = tpu.memref_slice %arg2[%add3A_31, %dma_wait3A_44] : memref<80000x128xf32, #tpu.memory_space<hbm>> -> memref<250x32xf32, #tpu.memory_space<hbm>>
        %dma_wait3A_46 = arith.constant 0 : i32
        %dma_wait3A_47 = arith.constant 0 : i32
        %dma_wait3A_48 = tpu.memref_slice %arg6[%dma_wait3A_46, %dma_wait3A_47] : memref<1000x32xf32, #tpu.memory_space<vmem>> -> memref<250x32xf32, #tpu.memory_space<vmem>>
        %dma_wait3A_49 = arith.constant 0 : i32
        %dma_wait3A_50 = tpu.memref_slice %arg2[%add3A_31, %dma_wait3A_49] : memref<80000x128xf32, #tpu.memory_space<hbm>> -> memref<250x32xf32, #tpu.memory_space<hbm>>
        tpu.wait_dma2 semaphore(%run_scoped3A : memref<!tpu.dma_semaphore, #tpu.memory_space<semaphore_mem>>) src(%dma_wait3A_50 : memref<250x32xf32, #tpu.memory_space<hbm>>) dst(%dma_wait3A_48 : memref<250x32xf32, #tpu.memory_space<vmem>>)
        tpu.yield
      }) : () -> ()
      "tpu.region"() ({
        %run_scoped3A = tpu.sem_alloc : memref<!tpu.dma_semaphore, #tpu.memory_space<semaphore_mem>>
        %dma_start3A = arith.constant 250 : i32
        %dma_start3A_33 = arith.constant 0 : i32
        %dma_start3A_34 = tpu.memref_slice %arg6[%dma_start3A, %dma_start3A_33] : memref<1000x32xf32, #tpu.memory_space<vmem>> -> memref<250x32xf32, #tpu.memory_space<vmem>>
        %dma_start3A_35 = arith.constant 32 : i32
        %dma_start3A_36 = tpu.memref_slice %arg2[%add3A_31, %dma_start3A_35] : memref<80000x128xf32, #tpu.memory_space<hbm>> -> memref<250x32xf32, #tpu.memory_space<hbm>>
        %dma_start3A_37 = arith.constant 250 : i32
        %dma_start3A_38 = arith.constant 0 : i32
        %dma_start3A_39 = tpu.memref_slice %arg6[%dma_start3A_37, %dma_start3A_38] : memref<1000x32xf32, #tpu.memory_space<vmem>> -> memref<250x32xf32, #tpu.memory_space<vmem>>
        %dma_start3A_40 = arith.constant 32 : i32
        %dma_start3A_41 = tpu.memref_slice %arg2[%add3A_31, %dma_start3A_40] : memref<80000x128xf32, #tpu.memory_space<hbm>> -> memref<250x32xf32, #tpu.memory_space<hbm>>
        tpu.enqueue_dma source(%dma_start3A_41 : memref<250x32xf32, #tpu.memory_space<hbm>>) target(%dma_start3A_39 : memref<250x32xf32, #tpu.memory_space<vmem>>) target_semaphore(%run_scoped3A : memref<!tpu.dma_semaphore, #tpu.memory_space<semaphore_mem>>)
        %dma_wait3A = arith.constant 250 : i32
        %dma_wait3A_42 = arith.constant 0 : i32
        %dma_wait3A_43 = tpu.memref_slice %arg6[%dma_wait3A, %dma_wait3A_42] : memref<1000x32xf32, #tpu.memory_space<vmem>> -> memref<250x32xf32, #tpu.memory_space<vmem>>
        %dma_wait3A_44 = arith.constant 32 : i32
        %dma_wait3A_45 = tpu.memref_slice %arg2[%add3A_31, %dma_wait3A_44] : memref<80000x128xf32, #tpu.memory_space<hbm>> -> memref<250x32xf32, #tpu.memory_space<hbm>>
        %dma_wait3A_46 = arith.constant 250 : i32
        %dma_wait3A_47 = arith.constant 0 : i32
        %dma_wait3A_48 = tpu.memref_slice %arg6[%dma_wait3A_46, %dma_wait3A_47] : memref<1000x32xf32, #tpu.memory_space<vmem>> -> memref<250x32xf32, #tpu.memory_space<vmem>>
        %dma_wait3A_49 = arith.constant 32 : i32
        %dma_wait3A_50 = tpu.memref_slice %arg2[%add3A_31, %dma_wait3A_49] : memref<80000x128xf32, #tpu.memory_space<hbm>> -> memref<250x32xf32, #tpu.memory_space<hbm>>
        tpu.wait_dma2 semaphore(%run_scoped3A : memref<!tpu.dma_semaphore, #tpu.memory_space<semaphore_mem>>) src(%dma_wait3A_50 : memref<250x32xf32, #tpu.memory_space<hbm>>) dst(%dma_wait3A_48 : memref<250x32xf32, #tpu.memory_space<vmem>>)
        tpu.yield
      }) : () -> ()
      "tpu.region"() ({
        %run_scoped3A = tpu.sem_alloc : memref<!tpu.dma_semaphore, #tpu.memory_space<semaphore_mem>>
        %dma_start3A = arith.constant 500 : i32
        %dma_start3A_33 = arith.constant 0 : i32
        %dma_start3A_34 = tpu.memref_slice %arg6[%dma_start3A, %dma_start3A_33] : memref<1000x32xf32, #tpu.memory_space<vmem>> -> memref<250x32xf32, #tpu.memory_space<vmem>>
        %dma_start3A_35 = arith.constant 64 : i32
        %dma_start3A_36 = tpu.memref_slice %arg2[%add3A_31, %dma_start3A_35] : memref<80000x128xf32, #tpu.memory_space<hbm>> -> memref<250x32xf32, #tpu.memory_space<hbm>>
        %dma_start3A_37 = arith.constant 500 : i32
        %dma_start3A_38 = arith.constant 0 : i32
        %dma_start3A_39 = tpu.memref_slice %arg6[%dma_start3A_37, %dma_start3A_38] : memref<1000x32xf32, #tpu.memory_space<vmem>> -> memref<250x32xf32, #tpu.memory_space<vmem>>
        %dma_start3A_40 = arith.constant 64 : i32
        %dma_start3A_41 = tpu.memref_slice %arg2[%add3A_31, %dma_start3A_40] : memref<80000x128xf32, #tpu.memory_space<hbm>> -> memref<250x32xf32, #tpu.memory_space<hbm>>
        tpu.enqueue_dma source(%dma_start3A_41 : memref<250x32xf32, #tpu.memory_space<hbm>>) target(%dma_start3A_39 : memref<250x32xf32, #tpu.memory_space<vmem>>) target_semaphore(%run_scoped3A : memref<!tpu.dma_semaphore, #tpu.memory_space<semaphore_mem>>)
        %dma_wait3A = arith.constant 500 : i32
        %dma_wait3A_42 = arith.constant 0 : i32
        %dma_wait3A_43 = tpu.memref_slice %arg6[%dma_wait3A, %dma_wait3A_42] : memref<1000x32xf32, #tpu.memory_space<vmem>> -> memref<250x32xf32, #tpu.memory_space<vmem>>
        %dma_wait3A_44 = arith.constant 64 : i32
        %dma_wait3A_45 = tpu.memref_slice %arg2[%add3A_31, %dma_wait3A_44] : memref<80000x128xf32, #tpu.memory_space<hbm>> -> memref<250x32xf32, #tpu.memory_space<hbm>>
        %dma_wait3A_46 = arith.constant 500 : i32
        %dma_wait3A_47 = arith.constant 0 : i32
        %dma_wait3A_48 = tpu.memref_slice %arg6[%dma_wait3A_46, %dma_wait3A_47] : memref<1000x32xf32, #tpu.memory_space<vmem>> -> memref<250x32xf32, #tpu.memory_space<vmem>>
        %dma_wait3A_49 = arith.constant 64 : i32
        %dma_wait3A_50 = tpu.memref_slice %arg2[%add3A_31, %dma_wait3A_49] : memref<80000x128xf32, #tpu.memory_space<hbm>> -> memref<250x32xf32, #tpu.memory_space<hbm>>
        tpu.wait_dma2 semaphore(%run_scoped3A : memref<!tpu.dma_semaphore, #tpu.memory_space<semaphore_mem>>) src(%dma_wait3A_50 : memref<250x32xf32, #tpu.memory_space<hbm>>) dst(%dma_wait3A_48 : memref<250x32xf32, #tpu.memory_space<vmem>>)
        tpu.yield
      }) : () -> ()
      "tpu.region"() ({
        %run_scoped3A = tpu.sem_alloc : memref<!tpu.dma_semaphore, #tpu.memory_space<semaphore_mem>>
        %dma_start3A = arith.constant 750 : i32
        %dma_start3A_33 = arith.constant 0 : i32
        %dma_start3A_34 = tpu.memref_slice %arg6[%dma_start3A, %dma_start3A_33] : memref<1000x32xf32, #tpu.memory_space<vmem>> -> memref<250x32xf32, #tpu.memory_space<vmem>>
        %dma_start3A_35 = arith.constant 96 : i32
        %dma_start3A_36 = tpu.memref_slice %arg2[%add3A_31, %dma_start3A_35] : memref<80000x128xf32, #tpu.memory_space<hbm>> -> memref<250x32xf32, #tpu.memory_space<hbm>>
        %dma_start3A_37 = arith.constant 750 : i32
        %dma_start3A_38 = arith.constant 0 : i32
        %dma_start3A_39 = tpu.memref_slice %arg6[%dma_start3A_37, %dma_start3A_38] : memref<1000x32xf32, #tpu.memory_space<vmem>> -> memref<250x32xf32, #tpu.memory_space<vmem>>
        %dma_start3A_40 = arith.constant 96 : i32
        %dma_start3A_41 = tpu.memref_slice %arg2[%add3A_31, %dma_start3A_40] : memref<80000x128xf32, #tpu.memory_space<hbm>> -> memref<250x32xf32, #tpu.memory_space<hbm>>
        tpu.enqueue_dma source(%dma_start3A_41 : memref<250x32xf32, #tpu.memory_space<hbm>>) target(%dma_start3A_39 : memref<250x32xf32, #tpu.memory_space<vmem>>) target_semaphore(%run_scoped3A : memref<!tpu.dma_semaphore, #tpu.memory_space<semaphore_mem>>)
        %dma_wait3A = arith.constant 750 : i32
        %dma_wait3A_42 = arith.constant 0 : i32
        %dma_wait3A_43 = tpu.memref_slice %arg6[%dma_wait3A, %dma_wait3A_42] : memref<1000x32xf32, #tpu.memory_space<vmem>> -> memref<250x32xf32, #tpu.memory_space<vmem>>
        %dma_wait3A_44 = arith.constant 96 : i32
        %dma_wait3A_45 = tpu.memref_slice %arg2[%add3A_31, %dma_wait3A_44] : memref<80000x128xf32, #tpu.memory_space<hbm>> -> memref<250x32xf32, #tpu.memory_space<hbm>>
        %dma_wait3A_46 = arith.constant 750 : i32
        %dma_wait3A_47 = arith.constant 0 : i32
        %dma_wait3A_48 = tpu.memref_slice %arg6[%dma_wait3A_46, %dma_wait3A_47] : memref<1000x32xf32, #tpu.memory_space<vmem>> -> memref<250x32xf32, #tpu.memory_space<vmem>>
        %dma_wait3A_49 = arith.constant 96 : i32
        %dma_wait3A_50 = tpu.memref_slice %arg2[%add3A_31, %dma_wait3A_49] : memref<80000x128xf32, #tpu.memory_space<hbm>> -> memref<250x32xf32, #tpu.memory_space<hbm>>
        tpu.wait_dma2 semaphore(%run_scoped3A : memref<!tpu.dma_semaphore, #tpu.memory_space<semaphore_mem>>) src(%dma_wait3A_50 : memref<250x32xf32, #tpu.memory_space<hbm>>) dst(%dma_wait3A_48 : memref<250x32xf32, #tpu.memory_space<vmem>>)
        tpu.yield
      }) : () -> ()
      "tpu.region"() ({
        %run_scoped3A = tpu.sem_alloc : memref<!tpu.dma_semaphore, #tpu.memory_space<semaphore_mem>>
        %dma_start3A = arith.constant 0 : i32
        %dma_start3A_33 = arith.constant 0 : i32
        %dma_start3A_34 = tpu.memref_slice %arg8[%dma_start3A, %dma_start3A_33] : memref<10000x32xf32, #tpu.memory_space<vmem_shared>> -> memref<10000x32xf32, #tpu.memory_space<vmem_shared>>
        tpu.enqueue_indirect_dma source(%arg6 : memref<1000x32xf32, #tpu.memory_space<vmem>>) target(%dma_start3A_34 : memref<10000x32xf32, #tpu.memory_space<vmem_shared>>) offsets(%arg5 : memref<1000xi32, #tpu.memory_space<vmem>>) semaphore(%run_scoped3A : memref<!tpu.dma_semaphore, #tpu.memory_space<semaphore_mem>>) {add = true}
        %dma_wait3A = arith.constant 0 : i32
        %dma_wait3A_35 = arith.constant 0 : i32
        %dma_wait3A_36 = tpu.memref_slice %arg8[%dma_wait3A, %dma_wait3A_35] : memref<10000x32xf32, #tpu.memory_space<vmem_shared>> -> memref<10000x32xf32, #tpu.memory_space<vmem_shared>>
        tpu.wait_indirect_dma semaphore(%run_scoped3A : memref<!tpu.dma_semaphore, #tpu.memory_space<semaphore_mem>>) src(%arg6 : memref<1000x32xf32, #tpu.memory_space<vmem>>) dst(%dma_wait3A_36 : memref<10000x32xf32, #tpu.memory_space<vmem_shared>>)
        tpu.yield
      }) : () -> ()
      %scan3A_32 = arith.constant 0 : i32
      scf.yield %scan3A_32 : i32
    }
    %scan3A_18 = arith.constant 10 : i32
    %barrier3A_19 = arith.constant 0 : index
    tpu.barrier barrier_id(%barrier3A_19)
    "tpu.region"() ({
      %run_scoped3A = tpu.sem_alloc : memref<!tpu.dma_semaphore, #tpu.memory_space<semaphore_mem>>
      %dma_start3A = arith.constant 0 : i32
      %dma_start3A_20 = tpu.memref_slice %arg8[%mul3A_11, %dma_start3A] : memref<10000x32xf32, #tpu.memory_space<vmem_shared>> -> memref<625x32xf32, #tpu.memory_space<vmem_shared>>
      %dma_start3A_21 = arith.constant 0 : i32
      %dma_start3A_22 = tpu.memref_slice %arg8[%mul3A_11, %dma_start3A_21] : memref<10000x32xf32, #tpu.memory_space<vmem_shared>> -> memref<625x32xf32, #tpu.memory_space<vmem_shared>>
      tpu.enqueue_dma source(%dma_start3A_22 : memref<625x32xf32, #tpu.memory_space<vmem_shared>>) target(%arg7 : memref<625x32xf32, #tpu.memory_space<vmem>>) target_semaphore(%run_scoped3A : memref<!tpu.dma_semaphore, #tpu.memory_space<semaphore_mem>>)
      %dma_wait3A = arith.constant 0 : i32
      %dma_wait3A_23 = tpu.memref_slice %arg8[%mul3A_11, %dma_wait3A] : memref<10000x32xf32, #tpu.memory_space<vmem_shared>> -> memref<625x32xf32, #tpu.memory_space<vmem_shared>>
      %dma_wait3A_24 = arith.constant 0 : i32
      %dma_wait3A_25 = tpu.memref_slice %arg8[%mul3A_11, %dma_wait3A_24] : memref<10000x32xf32, #tpu.memory_space<vmem_shared>> -> memref<625x32xf32, #tpu.memory_space<vmem_shared>>
      tpu.wait_dma2 semaphore(%run_scoped3A : memref<!tpu.dma_semaphore, #tpu.memory_space<semaphore_mem>>) src(%dma_wait3A_25 : memref<625x32xf32, #tpu.memory_space<vmem_shared>>) dst(%arg7 : memref<625x32xf32, #tpu.memory_space<vmem>>)
      tpu.yield
    }) : () -> ()
    "tpu.region"() ({
      %run_scoped3A = tpu.sem_alloc : memref<!tpu.dma_semaphore, #tpu.memory_space<semaphore_mem>>
      %dma_start3A = arith.constant 0 : i32
      %dma_start3A_20 = tpu.memref_slice %arg4[%arg0, %mul3A_11, %dma_start3A] : memref<2x10000x32xf32, #tpu.memory_space<hbm>> -> memref<1x625x32xf32, #tpu.memory_space<hbm>>
      %dma_start3A_21 = tpu.memref_squeeze %dma_start3A_20 : memref<1x625x32xf32, #tpu.memory_space<hbm>> -> memref<625x32xf32, #tpu.memory_space<hbm>>
      %dma_start3A_22 = arith.constant 0 : i32
      %dma_start3A_23 = tpu.memref_slice %arg4[%arg0, %mul3A_11, %dma_start3A_22] : memref<2x10000x32xf32, #tpu.memory_space<hbm>> -> memref<1x625x32xf32, #tpu.memory_space<hbm>>
      %dma_start3A_24 = tpu.memref_squeeze %dma_start3A_23 : memref<1x625x32xf32, #tpu.memory_space<hbm>> -> memref<625x32xf32, #tpu.memory_space<hbm>>
      tpu.enqueue_dma source(%arg7 : memref<625x32xf32, #tpu.memory_space<vmem>>) target(%dma_start3A_24 : memref<625x32xf32, #tpu.memory_space<hbm>>) target_semaphore(%run_scoped3A : memref<!tpu.dma_semaphore, #tpu.memory_space<semaphore_mem>>)
      %dma_wait3A = arith.constant 0 : i32
      %dma_wait3A_25 = tpu.memref_slice %arg4[%arg0, %mul3A_11, %dma_wait3A] : memref<2x10000x32xf32, #tpu.memory_space<hbm>> -> memref<1x625x32xf32, #tpu.memory_space<hbm>>
      %dma_wait3A_26 = tpu.memref_squeeze %dma_wait3A_25 : memref<1x625x32xf32, #tpu.memory_space<hbm>> -> memref<625x32xf32, #tpu.memory_space<hbm>>
      %dma_wait3A_27 = arith.constant 0 : i32
      %dma_wait3A_28 = tpu.memref_slice %arg4[%arg0, %mul3A_11, %dma_wait3A_27] : memref<2x10000x32xf32, #tpu.memory_space<hbm>> -> memref<1x625x32xf32, #tpu.memory_space<hbm>>
      %dma_wait3A_29 = tpu.memref_squeeze %dma_wait3A_28 : memref<1x625x32xf32, #tpu.memory_space<hbm>> -> memref<625x32xf32, #tpu.memory_space<hbm>>
      tpu.wait_dma2 semaphore(%run_scoped3A : memref<!tpu.dma_semaphore, #tpu.memory_space<semaphore_mem>>) src(%arg7 : memref<625x32xf32, #tpu.memory_space<vmem>>) dst(%dma_wait3A_29 : memref<625x32xf32, #tpu.memory_space<hbm>>)
      tpu.yield
    }) : () -> ()
    return
  }
}

#map = affine_map<(d0, d1) -> (0, 0)>
#map1 = affine_map<(d0, d1) -> (0)>
module attributes {stable_mosaic.version = 14 : i64} {
  func.func @gather(%arg0: i32, %arg1: i32, %arg2: memref<10000x32xf32, #tpu.memory_space<hbm>>, %arg3: memref<10000x32xf32, #tpu.memory_space<hbm>>, %arg4: memref<320000xi32, #tpu.memory_space<hbm>>, %arg5: memref<320000xi32, #tpu.memory_space<hbm>>, %arg6: memref<80000x128xf32, #tpu.memory_space<hbm>>, %arg7: memref<80000x128xf32, #tpu.memory_space<hbm>>, %arg8: memref<1000xi32, #tpu.memory_space<vmem>>, %arg9: memref<1000xi32, #tpu.memory_space<vmem>>, %arg10: memref<1000x32xf32, #tpu.memory_space<vmem>>, %arg11: memref<1000x32xf32, #tpu.memory_space<vmem>>, %arg12: memref<!tpu.dma_semaphore, #tpu.memory_space<semaphore_mem>>, %arg13: memref<!tpu.dma_semaphore, #tpu.memory_space<semaphore_mem>>) attributes {dimension_semantics = [#tpu.dimension_semantics<core_parallel>, #tpu.dimension_semantics<subcore_parallel>], iteration_bounds = array<i64: 2, 16>, scalar_prefetch = 0 : i64, scratch_operands = 6 : i64, tpu.core_type = #tpu.core_type<sc_vector_subcore>, window_params = [{transform_indices = #map}, {transform_indices = #map}, {transform_indices = #map1}, {transform_indices = #map1}, {transform_indices = #map}, {transform_indices = #map}]} {
    %mul3A = arith.constant 2 : i32
    %mul3A_0 = arith.muli %arg1, %mul3A : i32
    %add3A = arith.addi %mul3A_0, %arg0 : i32
    %scan3A = arith.constant 0 : i32
    %scan3A_1 = arith.constant 0 : i32
    %scan3A_2 = arith.constant 10 : i32
    %scan3A_3 = arith.addi %scan3A_1, %scan3A_2 : i32
    %scan3A_4 = arith.constant 1 : i32
    %scan3A_5 = scf.for %scan3A_7 = %scan3A_1 to %scan3A_3 step %scan3A_4 iter_args(%scan3A_8 = %scan3A) -> (i32)  : i32 {
      %mul3A_9 = arith.constant 10000 : i32
      %mul3A_10 = arith.muli %add3A, %mul3A_9 : i32
      %mul3A_11 = arith.constant 1000 : i32
      %mul3A_12 = arith.muli %scan3A_7, %mul3A_11 : i32
      %add3A_13 = arith.addi %mul3A_10, %mul3A_12 : i32
      %mul3A_14 = arith.constant 2500 : i32
      %mul3A_15 = arith.muli %add3A, %mul3A_14 : i32
      %mul3A_16 = arith.constant 250 : i32
      %mul3A_17 = arith.muli %scan3A_7, %mul3A_16 : i32
      %add3A_18 = arith.addi %mul3A_15, %mul3A_17 : i32
      "tpu.region"() ({
        %run_scoped3A = tpu.sem_alloc : memref<!tpu.dma_semaphore, #tpu.memory_space<semaphore_mem>>
        %dma_start3A_30 = tpu.memref_slice %arg4[%add3A_13] : memref<320000xi32, #tpu.memory_space<hbm>> -> memref<1000xi32, #tpu.memory_space<hbm>>
        %dma_start3A_31 = tpu.memref_slice %arg4[%add3A_13] : memref<320000xi32, #tpu.memory_space<hbm>> -> memref<1000xi32, #tpu.memory_space<hbm>>
        tpu.enqueue_dma source(%dma_start3A_31 : memref<1000xi32, #tpu.memory_space<hbm>>) target(%arg8 : memref<1000xi32, #tpu.memory_space<vmem>>) target_semaphore(%run_scoped3A : memref<!tpu.dma_semaphore, #tpu.memory_space<semaphore_mem>>)
        %dma_wait3A_32 = tpu.memref_slice %arg4[%add3A_13] : memref<320000xi32, #tpu.memory_space<hbm>> -> memref<1000xi32, #tpu.memory_space<hbm>>
        %dma_wait3A_33 = tpu.memref_slice %arg4[%add3A_13] : memref<320000xi32, #tpu.memory_space<hbm>> -> memref<1000xi32, #tpu.memory_space<hbm>>
        tpu.wait_dma2 semaphore(%run_scoped3A : memref<!tpu.dma_semaphore, #tpu.memory_space<semaphore_mem>>) src(%dma_wait3A_33 : memref<1000xi32, #tpu.memory_space<hbm>>) dst(%arg8 : memref<1000xi32, #tpu.memory_space<vmem>>)
        tpu.yield
      }) : () -> ()
      "tpu.region"() ({
        %run_scoped3A = tpu.sem_alloc : memref<!tpu.dma_semaphore, #tpu.memory_space<semaphore_mem>>
        %dma_start3A_30 = tpu.memref_slice %arg5[%add3A_13] : memref<320000xi32, #tpu.memory_space<hbm>> -> memref<1000xi32, #tpu.memory_space<hbm>>
        %dma_start3A_31 = tpu.memref_slice %arg5[%add3A_13] : memref<320000xi32, #tpu.memory_space<hbm>> -> memref<1000xi32, #tpu.memory_space<hbm>>
        tpu.enqueue_dma source(%dma_start3A_31 : memref<1000xi32, #tpu.memory_space<hbm>>) target(%arg9 : memref<1000xi32, #tpu.memory_space<vmem>>) target_semaphore(%run_scoped3A : memref<!tpu.dma_semaphore, #tpu.memory_space<semaphore_mem>>)
        %dma_wait3A_32 = tpu.memref_slice %arg5[%add3A_13] : memref<320000xi32, #tpu.memory_space<hbm>> -> memref<1000xi32, #tpu.memory_space<hbm>>
        %dma_wait3A_33 = tpu.memref_slice %arg5[%add3A_13] : memref<320000xi32, #tpu.memory_space<hbm>> -> memref<1000xi32, #tpu.memory_space<hbm>>
        tpu.wait_dma2 semaphore(%run_scoped3A : memref<!tpu.dma_semaphore, #tpu.memory_space<semaphore_mem>>) src(%dma_wait3A_33 : memref<1000xi32, #tpu.memory_space<hbm>>) dst(%arg9 : memref<1000xi32, #tpu.memory_space<vmem>>)
        tpu.yield
      }) : () -> ()
      %dma_start3A = arith.constant 0 : i32
      %dma_start3A_19 = arith.constant 0 : i32
      %dma_start3A_20 = tpu.memref_slice %arg2[%dma_start3A, %dma_start3A_19] : memref<10000x32xf32, #tpu.memory_space<hbm>> -> memref<10000x32xf32, #tpu.memory_space<hbm>>
      tpu.enqueue_indirect_dma source(%dma_start3A_20 : memref<10000x32xf32, #tpu.memory_space<hbm>>) target(%arg10 : memref<1000x32xf32, #tpu.memory_space<vmem>>) offsets(%arg8 : memref<1000xi32, #tpu.memory_space<vmem>>) semaphore(%arg12 : memref<!tpu.dma_semaphore, #tpu.memory_space<semaphore_mem>>)
      %dma_start3A_21 = arith.constant 0 : i32
      %dma_start3A_22 = arith.constant 0 : i32
      %dma_start3A_23 = tpu.memref_slice %arg3[%dma_start3A_21, %dma_start3A_22] : memref<10000x32xf32, #tpu.memory_space<hbm>> -> memref<10000x32xf32, #tpu.memory_space<hbm>>
      tpu.enqueue_indirect_dma source(%dma_start3A_23 : memref<10000x32xf32, #tpu.memory_space<hbm>>) target(%arg11 : memref<1000x32xf32, #tpu.memory_space<vmem>>) offsets(%arg9 : memref<1000xi32, #tpu.memory_space<vmem>>) semaphore(%arg13 : memref<!tpu.dma_semaphore, #tpu.memory_space<semaphore_mem>>)
      %dma_wait3A = arith.constant 0 : i32
      %dma_wait3A_24 = arith.constant 0 : i32
      %dma_wait3A_25 = tpu.memref_slice %arg2[%dma_wait3A, %dma_wait3A_24] : memref<10000x32xf32, #tpu.memory_space<hbm>> -> memref<10000x32xf32, #tpu.memory_space<hbm>>
      tpu.wait_indirect_dma semaphore(%arg12 : memref<!tpu.dma_semaphore, #tpu.memory_space<semaphore_mem>>) src(%dma_wait3A_25 : memref<10000x32xf32, #tpu.memory_space<hbm>>) dst(%arg10 : memref<1000x32xf32, #tpu.memory_space<vmem>>)
      %dma_wait3A_26 = arith.constant 0 : i32
      %dma_wait3A_27 = arith.constant 0 : i32
      %dma_wait3A_28 = tpu.memref_slice %arg3[%dma_wait3A_26, %dma_wait3A_27] : memref<10000x32xf32, #tpu.memory_space<hbm>> -> memref<10000x32xf32, #tpu.memory_space<hbm>>
      tpu.wait_indirect_dma semaphore(%arg13 : memref<!tpu.dma_semaphore, #tpu.memory_space<semaphore_mem>>) src(%dma_wait3A_28 : memref<10000x32xf32, #tpu.memory_space<hbm>>) dst(%arg11 : memref<1000x32xf32, #tpu.memory_space<vmem>>)
      "tpu.region"() ({
        %run_scoped3A = tpu.sem_alloc : memref<!tpu.dma_semaphore, #tpu.memory_space<semaphore_mem>>
        %dma_start3A_30 = arith.constant 0 : i32
        %dma_start3A_31 = arith.constant 0 : i32
        %dma_start3A_32 = tpu.memref_slice %arg10[%dma_start3A_30, %dma_start3A_31] : memref<1000x32xf32, #tpu.memory_space<vmem>> -> memref<250x32xf32, #tpu.memory_space<vmem>>
        %dma_start3A_33 = arith.constant 0 : i32
        %dma_start3A_34 = tpu.memref_slice %arg6[%add3A_18, %dma_start3A_33] : memref<80000x128xf32, #tpu.memory_space<hbm>> -> memref<250x32xf32, #tpu.memory_space<hbm>>
        %dma_start3A_35 = arith.constant 0 : i32
        %dma_start3A_36 = tpu.memref_slice %arg6[%add3A_18, %dma_start3A_35] : memref<80000x128xf32, #tpu.memory_space<hbm>> -> memref<250x32xf32, #tpu.memory_space<hbm>>
        %dma_start3A_37 = arith.constant 0 : i32
        %dma_start3A_38 = arith.constant 0 : i32
        %dma_start3A_39 = tpu.memref_slice %arg10[%dma_start3A_37, %dma_start3A_38] : memref<1000x32xf32, #tpu.memory_space<vmem>> -> memref<250x32xf32, #tpu.memory_space<vmem>>
        tpu.enqueue_dma source(%dma_start3A_39 : memref<250x32xf32, #tpu.memory_space<vmem>>) target(%dma_start3A_36 : memref<250x32xf32, #tpu.memory_space<hbm>>) target_semaphore(%run_scoped3A : memref<!tpu.dma_semaphore, #tpu.memory_space<semaphore_mem>>)
        %dma_wait3A_40 = arith.constant 0 : i32
        %dma_wait3A_41 = arith.constant 0 : i32
        %dma_wait3A_42 = tpu.memref_slice %arg10[%dma_wait3A_40, %dma_wait3A_41] : memref<1000x32xf32, #tpu.memory_space<vmem>> -> memref<250x32xf32, #tpu.memory_space<vmem>>
        %dma_wait3A_43 = arith.constant 0 : i32
        %dma_wait3A_44 = tpu.memref_slice %arg6[%add3A_18, %dma_wait3A_43] : memref<80000x128xf32, #tpu.memory_space<hbm>> -> memref<250x32xf32, #tpu.memory_space<hbm>>
        %dma_wait3A_45 = arith.constant 0 : i32
        %dma_wait3A_46 = tpu.memref_slice %arg6[%add3A_18, %dma_wait3A_45] : memref<80000x128xf32, #tpu.memory_space<hbm>> -> memref<250x32xf32, #tpu.memory_space<hbm>>
        %dma_wait3A_47 = arith.constant 0 : i32
        %dma_wait3A_48 = arith.constant 0 : i32
        %dma_wait3A_49 = tpu.memref_slice %arg10[%dma_wait3A_47, %dma_wait3A_48] : memref<1000x32xf32, #tpu.memory_space<vmem>> -> memref<250x32xf32, #tpu.memory_space<vmem>>
        tpu.wait_dma2 semaphore(%run_scoped3A : memref<!tpu.dma_semaphore, #tpu.memory_space<semaphore_mem>>) src(%dma_wait3A_49 : memref<250x32xf32, #tpu.memory_space<vmem>>) dst(%dma_wait3A_46 : memref<250x32xf32, #tpu.memory_space<hbm>>)
        tpu.yield
      }) : () -> ()
      "tpu.region"() ({
        %run_scoped3A = tpu.sem_alloc : memref<!tpu.dma_semaphore, #tpu.memory_space<semaphore_mem>>
        %dma_start3A_30 = arith.constant 0 : i32
        %dma_start3A_31 = arith.constant 0 : i32
        %dma_start3A_32 = tpu.memref_slice %arg11[%dma_start3A_30, %dma_start3A_31] : memref<1000x32xf32, #tpu.memory_space<vmem>> -> memref<250x32xf32, #tpu.memory_space<vmem>>
        %dma_start3A_33 = arith.constant 0 : i32
        %dma_start3A_34 = tpu.memref_slice %arg7[%add3A_18, %dma_start3A_33] : memref<80000x128xf32, #tpu.memory_space<hbm>> -> memref<250x32xf32, #tpu.memory_space<hbm>>
        %dma_start3A_35 = arith.constant 0 : i32
        %dma_start3A_36 = tpu.memref_slice %arg7[%add3A_18, %dma_start3A_35] : memref<80000x128xf32, #tpu.memory_space<hbm>> -> memref<250x32xf32, #tpu.memory_space<hbm>>
        %dma_start3A_37 = arith.constant 0 : i32
        %dma_start3A_38 = arith.constant 0 : i32
        %dma_start3A_39 = tpu.memref_slice %arg11[%dma_start3A_37, %dma_start3A_38] : memref<1000x32xf32, #tpu.memory_space<vmem>> -> memref<250x32xf32, #tpu.memory_space<vmem>>
        tpu.enqueue_dma source(%dma_start3A_39 : memref<250x32xf32, #tpu.memory_space<vmem>>) target(%dma_start3A_36 : memref<250x32xf32, #tpu.memory_space<hbm>>) target_semaphore(%run_scoped3A : memref<!tpu.dma_semaphore, #tpu.memory_space<semaphore_mem>>)
        %dma_wait3A_40 = arith.constant 0 : i32
        %dma_wait3A_41 = arith.constant 0 : i32
        %dma_wait3A_42 = tpu.memref_slice %arg11[%dma_wait3A_40, %dma_wait3A_41] : memref<1000x32xf32, #tpu.memory_space<vmem>> -> memref<250x32xf32, #tpu.memory_space<vmem>>
        %dma_wait3A_43 = arith.constant 0 : i32
        %dma_wait3A_44 = tpu.memref_slice %arg7[%add3A_18, %dma_wait3A_43] : memref<80000x128xf32, #tpu.memory_space<hbm>> -> memref<250x32xf32, #tpu.memory_space<hbm>>
        %dma_wait3A_45 = arith.constant 0 : i32
        %dma_wait3A_46 = tpu.memref_slice %arg7[%add3A_18, %dma_wait3A_45] : memref<80000x128xf32, #tpu.memory_space<hbm>> -> memref<250x32xf32, #tpu.memory_space<hbm>>
        %dma_wait3A_47 = arith.constant 0 : i32
        %dma_wait3A_48 = arith.constant 0 : i32
        %dma_wait3A_49 = tpu.memref_slice %arg11[%dma_wait3A_47, %dma_wait3A_48] : memref<1000x32xf32, #tpu.memory_space<vmem>> -> memref<250x32xf32, #tpu.memory_space<vmem>>
        tpu.wait_dma2 semaphore(%run_scoped3A : memref<!tpu.dma_semaphore, #tpu.memory_space<semaphore_mem>>) src(%dma_wait3A_49 : memref<250x32xf32, #tpu.memory_space<vmem>>) dst(%dma_wait3A_46 : memref<250x32xf32, #tpu.memory_space<hbm>>)
        tpu.yield
      }) : () -> ()
      "tpu.region"() ({
        %run_scoped3A = tpu.sem_alloc : memref<!tpu.dma_semaphore, #tpu.memory_space<semaphore_mem>>
        %dma_start3A_30 = arith.constant 250 : i32
        %dma_start3A_31 = arith.constant 0 : i32
        %dma_start3A_32 = tpu.memref_slice %arg10[%dma_start3A_30, %dma_start3A_31] : memref<1000x32xf32, #tpu.memory_space<vmem>> -> memref<250x32xf32, #tpu.memory_space<vmem>>
        %dma_start3A_33 = arith.constant 32 : i32
        %dma_start3A_34 = tpu.memref_slice %arg6[%add3A_18, %dma_start3A_33] : memref<80000x128xf32, #tpu.memory_space<hbm>> -> memref<250x32xf32, #tpu.memory_space<hbm>>
        %dma_start3A_35 = arith.constant 32 : i32
        %dma_start3A_36 = tpu.memref_slice %arg6[%add3A_18, %dma_start3A_35] : memref<80000x128xf32, #tpu.memory_space<hbm>> -> memref<250x32xf32, #tpu.memory_space<hbm>>
        %dma_start3A_37 = arith.constant 250 : i32
        %dma_start3A_38 = arith.constant 0 : i32
        %dma_start3A_39 = tpu.memref_slice %arg10[%dma_start3A_37, %dma_start3A_38] : memref<1000x32xf32, #tpu.memory_space<vmem>> -> memref<250x32xf32, #tpu.memory_space<vmem>>
        tpu.enqueue_dma source(%dma_start3A_39 : memref<250x32xf32, #tpu.memory_space<vmem>>) target(%dma_start3A_36 : memref<250x32xf32, #tpu.memory_space<hbm>>) target_semaphore(%run_scoped3A : memref<!tpu.dma_semaphore, #tpu.memory_space<semaphore_mem>>)
        %dma_wait3A_40 = arith.constant 250 : i32
        %dma_wait3A_41 = arith.constant 0 : i32
        %dma_wait3A_42 = tpu.memref_slice %arg10[%dma_wait3A_40, %dma_wait3A_41] : memref<1000x32xf32, #tpu.memory_space<vmem>> -> memref<250x32xf32, #tpu.memory_space<vmem>>
        %dma_wait3A_43 = arith.constant 32 : i32
        %dma_wait3A_44 = tpu.memref_slice %arg6[%add3A_18, %dma_wait3A_43] : memref<80000x128xf32, #tpu.memory_space<hbm>> -> memref<250x32xf32, #tpu.memory_space<hbm>>
        %dma_wait3A_45 = arith.constant 32 : i32
        %dma_wait3A_46 = tpu.memref_slice %arg6[%add3A_18, %dma_wait3A_45] : memref<80000x128xf32, #tpu.memory_space<hbm>> -> memref<250x32xf32, #tpu.memory_space<hbm>>
        %dma_wait3A_47 = arith.constant 250 : i32
        %dma_wait3A_48 = arith.constant 0 : i32
        %dma_wait3A_49 = tpu.memref_slice %arg10[%dma_wait3A_47, %dma_wait3A_48] : memref<1000x32xf32, #tpu.memory_space<vmem>> -> memref<250x32xf32, #tpu.memory_space<vmem>>
        tpu.wait_dma2 semaphore(%run_scoped3A : memref<!tpu.dma_semaphore, #tpu.memory_space<semaphore_mem>>) src(%dma_wait3A_49 : memref<250x32xf32, #tpu.memory_space<vmem>>) dst(%dma_wait3A_46 : memref<250x32xf32, #tpu.memory_space<hbm>>)
        tpu.yield
      }) : () -> ()
      "tpu.region"() ({
        %run_scoped3A = tpu.sem_alloc : memref<!tpu.dma_semaphore, #tpu.memory_space<semaphore_mem>>
        %dma_start3A_30 = arith.constant 250 : i32
        %dma_start3A_31 = arith.constant 0 : i32
        %dma_start3A_32 = tpu.memref_slice %arg11[%dma_start3A_30, %dma_start3A_31] : memref<1000x32xf32, #tpu.memory_space<vmem>> -> memref<250x32xf32, #tpu.memory_space<vmem>>
        %dma_start3A_33 = arith.constant 32 : i32
        %dma_start3A_34 = tpu.memref_slice %arg7[%add3A_18, %dma_start3A_33] : memref<80000x128xf32, #tpu.memory_space<hbm>> -> memref<250x32xf32, #tpu.memory_space<hbm>>
        %dma_start3A_35 = arith.constant 32 : i32
        %dma_start3A_36 = tpu.memref_slice %arg7[%add3A_18, %dma_start3A_35] : memref<80000x128xf32, #tpu.memory_space<hbm>> -> memref<250x32xf32, #tpu.memory_space<hbm>>
        %dma_start3A_37 = arith.constant 250 : i32
        %dma_start3A_38 = arith.constant 0 : i32
        %dma_start3A_39 = tpu.memref_slice %arg11[%dma_start3A_37, %dma_start3A_38] : memref<1000x32xf32, #tpu.memory_space<vmem>> -> memref<250x32xf32, #tpu.memory_space<vmem>>
        tpu.enqueue_dma source(%dma_start3A_39 : memref<250x32xf32, #tpu.memory_space<vmem>>) target(%dma_start3A_36 : memref<250x32xf32, #tpu.memory_space<hbm>>) target_semaphore(%run_scoped3A : memref<!tpu.dma_semaphore, #tpu.memory_space<semaphore_mem>>)
        %dma_wait3A_40 = arith.constant 250 : i32
        %dma_wait3A_41 = arith.constant 0 : i32
        %dma_wait3A_42 = tpu.memref_slice %arg11[%dma_wait3A_40, %dma_wait3A_41] : memref<1000x32xf32, #tpu.memory_space<vmem>> -> memref<250x32xf32, #tpu.memory_space<vmem>>
        %dma_wait3A_43 = arith.constant 32 : i32
        %dma_wait3A_44 = tpu.memref_slice %arg7[%add3A_18, %dma_wait3A_43] : memref<80000x128xf32, #tpu.memory_space<hbm>> -> memref<250x32xf32, #tpu.memory_space<hbm>>
        %dma_wait3A_45 = arith.constant 32 : i32
        %dma_wait3A_46 = tpu.memref_slice %arg7[%add3A_18, %dma_wait3A_45] : memref<80000x128xf32, #tpu.memory_space<hbm>> -> memref<250x32xf32, #tpu.memory_space<hbm>>
        %dma_wait3A_47 = arith.constant 250 : i32
        %dma_wait3A_48 = arith.constant 0 : i32
        %dma_wait3A_49 = tpu.memref_slice %arg11[%dma_wait3A_47, %dma_wait3A_48] : memref<1000x32xf32, #tpu.memory_space<vmem>> -> memref<250x32xf32, #tpu.memory_space<vmem>>
        tpu.wait_dma2 semaphore(%run_scoped3A : memref<!tpu.dma_semaphore, #tpu.memory_space<semaphore_mem>>) src(%dma_wait3A_49 : memref<250x32xf32, #tpu.memory_space<vmem>>) dst(%dma_wait3A_46 : memref<250x32xf32, #tpu.memory_space<hbm>>)
        tpu.yield
      }) : () -> ()
      "tpu.region"() ({
        %run_scoped3A = tpu.sem_alloc : memref<!tpu.dma_semaphore, #tpu.memory_space<semaphore_mem>>
        %dma_start3A_30 = arith.constant 500 : i32
        %dma_start3A_31 = arith.constant 0 : i32
        %dma_start3A_32 = tpu.memref_slice %arg10[%dma_start3A_30, %dma_start3A_31] : memref<1000x32xf32, #tpu.memory_space<vmem>> -> memref<250x32xf32, #tpu.memory_space<vmem>>
        %dma_start3A_33 = arith.constant 64 : i32
        %dma_start3A_34 = tpu.memref_slice %arg6[%add3A_18, %dma_start3A_33] : memref<80000x128xf32, #tpu.memory_space<hbm>> -> memref<250x32xf32, #tpu.memory_space<hbm>>
        %dma_start3A_35 = arith.constant 64 : i32
        %dma_start3A_36 = tpu.memref_slice %arg6[%add3A_18, %dma_start3A_35] : memref<80000x128xf32, #tpu.memory_space<hbm>> -> memref<250x32xf32, #tpu.memory_space<hbm>>
        %dma_start3A_37 = arith.constant 500 : i32
        %dma_start3A_38 = arith.constant 0 : i32
        %dma_start3A_39 = tpu.memref_slice %arg10[%dma_start3A_37, %dma_start3A_38] : memref<1000x32xf32, #tpu.memory_space<vmem>> -> memref<250x32xf32, #tpu.memory_space<vmem>>
        tpu.enqueue_dma source(%dma_start3A_39 : memref<250x32xf32, #tpu.memory_space<vmem>>) target(%dma_start3A_36 : memref<250x32xf32, #tpu.memory_space<hbm>>) target_semaphore(%run_scoped3A : memref<!tpu.dma_semaphore, #tpu.memory_space<semaphore_mem>>)
        %dma_wait3A_40 = arith.constant 500 : i32
        %dma_wait3A_41 = arith.constant 0 : i32
        %dma_wait3A_42 = tpu.memref_slice %arg10[%dma_wait3A_40, %dma_wait3A_41] : memref<1000x32xf32, #tpu.memory_space<vmem>> -> memref<250x32xf32, #tpu.memory_space<vmem>>
        %dma_wait3A_43 = arith.constant 64 : i32
        %dma_wait3A_44 = tpu.memref_slice %arg6[%add3A_18, %dma_wait3A_43] : memref<80000x128xf32, #tpu.memory_space<hbm>> -> memref<250x32xf32, #tpu.memory_space<hbm>>
        %dma_wait3A_45 = arith.constant 64 : i32
        %dma_wait3A_46 = tpu.memref_slice %arg6[%add3A_18, %dma_wait3A_45] : memref<80000x128xf32, #tpu.memory_space<hbm>> -> memref<250x32xf32, #tpu.memory_space<hbm>>
        %dma_wait3A_47 = arith.constant 500 : i32
        %dma_wait3A_48 = arith.constant 0 : i32
        %dma_wait3A_49 = tpu.memref_slice %arg10[%dma_wait3A_47, %dma_wait3A_48] : memref<1000x32xf32, #tpu.memory_space<vmem>> -> memref<250x32xf32, #tpu.memory_space<vmem>>
        tpu.wait_dma2 semaphore(%run_scoped3A : memref<!tpu.dma_semaphore, #tpu.memory_space<semaphore_mem>>) src(%dma_wait3A_49 : memref<250x32xf32, #tpu.memory_space<vmem>>) dst(%dma_wait3A_46 : memref<250x32xf32, #tpu.memory_space<hbm>>)
        tpu.yield
      }) : () -> ()
      "tpu.region"() ({
        %run_scoped3A = tpu.sem_alloc : memref<!tpu.dma_semaphore, #tpu.memory_space<semaphore_mem>>
        %dma_start3A_30 = arith.constant 500 : i32
        %dma_start3A_31 = arith.constant 0 : i32
        %dma_start3A_32 = tpu.memref_slice %arg11[%dma_start3A_30, %dma_start3A_31] : memref<1000x32xf32, #tpu.memory_space<vmem>> -> memref<250x32xf32, #tpu.memory_space<vmem>>
        %dma_start3A_33 = arith.constant 64 : i32
        %dma_start3A_34 = tpu.memref_slice %arg7[%add3A_18, %dma_start3A_33] : memref<80000x128xf32, #tpu.memory_space<hbm>> -> memref<250x32xf32, #tpu.memory_space<hbm>>
        %dma_start3A_35 = arith.constant 64 : i32
        %dma_start3A_36 = tpu.memref_slice %arg7[%add3A_18, %dma_start3A_35] : memref<80000x128xf32, #tpu.memory_space<hbm>> -> memref<250x32xf32, #tpu.memory_space<hbm>>
        %dma_start3A_37 = arith.constant 500 : i32
        %dma_start3A_38 = arith.constant 0 : i32
        %dma_start3A_39 = tpu.memref_slice %arg11[%dma_start3A_37, %dma_start3A_38] : memref<1000x32xf32, #tpu.memory_space<vmem>> -> memref<250x32xf32, #tpu.memory_space<vmem>>
        tpu.enqueue_dma source(%dma_start3A_39 : memref<250x32xf32, #tpu.memory_space<vmem>>) target(%dma_start3A_36 : memref<250x32xf32, #tpu.memory_space<hbm>>) target_semaphore(%run_scoped3A : memref<!tpu.dma_semaphore, #tpu.memory_space<semaphore_mem>>)
        %dma_wait3A_40 = arith.constant 500 : i32
        %dma_wait3A_41 = arith.constant 0 : i32
        %dma_wait3A_42 = tpu.memref_slice %arg11[%dma_wait3A_40, %dma_wait3A_41] : memref<1000x32xf32, #tpu.memory_space<vmem>> -> memref<250x32xf32, #tpu.memory_space<vmem>>
        %dma_wait3A_43 = arith.constant 64 : i32
        %dma_wait3A_44 = tpu.memref_slice %arg7[%add3A_18, %dma_wait3A_43] : memref<80000x128xf32, #tpu.memory_space<hbm>> -> memref<250x32xf32, #tpu.memory_space<hbm>>
        %dma_wait3A_45 = arith.constant 64 : i32
        %dma_wait3A_46 = tpu.memref_slice %arg7[%add3A_18, %dma_wait3A_45] : memref<80000x128xf32, #tpu.memory_space<hbm>> -> memref<250x32xf32, #tpu.memory_space<hbm>>
        %dma_wait3A_47 = arith.constant 500 : i32
        %dma_wait3A_48 = arith.constant 0 : i32
        %dma_wait3A_49 = tpu.memref_slice %arg11[%dma_wait3A_47, %dma_wait3A_48] : memref<1000x32xf32, #tpu.memory_space<vmem>> -> memref<250x32xf32, #tpu.memory_space<vmem>>
        tpu.wait_dma2 semaphore(%run_scoped3A : memref<!tpu.dma_semaphore, #tpu.memory_space<semaphore_mem>>) src(%dma_wait3A_49 : memref<250x32xf32, #tpu.memory_space<vmem>>) dst(%dma_wait3A_46 : memref<250x32xf32, #tpu.memory_space<hbm>>)
        tpu.yield
      }) : () -> ()
      "tpu.region"() ({
        %run_scoped3A = tpu.sem_alloc : memref<!tpu.dma_semaphore, #tpu.memory_space<semaphore_mem>>
        %dma_start3A_30 = arith.constant 750 : i32
        %dma_start3A_31 = arith.constant 0 : i32
        %dma_start3A_32 = tpu.memref_slice %arg10[%dma_start3A_30, %dma_start3A_31] : memref<1000x32xf32, #tpu.memory_space<vmem>> -> memref<250x32xf32, #tpu.memory_space<vmem>>
        %dma_start3A_33 = arith.constant 96 : i32
        %dma_start3A_34 = tpu.memref_slice %arg6[%add3A_18, %dma_start3A_33] : memref<80000x128xf32, #tpu.memory_space<hbm>> -> memref<250x32xf32, #tpu.memory_space<hbm>>
        %dma_start3A_35 = arith.constant 96 : i32
        %dma_start3A_36 = tpu.memref_slice %arg6[%add3A_18, %dma_start3A_35] : memref<80000x128xf32, #tpu.memory_space<hbm>> -> memref<250x32xf32, #tpu.memory_space<hbm>>
        %dma_start3A_37 = arith.constant 750 : i32
        %dma_start3A_38 = arith.constant 0 : i32
        %dma_start3A_39 = tpu.memref_slice %arg10[%dma_start3A_37, %dma_start3A_38] : memref<1000x32xf32, #tpu.memory_space<vmem>> -> memref<250x32xf32, #tpu.memory_space<vmem>>
        tpu.enqueue_dma source(%dma_start3A_39 : memref<250x32xf32, #tpu.memory_space<vmem>>) target(%dma_start3A_36 : memref<250x32xf32, #tpu.memory_space<hbm>>) target_semaphore(%run_scoped3A : memref<!tpu.dma_semaphore, #tpu.memory_space<semaphore_mem>>)
        %dma_wait3A_40 = arith.constant 750 : i32
        %dma_wait3A_41 = arith.constant 0 : i32
        %dma_wait3A_42 = tpu.memref_slice %arg10[%dma_wait3A_40, %dma_wait3A_41] : memref<1000x32xf32, #tpu.memory_space<vmem>> -> memref<250x32xf32, #tpu.memory_space<vmem>>
        %dma_wait3A_43 = arith.constant 96 : i32
        %dma_wait3A_44 = tpu.memref_slice %arg6[%add3A_18, %dma_wait3A_43] : memref<80000x128xf32, #tpu.memory_space<hbm>> -> memref<250x32xf32, #tpu.memory_space<hbm>>
        %dma_wait3A_45 = arith.constant 96 : i32
        %dma_wait3A_46 = tpu.memref_slice %arg6[%add3A_18, %dma_wait3A_45] : memref<80000x128xf32, #tpu.memory_space<hbm>> -> memref<250x32xf32, #tpu.memory_space<hbm>>
        %dma_wait3A_47 = arith.constant 750 : i32
        %dma_wait3A_48 = arith.constant 0 : i32
        %dma_wait3A_49 = tpu.memref_slice %arg10[%dma_wait3A_47, %dma_wait3A_48] : memref<1000x32xf32, #tpu.memory_space<vmem>> -> memref<250x32xf32, #tpu.memory_space<vmem>>
        tpu.wait_dma2 semaphore(%run_scoped3A : memref<!tpu.dma_semaphore, #tpu.memory_space<semaphore_mem>>) src(%dma_wait3A_49 : memref<250x32xf32, #tpu.memory_space<vmem>>) dst(%dma_wait3A_46 : memref<250x32xf32, #tpu.memory_space<hbm>>)
        tpu.yield
      }) : () -> ()
      "tpu.region"() ({
        %run_scoped3A = tpu.sem_alloc : memref<!tpu.dma_semaphore, #tpu.memory_space<semaphore_mem>>
        %dma_start3A_30 = arith.constant 750 : i32
        %dma_start3A_31 = arith.constant 0 : i32
        %dma_start3A_32 = tpu.memref_slice %arg11[%dma_start3A_30, %dma_start3A_31] : memref<1000x32xf32, #tpu.memory_space<vmem>> -> memref<250x32xf32, #tpu.memory_space<vmem>>
        %dma_start3A_33 = arith.constant 96 : i32
        %dma_start3A_34 = tpu.memref_slice %arg7[%add3A_18, %dma_start3A_33] : memref<80000x128xf32, #tpu.memory_space<hbm>> -> memref<250x32xf32, #tpu.memory_space<hbm>>
        %dma_start3A_35 = arith.constant 96 : i32
        %dma_start3A_36 = tpu.memref_slice %arg7[%add3A_18, %dma_start3A_35] : memref<80000x128xf32, #tpu.memory_space<hbm>> -> memref<250x32xf32, #tpu.memory_space<hbm>>
        %dma_start3A_37 = arith.constant 750 : i32
        %dma_start3A_38 = arith.constant 0 : i32
        %dma_start3A_39 = tpu.memref_slice %arg11[%dma_start3A_37, %dma_start3A_38] : memref<1000x32xf32, #tpu.memory_space<vmem>> -> memref<250x32xf32, #tpu.memory_space<vmem>>
        tpu.enqueue_dma source(%dma_start3A_39 : memref<250x32xf32, #tpu.memory_space<vmem>>) target(%dma_start3A_36 : memref<250x32xf32, #tpu.memory_space<hbm>>) target_semaphore(%run_scoped3A : memref<!tpu.dma_semaphore, #tpu.memory_space<semaphore_mem>>)
        %dma_wait3A_40 = arith.constant 750 : i32
        %dma_wait3A_41 = arith.constant 0 : i32
        %dma_wait3A_42 = tpu.memref_slice %arg11[%dma_wait3A_40, %dma_wait3A_41] : memref<1000x32xf32, #tpu.memory_space<vmem>> -> memref<250x32xf32, #tpu.memory_space<vmem>>
        %dma_wait3A_43 = arith.constant 96 : i32
        %dma_wait3A_44 = tpu.memref_slice %arg7[%add3A_18, %dma_wait3A_43] : memref<80000x128xf32, #tpu.memory_space<hbm>> -> memref<250x32xf32, #tpu.memory_space<hbm>>
        %dma_wait3A_45 = arith.constant 96 : i32
        %dma_wait3A_46 = tpu.memref_slice %arg7[%add3A_18, %dma_wait3A_45] : memref<80000x128xf32, #tpu.memory_space<hbm>> -> memref<250x32xf32, #tpu.memory_space<hbm>>
        %dma_wait3A_47 = arith.constant 750 : i32
        %dma_wait3A_48 = arith.constant 0 : i32
        %dma_wait3A_49 = tpu.memref_slice %arg11[%dma_wait3A_47, %dma_wait3A_48] : memref<1000x32xf32, #tpu.memory_space<vmem>> -> memref<250x32xf32, #tpu.memory_space<vmem>>
        tpu.wait_dma2 semaphore(%run_scoped3A : memref<!tpu.dma_semaphore, #tpu.memory_space<semaphore_mem>>) src(%dma_wait3A_49 : memref<250x32xf32, #tpu.memory_space<vmem>>) dst(%dma_wait3A_46 : memref<250x32xf32, #tpu.memory_space<hbm>>)
        tpu.yield
      }) : () -> ()
      %scan3A_29 = arith.constant 0 : i32
      scf.yield %scan3A_29 : i32
    }
    %scan3A_6 = arith.constant 10 : i32
    return
  }
}

module attributes {stable_mosaic.version = 14 : i64} {
  func.func @_proj_body(%arg0: i32, %arg1: memref<2000x128xf32, #tpu.memory_space<vmem>>, %arg2: memref<128x64xf32, #tpu.memory_space<vmem>>, %arg3: memref<2000x64xf32, #tpu.memory_space<vmem>>) attributes {dimension_semantics = [#tpu.dimension_semantics<arbitrary>], iteration_bounds = array<i64: 5>, scalar_prefetch = 0 : i64, scratch_operands = 0 : i64, tpu.core_type = #tpu.core_type<tc>, window_params = [{transform_indices = @transform_0, window_bounds = array<i64: 2000, 128>}, {pipeline_mode = #tpu.pipeline_mode<synchronous>, transform_indices = @transform_1, window_bounds = array<i64: 128, 64>}, {transform_indices = @transform_2, window_bounds = array<i64: 2000, 64>}]} {
    %get3A = arith.constant 0 : index
    %get3A_0 = arith.constant 0 : index
    %get3A_1 = vector.load %arg1[%get3A, %get3A_0] : memref<2000x128xf32, #tpu.memory_space<vmem>>, vector<2000x128xf32>
    %get3A_2 = arith.constant 0 : index
    %get3A_3 = arith.constant 0 : index
    %get3A_4 = vector.load %arg2[%get3A_2, %get3A_3] : memref<128x64xf32, #tpu.memory_space<vmem>>, vector<128x64xf32>
    %dot_general3A = arith.constant dense<0.000000e+00> : vector<2000x64xf32>
    %dot_general3A_5 = tpu.matmul %get3A_1, %get3A_4, %dot_general3A {dimension_numbers = #tpu.dot_dimension_numbers<[1], [0], [0], [1], [0, 0, 1, 1], [], []>, transpose_lhs_hint = false} : vector<2000x128xf32>, vector<128x64xf32>, vector<2000x64xf32> -> vector<2000x64xf32>
    %swap3A = arith.constant 0 : index
    %swap3A_6 = arith.constant 0 : index
    %swap3A_7 = vector.load %arg3[%swap3A, %swap3A_6] : memref<2000x64xf32, #tpu.memory_space<vmem>>, vector<2000x64xf32>
    tpu.vector_store %arg3[%swap3A, %swap3A_6], %dot_general3A_5 {strides = array<i32>} : memref<2000x64xf32, #tpu.memory_space<vmem>>, vector<2000x64xf32>,
    return
  }
  func.func @transform_0(%arg0: i32) -> (i32, i32) {
    %c0_i32 = arith.constant 0 : i32
    %c0_i32_0 = arith.constant 0 : i32
    return %arg0, %c0_i32 : i32, i32
  }
  func.func @transform_1(%arg0: i32) -> (i32, i32) {
    %c0_i32 = arith.constant 0 : i32
    %c0_i32_0 = arith.constant 0 : i32
    %c0_i32_1 = arith.constant 0 : i32
    return %c0_i32, %c0_i32_0 : i32, i32
  }
  func.func @transform_2(%arg0: i32) -> (i32, i32) {
    %c0_i32 = arith.constant 0 : i32
    %c0_i32_0 = arith.constant 0 : i32
    return %arg0, %c0_i32 : i32, i32
  }
}

module attributes {stable_mosaic.version = 14 : i64} {
  func.func @_edge_body(%arg0: i32, %arg1: memref<800x128xf32, #tpu.memory_space<vmem>>, %arg2: memref<800x128xf32, #tpu.memory_space<vmem>>, %arg3: memref<800x64xf32, #tpu.memory_space<vmem>>, %arg4: memref<64x128xf32, #tpu.memory_space<vmem>>, %arg5: memref<1x128xf32, #tpu.memory_space<vmem>>, %arg6: memref<800x128xf32, #tpu.memory_space<vmem>>) attributes {dimension_semantics = [#tpu.dimension_semantics<arbitrary>], iteration_bounds = array<i64: 100>, scalar_prefetch = 0 : i64, scratch_operands = 0 : i64, tpu.core_type = #tpu.core_type<tc>, window_params = [{transform_indices = @transform_0, window_bounds = array<i64: 800, 128>}, {transform_indices = @transform_1, window_bounds = array<i64: 800, 128>}, {transform_indices = @transform_2, window_bounds = array<i64: 800, 64>}, {pipeline_mode = #tpu.pipeline_mode<synchronous>, transform_indices = @transform_3, window_bounds = array<i64: 64, 128>}, {pipeline_mode = #tpu.pipeline_mode<synchronous>, transform_indices = @transform_4, window_bounds = array<i64: 1, 128>}, {transform_indices = @transform_5, window_bounds = array<i64: 800, 128>}]} {
    %get3A = arith.constant 0 : index
    %get3A_0 = arith.constant 0 : index
    %get3A_1 = vector.load %arg3[%get3A, %get3A_0] : memref<800x64xf32, #tpu.memory_space<vmem>>, vector<800x64xf32>
    %get3A_2 = arith.constant 0 : index
    %get3A_3 = arith.constant 0 : index
    %get3A_4 = vector.load %arg4[%get3A_2, %get3A_3] : memref<64x128xf32, #tpu.memory_space<vmem>>, vector<64x128xf32>
    %dot_general3A = arith.constant dense<0.000000e+00> : vector<800x128xf32>
    %dot_general3A_5 = tpu.matmul %get3A_1, %get3A_4, %dot_general3A {dimension_numbers = #tpu.dot_dimension_numbers<[1], [0], [0], [1], [0, 0, 1, 1], [], []>, transpose_lhs_hint = false} : vector<800x64xf32>, vector<64x128xf32>, vector<800x128xf32> -> vector<800x128xf32>
    %get3A_6 = arith.constant 0 : index
    %get3A_7 = arith.constant 0 : index
    %get3A_8 = vector.load %arg1[%get3A_6, %get3A_7] : memref<800x128xf32, #tpu.memory_space<vmem>>, vector<800x128xf32>
    %add3A = arith.addf %dot_general3A_5, %get3A_8 : vector<800x128xf32>
    %get3A_9 = arith.constant 0 : index
    %get3A_10 = arith.constant 0 : index
    %get3A_11 = vector.load %arg2[%get3A_9, %get3A_10] : memref<800x128xf32, #tpu.memory_space<vmem>>, vector<800x128xf32>
    %add3A_12 = arith.addf %add3A, %get3A_11 : vector<800x128xf32>
    %get3A_13 = arith.constant 0 : index
    %get3A_14 = arith.constant 0 : index
    %get3A_15 = vector.load %arg5[%get3A_13, %get3A_14] : memref<1x128xf32, #tpu.memory_space<vmem>>, vector<1x128xf32>
    %add3A_16 = vector.broadcast %get3A_15 : vector<1x128xf32> to vector<800x128xf32>
    %add3A_17 = arith.addf %add3A_12, %add3A_16 : vector<800x128xf32>
    %max3A = arith.constant 0.000000e+00 : f32
    %max3A_18 = vector.broadcast %max3A : f32 to vector<800x128xf32>
    %max3A_19 = arith.maximumf %add3A_17, %max3A_18 : vector<800x128xf32>
    %swap3A = arith.constant 0 : index
    %swap3A_20 = arith.constant 0 : index
    %swap3A_21 = vector.load %arg6[%swap3A, %swap3A_20] : memref<800x128xf32, #tpu.memory_space<vmem>>, vector<800x128xf32>
    tpu.vector_store %arg6[%swap3A, %swap3A_20], %max3A_19 {strides = array<i32>} : memref<800x128xf32, #tpu.memory_space<vmem>>, vector<800x128xf32>,
    return
  }
  func.func @transform_0(%arg0: i32) -> (i32, i32) {
    %c0_i32 = arith.constant 0 : i32
    %c0_i32_0 = arith.constant 0 : i32
    return %arg0, %c0_i32 : i32, i32
  }
  func.func @transform_1(%arg0: i32) -> (i32, i32) {
    %c0_i32 = arith.constant 0 : i32
    %c0_i32_0 = arith.constant 0 : i32
    return %arg0, %c0_i32 : i32, i32
  }
  func.func @transform_2(%arg0: i32) -> (i32, i32) {
    %c0_i32 = arith.constant 0 : i32
    %c0_i32_0 = arith.constant 0 : i32
    return %arg0, %c0_i32 : i32, i32
  }
  func.func @transform_3(%arg0: i32) -> (i32, i32) {
    %c0_i32 = arith.constant 0 : i32
    %c0_i32_0 = arith.constant 0 : i32
    %c0_i32_1 = arith.constant 0 : i32
    return %c0_i32, %c0_i32_0 : i32, i32
  }
  func.func @transform_4(%arg0: i32) -> (i32, i32) {
    %c0_i32 = arith.constant 0 : i32
    %c0_i32_0 = arith.constant 0 : i32
    %c0_i32_1 = arith.constant 0 : i32
    return %c0_i32, %c0_i32_0 : i32, i32
  }
  func.func @transform_5(%arg0: i32) -> (i32, i32) {
    %c0_i32 = arith.constant 0 : i32
    %c0_i32_0 = arith.constant 0 : i32
    return %arg0, %c0_i32 : i32, i32
  }
}

module attributes {stable_mosaic.version = 14 : i64} {
  func.func @_node_body(%arg0: i32, %arg1: memref<2000x128xf32, #tpu.memory_space<vmem>>, %arg2: memref<2x2000x32xf32, #tpu.memory_space<vmem>>, %arg3: memref<2x2000x16xf32, #tpu.memory_space<vmem>>, %arg4: memref<128x128xf32, #tpu.memory_space<vmem>>, %arg5: memref<32x128xf32, #tpu.memory_space<vmem>>, %arg6: memref<1x128xf32, #tpu.memory_space<vmem>>, %arg7: memref<128x32xf32, #tpu.memory_space<vmem>>, %arg8: memref<128x32xf32, #tpu.memory_space<vmem>>, %arg9: memref<2000x128xf32, #tpu.memory_space<vmem>>, %arg10: memref<2000x32xf32, #tpu.memory_space<vmem>>, %arg11: memref<2000x32xf32, #tpu.memory_space<vmem>>) attributes {dimension_semantics = [#tpu.dimension_semantics<arbitrary>], iteration_bounds = array<i64: 5>, scalar_prefetch = 0 : i64, scratch_operands = 0 : i64, tpu.core_type = #tpu.core_type<tc>, window_params = [{transform_indices = @transform_0, window_bounds = array<i64: 2000, 128>}, {transform_indices = @transform_1, window_bounds = array<i64: 2, 2000, 32>}, {transform_indices = @transform_2, window_bounds = array<i64: 2, 2000, 16>}, {pipeline_mode = #tpu.pipeline_mode<synchronous>, transform_indices = @transform_3, window_bounds = array<i64: 128, 128>}, {pipeline_mode = #tpu.pipeline_mode<synchronous>, transform_indices = @transform_4, window_bounds = array<i64: 32, 128>}, {pipeline_mode = #tpu.pipeline_mode<synchronous>, transform_indices = @transform_5, window_bounds = array<i64: 1, 128>}, {pipeline_mode = #tpu.pipeline_mode<synchronous>, transform_indices = @transform_6, window_bounds = array<i64: 128, 32>}, {pipeline_mode = #tpu.pipeline_mode<synchronous>, transform_indices = @transform_7, window_bounds = array<i64: 128, 32>}, {transform_indices = @transform_8, window_bounds = array<i64: 2000, 128>}, {transform_indices = @transform_9, window_bounds = array<i64: 2000, 32>}, {transform_indices = @transform_10, window_bounds = array<i64: 2000, 32>}]} {
    %get3A = arith.constant 0 : index
    %get3A_0 = arith.constant 0 : index
    %get3A_1 = arith.constant 0 : index
    %get3A_2 = vector.load %arg3[%get3A, %get3A_0, %get3A_1] : memref<2x2000x16xf32, #tpu.memory_space<vmem>>, vector<1x2000x1xf32>
    %get3A_3 = vector.shape_cast %get3A_2 : vector<1x2000x1xf32> to vector<2000x1xf32>
    %get3A_4 = arith.constant 1 : index
    %get3A_5 = arith.constant 0 : index
    %get3A_6 = arith.constant 0 : index
    %get3A_7 = vector.load %arg3[%get3A_4, %get3A_5, %get3A_6] : memref<2x2000x16xf32, #tpu.memory_space<vmem>>, vector<1x2000x1xf32>
    %get3A_8 = vector.shape_cast %get3A_7 : vector<1x2000x1xf32> to vector<2000x1xf32>
    %add3A = arith.addf %get3A_3, %get3A_8 : vector<2000x1xf32>
    %max3A = arith.constant 1.000000e+00 : f32
    %max3A_9 = vector.broadcast %max3A : f32 to vector<2000x1xf32>
    %max3A_10 = arith.maximumf %add3A, %max3A_9 : vector<2000x1xf32>
    %div3A = arith.constant 1.000000e+00 : f32
    %div3A_11 = vector.broadcast %div3A : f32 to vector<2000x1xf32>
    %div3A_12 = arith.divf %div3A_11, %max3A_10 : vector<2000x1xf32>
    %get3A_13 = arith.constant 0 : index
    %get3A_14 = arith.constant 0 : index
    %get3A_15 = arith.constant 0 : index
    %get3A_16 = vector.load %arg2[%get3A_13, %get3A_14, %get3A_15] : memref<2x2000x32xf32, #tpu.memory_space<vmem>>, vector<1x2000x32xf32>
    %get3A_17 = vector.shape_cast %get3A_16 : vector<1x2000x32xf32> to vector<2000x32xf32>
    %get3A_18 = arith.constant 1 : index
    %get3A_19 = arith.constant 0 : index
    %get3A_20 = arith.constant 0 : index
    %get3A_21 = vector.load %arg2[%get3A_18, %get3A_19, %get3A_20] : memref<2x2000x32xf32, #tpu.memory_space<vmem>>, vector<1x2000x32xf32>
    %get3A_22 = vector.shape_cast %get3A_21 : vector<1x2000x32xf32> to vector<2000x32xf32>
    %add3A_23 = arith.addf %get3A_17, %get3A_22 : vector<2000x32xf32>
    %mul3A = vector.broadcast %div3A_12 : vector<2000x1xf32> to vector<2000x32xf32>
    %mul3A_24 = arith.mulf %add3A_23, %mul3A : vector<2000x32xf32>
    %get3A_25 = arith.constant 0 : index
    %get3A_26 = arith.constant 0 : index
    %get3A_27 = vector.load %arg1[%get3A_25, %get3A_26] : memref<2000x128xf32, #tpu.memory_space<vmem>>, vector<2000x128xf32>
    %get3A_28 = arith.constant 0 : index
    %get3A_29 = arith.constant 0 : index
    %get3A_30 = vector.load %arg4[%get3A_28, %get3A_29] : memref<128x128xf32, #tpu.memory_space<vmem>>, vector<128x128xf32>
    %dot_general3A = arith.constant dense<0.000000e+00> : vector<2000x128xf32>
    %dot_general3A_31 = tpu.matmul %get3A_27, %get3A_30, %dot_general3A {dimension_numbers = #tpu.dot_dimension_numbers<[1], [0], [0], [1], [0, 0, 1, 1], [], []>, transpose_lhs_hint = false} : vector<2000x128xf32>, vector<128x128xf32>, vector<2000x128xf32> -> vector<2000x128xf32>
    %get3A_32 = arith.constant 0 : index
    %get3A_33 = arith.constant 0 : index
    %get3A_34 = vector.load %arg5[%get3A_32, %get3A_33] : memref<32x128xf32, #tpu.memory_space<vmem>>, vector<32x128xf32>
    %dot_general3A_35 = arith.constant dense<0.000000e+00> : vector<2000x128xf32>
    %dot_general3A_36 = tpu.matmul %mul3A_24, %get3A_34, %dot_general3A_35 {dimension_numbers = #tpu.dot_dimension_numbers<[1], [0], [0], [1], [0, 0, 1, 1], [], []>, transpose_lhs_hint = false} : vector<2000x32xf32>, vector<32x128xf32>, vector<2000x128xf32> -> vector<2000x128xf32>
    %add3A_37 = arith.addf %dot_general3A_31, %dot_general3A_36 : vector<2000x128xf32>
    %get3A_38 = arith.constant 0 : index
    %get3A_39 = arith.constant 0 : index
    %get3A_40 = vector.load %arg6[%get3A_38, %get3A_39] : memref<1x128xf32, #tpu.memory_space<vmem>>, vector<1x128xf32>
    %add3A_41 = vector.broadcast %get3A_40 : vector<1x128xf32> to vector<2000x128xf32>
    %add3A_42 = arith.addf %add3A_37, %add3A_41 : vector<2000x128xf32>
    %max3A_43 = arith.constant 0.000000e+00 : f32
    %max3A_44 = vector.broadcast %max3A_43 : f32 to vector<2000x128xf32>
    %max3A_45 = arith.maximumf %add3A_42, %max3A_44 : vector<2000x128xf32>
    %swap3A = arith.constant 0 : index
    %swap3A_46 = arith.constant 0 : index
    %swap3A_47 = vector.load %arg9[%swap3A, %swap3A_46] : memref<2000x128xf32, #tpu.memory_space<vmem>>, vector<2000x128xf32>
    tpu.vector_store %arg9[%swap3A, %swap3A_46], %max3A_45 {strides = array<i32>} : memref<2000x128xf32, #tpu.memory_space<vmem>>, vector<2000x128xf32>,
    %get3A_48 = arith.constant 0 : index
    %get3A_49 = arith.constant 0 : index
    %get3A_50 = vector.load %arg7[%get3A_48, %get3A_49] : memref<128x32xf32, #tpu.memory_space<vmem>>, vector<128x32xf32>
    %dot_general3A_51 = arith.constant dense<0.000000e+00> : vector<2000x32xf32>
    %dot_general3A_52 = tpu.matmul %max3A_45, %get3A_50, %dot_general3A_51 {dimension_numbers = #tpu.dot_dimension_numbers<[1], [0], [0], [1], [0, 0, 1, 1], [], []>, transpose_lhs_hint = false} : vector<2000x128xf32>, vector<128x32xf32>, vector<2000x32xf32> -> vector<2000x32xf32>
    %swap3A_53 = arith.constant 0 : index
    %swap3A_54 = arith.constant 0 : index
    %swap3A_55 = vector.load %arg10[%swap3A_53, %swap3A_54] : memref<2000x32xf32, #tpu.memory_space<vmem>>, vector<2000x32xf32>
    tpu.vector_store %arg10[%swap3A_53, %swap3A_54], %dot_general3A_52 {strides = array<i32>} : memref<2000x32xf32, #tpu.memory_space<vmem>>, vector<2000x32xf32>,
    %get3A_56 = arith.constant 0 : index
    %get3A_57 = arith.constant 0 : index
    %get3A_58 = vector.load %arg8[%get3A_56, %get3A_57] : memref<128x32xf32, #tpu.memory_space<vmem>>, vector<128x32xf32>
    %dot_general3A_59 = arith.constant dense<0.000000e+00> : vector<2000x32xf32>
    %dot_general3A_60 = tpu.matmul %max3A_45, %get3A_58, %dot_general3A_59 {dimension_numbers = #tpu.dot_dimension_numbers<[1], [0], [0], [1], [0, 0, 1, 1], [], []>, transpose_lhs_hint = false} : vector<2000x128xf32>, vector<128x32xf32>, vector<2000x32xf32> -> vector<2000x32xf32>
    %swap3A_61 = arith.constant 0 : index
    %swap3A_62 = arith.constant 0 : index
    %swap3A_63 = vector.load %arg11[%swap3A_61, %swap3A_62] : memref<2000x32xf32, #tpu.memory_space<vmem>>, vector<2000x32xf32>
    tpu.vector_store %arg11[%swap3A_61, %swap3A_62], %dot_general3A_60 {strides = array<i32>} : memref<2000x32xf32, #tpu.memory_space<vmem>>, vector<2000x32xf32>,
    return
  }
  func.func @transform_0(%arg0: i32) -> (i32, i32) {
    %c0_i32 = arith.constant 0 : i32
    %c0_i32_0 = arith.constant 0 : i32
    return %arg0, %c0_i32 : i32, i32
  }
  func.func @transform_1(%arg0: i32) -> (i32, i32, i32) {
    %c0_i32 = arith.constant 0 : i32
    %c0_i32_0 = arith.constant 0 : i32
    %c0_i32_1 = arith.constant 0 : i32
    return %c0_i32, %arg0, %c0_i32_0 : i32, i32, i32
  }
  func.func @transform_2(%arg0: i32) -> (i32, i32, i32) {
    %c0_i32 = arith.constant 0 : i32
    %c0_i32_0 = arith.constant 0 : i32
    %c0_i32_1 = arith.constant 0 : i32
    return %c0_i32, %arg0, %c0_i32_0 : i32, i32, i32
  }
  func.func @transform_3(%arg0: i32) -> (i32, i32) {
    %c0_i32 = arith.constant 0 : i32
    %c0_i32_0 = arith.constant 0 : i32
    %c0_i32_1 = arith.constant 0 : i32
    return %c0_i32, %c0_i32_0 : i32, i32
  }
  func.func @transform_4(%arg0: i32) -> (i32, i32) {
    %c0_i32 = arith.constant 0 : i32
    %c0_i32_0 = arith.constant 0 : i32
    %c0_i32_1 = arith.constant 0 : i32
    return %c0_i32, %c0_i32_0 : i32, i32
  }
  func.func @transform_5(%arg0: i32) -> (i32, i32) {
    %c0_i32 = arith.constant 0 : i32
    %c0_i32_0 = arith.constant 0 : i32
    %c0_i32_1 = arith.constant 0 : i32
    return %c0_i32, %c0_i32_0 : i32, i32
  }
  func.func @transform_6(%arg0: i32) -> (i32, i32) {
    %c0_i32 = arith.constant 0 : i32
    %c0_i32_0 = arith.constant 0 : i32
    %c0_i32_1 = arith.constant 0 : i32
    return %c0_i32, %c0_i32_0 : i32, i32
  }
  func.func @transform_7(%arg0: i32) -> (i32, i32) {
    %c0_i32 = arith.constant 0 : i32
    %c0_i32_0 = arith.constant 0 : i32
    %c0_i32_1 = arith.constant 0 : i32
    return %c0_i32, %c0_i32_0 : i32, i32
  }
  func.func @transform_8(%arg0: i32) -> (i32, i32) {
    %c0_i32 = arith.constant 0 : i32
    %c0_i32_0 = arith.constant 0 : i32
    return %arg0, %c0_i32 : i32, i32
  }
  func.func @transform_9(%arg0: i32) -> (i32, i32) {
    %c0_i32 = arith.constant 0 : i32
    %c0_i32_0 = arith.constant 0 : i32
    return %arg0, %c0_i32 : i32, i32
  }
  func.func @transform_10(%arg0: i32) -> (i32, i32) {
    %c0_i32 = arith.constant 0 : i32
    %c0_i32_0 = arith.constant 0 : i32
    return %arg0, %c0_i32 : i32, i32
  }
}

module attributes {stable_mosaic.version = 14 : i64} {
  func.func @_edge_body(%arg0: i32, %arg1: memref<800x128xf32, #tpu.memory_space<vmem>>, %arg2: memref<800x128xf32, #tpu.memory_space<vmem>>, %arg3: memref<800x128xf32, #tpu.memory_space<vmem>>, %arg4: memref<128x128xf32, #tpu.memory_space<vmem>>, %arg5: memref<1x128xf32, #tpu.memory_space<vmem>>, %arg6: memref<800x128xf32, #tpu.memory_space<vmem>>) attributes {dimension_semantics = [#tpu.dimension_semantics<arbitrary>], iteration_bounds = array<i64: 100>, scalar_prefetch = 0 : i64, scratch_operands = 0 : i64, tpu.core_type = #tpu.core_type<tc>, window_params = [{transform_indices = @transform_0, window_bounds = array<i64: 800, 128>}, {transform_indices = @transform_1, window_bounds = array<i64: 800, 128>}, {transform_indices = @transform_2, window_bounds = array<i64: 800, 128>}, {pipeline_mode = #tpu.pipeline_mode<synchronous>, transform_indices = @transform_3, window_bounds = array<i64: 128, 128>}, {pipeline_mode = #tpu.pipeline_mode<synchronous>, transform_indices = @transform_4, window_bounds = array<i64: 1, 128>}, {transform_indices = @transform_5, window_bounds = array<i64: 800, 128>}]} {
    %get3A = arith.constant 0 : index
    %get3A_0 = arith.constant 0 : index
    %get3A_1 = vector.load %arg3[%get3A, %get3A_0] : memref<800x128xf32, #tpu.memory_space<vmem>>, vector<800x128xf32>
    %get3A_2 = arith.constant 0 : index
    %get3A_3 = arith.constant 0 : index
    %get3A_4 = vector.load %arg4[%get3A_2, %get3A_3] : memref<128x128xf32, #tpu.memory_space<vmem>>, vector<128x128xf32>
    %dot_general3A = arith.constant dense<0.000000e+00> : vector<800x128xf32>
    %dot_general3A_5 = tpu.matmul %get3A_1, %get3A_4, %dot_general3A {dimension_numbers = #tpu.dot_dimension_numbers<[1], [0], [0], [1], [0, 0, 1, 1], [], []>, transpose_lhs_hint = false} : vector<800x128xf32>, vector<128x128xf32>, vector<800x128xf32> -> vector<800x128xf32>
    %get3A_6 = arith.constant 0 : index
    %get3A_7 = arith.constant 0 : index
    %get3A_8 = vector.load %arg1[%get3A_6, %get3A_7] : memref<800x128xf32, #tpu.memory_space<vmem>>, vector<800x128xf32>
    %add3A = arith.addf %dot_general3A_5, %get3A_8 : vector<800x128xf32>
    %get3A_9 = arith.constant 0 : index
    %get3A_10 = arith.constant 0 : index
    %get3A_11 = vector.load %arg2[%get3A_9, %get3A_10] : memref<800x128xf32, #tpu.memory_space<vmem>>, vector<800x128xf32>
    %add3A_12 = arith.addf %add3A, %get3A_11 : vector<800x128xf32>
    %get3A_13 = arith.constant 0 : index
    %get3A_14 = arith.constant 0 : index
    %get3A_15 = vector.load %arg5[%get3A_13, %get3A_14] : memref<1x128xf32, #tpu.memory_space<vmem>>, vector<1x128xf32>
    %add3A_16 = vector.broadcast %get3A_15 : vector<1x128xf32> to vector<800x128xf32>
    %add3A_17 = arith.addf %add3A_12, %add3A_16 : vector<800x128xf32>
    %max3A = arith.constant 0.000000e+00 : f32
    %max3A_18 = vector.broadcast %max3A : f32 to vector<800x128xf32>
    %max3A_19 = arith.maximumf %add3A_17, %max3A_18 : vector<800x128xf32>
    %swap3A = arith.constant 0 : index
    %swap3A_20 = arith.constant 0 : index
    %swap3A_21 = vector.load %arg6[%swap3A, %swap3A_20] : memref<800x128xf32, #tpu.memory_space<vmem>>, vector<800x128xf32>
    tpu.vector_store %arg6[%swap3A, %swap3A_20], %max3A_19 {strides = array<i32>} : memref<800x128xf32, #tpu.memory_space<vmem>>, vector<800x128xf32>,
    return
  }
  func.func @transform_0(%arg0: i32) -> (i32, i32) {
    %c0_i32 = arith.constant 0 : i32
    %c0_i32_0 = arith.constant 0 : i32
    return %arg0, %c0_i32 : i32, i32
  }
  func.func @transform_1(%arg0: i32) -> (i32, i32) {
    %c0_i32 = arith.constant 0 : i32
    %c0_i32_0 = arith.constant 0 : i32
    return %arg0, %c0_i32 : i32, i32
  }
  func.func @transform_2(%arg0: i32) -> (i32, i32) {
    %c0_i32 = arith.constant 0 : i32
    %c0_i32_0 = arith.constant 0 : i32
    return %arg0, %c0_i32 : i32, i32
  }
  func.func @transform_3(%arg0: i32) -> (i32, i32) {
    %c0_i32 = arith.constant 0 : i32
    %c0_i32_0 = arith.constant 0 : i32
    %c0_i32_1 = arith.constant 0 : i32
    return %c0_i32, %c0_i32_0 : i32, i32
  }
  func.func @transform_4(%arg0: i32) -> (i32, i32) {
    %c0_i32 = arith.constant 0 : i32
    %c0_i32_0 = arith.constant 0 : i32
    %c0_i32_1 = arith.constant 0 : i32
    return %c0_i32, %c0_i32_0 : i32, i32
  }
  func.func @transform_5(%arg0: i32) -> (i32, i32) {
    %c0_i32 = arith.constant 0 : i32
    %c0_i32_0 = arith.constant 0 : i32
    return %arg0, %c0_i32 : i32, i32
  }
}

module attributes {stable_mosaic.version = 14 : i64} {
  func.func @_node_body(%arg0: i32, %arg1: memref<2000x128xf32, #tpu.memory_space<vmem>>, %arg2: memref<2x2000x32xf32, #tpu.memory_space<vmem>>, %arg3: memref<2x2000x16xf32, #tpu.memory_space<vmem>>, %arg4: memref<128x128xf32, #tpu.memory_space<vmem>>, %arg5: memref<32x128xf32, #tpu.memory_space<vmem>>, %arg6: memref<1x128xf32, #tpu.memory_space<vmem>>, %arg7: memref<128x32xf32, #tpu.memory_space<vmem>>, %arg8: memref<128x32xf32, #tpu.memory_space<vmem>>, %arg9: memref<2000x128xf32, #tpu.memory_space<vmem>>, %arg10: memref<2000x32xf32, #tpu.memory_space<vmem>>, %arg11: memref<2000x32xf32, #tpu.memory_space<vmem>>) attributes {dimension_semantics = [#tpu.dimension_semantics<arbitrary>], iteration_bounds = array<i64: 5>, scalar_prefetch = 0 : i64, scratch_operands = 0 : i64, tpu.core_type = #tpu.core_type<tc>, window_params = [{transform_indices = @transform_0, window_bounds = array<i64: 2000, 128>}, {transform_indices = @transform_1, window_bounds = array<i64: 2, 2000, 32>}, {transform_indices = @transform_2, window_bounds = array<i64: 2, 2000, 16>}, {pipeline_mode = #tpu.pipeline_mode<synchronous>, transform_indices = @transform_3, window_bounds = array<i64: 128, 128>}, {pipeline_mode = #tpu.pipeline_mode<synchronous>, transform_indices = @transform_4, window_bounds = array<i64: 32, 128>}, {pipeline_mode = #tpu.pipeline_mode<synchronous>, transform_indices = @transform_5, window_bounds = array<i64: 1, 128>}, {pipeline_mode = #tpu.pipeline_mode<synchronous>, transform_indices = @transform_6, window_bounds = array<i64: 128, 32>}, {pipeline_mode = #tpu.pipeline_mode<synchronous>, transform_indices = @transform_7, window_bounds = array<i64: 128, 32>}, {transform_indices = @transform_8, window_bounds = array<i64: 2000, 128>}, {transform_indices = @transform_9, window_bounds = array<i64: 2000, 32>}, {transform_indices = @transform_10, window_bounds = array<i64: 2000, 32>}]} {
    %get3A = arith.constant 0 : index
    %get3A_0 = arith.constant 0 : index
    %get3A_1 = arith.constant 0 : index
    %get3A_2 = vector.load %arg3[%get3A, %get3A_0, %get3A_1] : memref<2x2000x16xf32, #tpu.memory_space<vmem>>, vector<1x2000x1xf32>
    %get3A_3 = vector.shape_cast %get3A_2 : vector<1x2000x1xf32> to vector<2000x1xf32>
    %get3A_4 = arith.constant 1 : index
    %get3A_5 = arith.constant 0 : index
    %get3A_6 = arith.constant 0 : index
    %get3A_7 = vector.load %arg3[%get3A_4, %get3A_5, %get3A_6] : memref<2x2000x16xf32, #tpu.memory_space<vmem>>, vector<1x2000x1xf32>
    %get3A_8 = vector.shape_cast %get3A_7 : vector<1x2000x1xf32> to vector<2000x1xf32>
    %add3A = arith.addf %get3A_3, %get3A_8 : vector<2000x1xf32>
    %max3A = arith.constant 1.000000e+00 : f32
    %max3A_9 = vector.broadcast %max3A : f32 to vector<2000x1xf32>
    %max3A_10 = arith.maximumf %add3A, %max3A_9 : vector<2000x1xf32>
    %div3A = arith.constant 1.000000e+00 : f32
    %div3A_11 = vector.broadcast %div3A : f32 to vector<2000x1xf32>
    %div3A_12 = arith.divf %div3A_11, %max3A_10 : vector<2000x1xf32>
    %get3A_13 = arith.constant 0 : index
    %get3A_14 = arith.constant 0 : index
    %get3A_15 = arith.constant 0 : index
    %get3A_16 = vector.load %arg2[%get3A_13, %get3A_14, %get3A_15] : memref<2x2000x32xf32, #tpu.memory_space<vmem>>, vector<1x2000x32xf32>
    %get3A_17 = vector.shape_cast %get3A_16 : vector<1x2000x32xf32> to vector<2000x32xf32>
    %get3A_18 = arith.constant 1 : index
    %get3A_19 = arith.constant 0 : index
    %get3A_20 = arith.constant 0 : index
    %get3A_21 = vector.load %arg2[%get3A_18, %get3A_19, %get3A_20] : memref<2x2000x32xf32, #tpu.memory_space<vmem>>, vector<1x2000x32xf32>
    %get3A_22 = vector.shape_cast %get3A_21 : vector<1x2000x32xf32> to vector<2000x32xf32>
    %add3A_23 = arith.addf %get3A_17, %get3A_22 : vector<2000x32xf32>
    %mul3A = vector.broadcast %div3A_12 : vector<2000x1xf32> to vector<2000x32xf32>
    %mul3A_24 = arith.mulf %add3A_23, %mul3A : vector<2000x32xf32>
    %get3A_25 = arith.constant 0 : index
    %get3A_26 = arith.constant 0 : index
    %get3A_27 = vector.load %arg1[%get3A_25, %get3A_26] : memref<2000x128xf32, #tpu.memory_space<vmem>>, vector<2000x128xf32>
    %get3A_28 = arith.constant 0 : index
    %get3A_29 = arith.constant 0 : index
    %get3A_30 = vector.load %arg4[%get3A_28, %get3A_29] : memref<128x128xf32, #tpu.memory_space<vmem>>, vector<128x128xf32>
    %dot_general3A = arith.constant dense<0.000000e+00> : vector<2000x128xf32>
    %dot_general3A_31 = tpu.matmul %get3A_27, %get3A_30, %dot_general3A {dimension_numbers = #tpu.dot_dimension_numbers<[1], [0], [0], [1], [0, 0, 1, 1], [], []>, transpose_lhs_hint = false} : vector<2000x128xf32>, vector<128x128xf32>, vector<2000x128xf32> -> vector<2000x128xf32>
    %get3A_32 = arith.constant 0 : index
    %get3A_33 = arith.constant 0 : index
    %get3A_34 = vector.load %arg5[%get3A_32, %get3A_33] : memref<32x128xf32, #tpu.memory_space<vmem>>, vector<32x128xf32>
    %dot_general3A_35 = arith.constant dense<0.000000e+00> : vector<2000x128xf32>
    %dot_general3A_36 = tpu.matmul %mul3A_24, %get3A_34, %dot_general3A_35 {dimension_numbers = #tpu.dot_dimension_numbers<[1], [0], [0], [1], [0, 0, 1, 1], [], []>, transpose_lhs_hint = false} : vector<2000x32xf32>, vector<32x128xf32>, vector<2000x128xf32> -> vector<2000x128xf32>
    %add3A_37 = arith.addf %dot_general3A_31, %dot_general3A_36 : vector<2000x128xf32>
    %get3A_38 = arith.constant 0 : index
    %get3A_39 = arith.constant 0 : index
    %get3A_40 = vector.load %arg6[%get3A_38, %get3A_39] : memref<1x128xf32, #tpu.memory_space<vmem>>, vector<1x128xf32>
    %add3A_41 = vector.broadcast %get3A_40 : vector<1x128xf32> to vector<2000x128xf32>
    %add3A_42 = arith.addf %add3A_37, %add3A_41 : vector<2000x128xf32>
    %max3A_43 = arith.constant 0.000000e+00 : f32
    %max3A_44 = vector.broadcast %max3A_43 : f32 to vector<2000x128xf32>
    %max3A_45 = arith.maximumf %add3A_42, %max3A_44 : vector<2000x128xf32>
    %swap3A = arith.constant 0 : index
    %swap3A_46 = arith.constant 0 : index
    %swap3A_47 = vector.load %arg9[%swap3A, %swap3A_46] : memref<2000x128xf32, #tpu.memory_space<vmem>>, vector<2000x128xf32>
    tpu.vector_store %arg9[%swap3A, %swap3A_46], %max3A_45 {strides = array<i32>} : memref<2000x128xf32, #tpu.memory_space<vmem>>, vector<2000x128xf32>,
    %add3A_48 = arith.addf %get3A_27, %max3A_45 : vector<2000x128xf32>
    %mul3A_49 = arith.constant 5.000000e-01 : f32
    %mul3A_50 = vector.broadcast %mul3A_49 : f32 to vector<2000x128xf32>
    %mul3A_51 = arith.mulf %mul3A_50, %add3A_48 : vector<2000x128xf32>
    %get3A_52 = arith.constant 0 : index
    %get3A_53 = arith.constant 0 : index
    %get3A_54 = vector.load %arg7[%get3A_52, %get3A_53] : memref<128x32xf32, #tpu.memory_space<vmem>>, vector<128x32xf32>
    %dot_general3A_55 = arith.constant dense<0.000000e+00> : vector<2000x32xf32>
    %dot_general3A_56 = tpu.matmul %mul3A_51, %get3A_54, %dot_general3A_55 {dimension_numbers = #tpu.dot_dimension_numbers<[1], [0], [0], [1], [0, 0, 1, 1], [], []>, transpose_lhs_hint = false} : vector<2000x128xf32>, vector<128x32xf32>, vector<2000x32xf32> -> vector<2000x32xf32>
    %swap3A_57 = arith.constant 0 : index
    %swap3A_58 = arith.constant 0 : index
    %swap3A_59 = vector.load %arg10[%swap3A_57, %swap3A_58] : memref<2000x32xf32, #tpu.memory_space<vmem>>, vector<2000x32xf32>
    tpu.vector_store %arg10[%swap3A_57, %swap3A_58], %dot_general3A_56 {strides = array<i32>} : memref<2000x32xf32, #tpu.memory_space<vmem>>, vector<2000x32xf32>,
    %get3A_60 = arith.constant 0 : index
    %get3A_61 = arith.constant 0 : index
    %get3A_62 = vector.load %arg8[%get3A_60, %get3A_61] : memref<128x32xf32, #tpu.memory_space<vmem>>, vector<128x32xf32>
    %dot_general3A_63 = arith.constant dense<0.000000e+00> : vector<2000x32xf32>
    %dot_general3A_64 = tpu.matmul %mul3A_51, %get3A_62, %dot_general3A_63 {dimension_numbers = #tpu.dot_dimension_numbers<[1], [0], [0], [1], [0, 0, 1, 1], [], []>, transpose_lhs_hint = false} : vector<2000x128xf32>, vector<128x32xf32>, vector<2000x32xf32> -> vector<2000x32xf32>
    %swap3A_65 = arith.constant 0 : index
    %swap3A_66 = arith.constant 0 : index
    %swap3A_67 = vector.load %arg11[%swap3A_65, %swap3A_66] : memref<2000x32xf32, #tpu.memory_space<vmem>>, vector<2000x32xf32>
    tpu.vector_store %arg11[%swap3A_65, %swap3A_66], %dot_general3A_64 {strides = array<i32>} : memref<2000x32xf32, #tpu.memory_space<vmem>>, vector<2000x32xf32>,
    return
  }
  func.func @transform_0(%arg0: i32) -> (i32, i32) {
    %c0_i32 = arith.constant 0 : i32
    %c0_i32_0 = arith.constant 0 : i32
    return %arg0, %c0_i32 : i32, i32
  }
  func.func @transform_1(%arg0: i32) -> (i32, i32, i32) {
    %c0_i32 = arith.constant 0 : i32
    %c0_i32_0 = arith.constant 0 : i32
    %c0_i32_1 = arith.constant 0 : i32
    return %c0_i32, %arg0, %c0_i32_0 : i32, i32, i32
  }
  func.func @transform_2(%arg0: i32) -> (i32, i32, i32) {
    %c0_i32 = arith.constant 0 : i32
    %c0_i32_0 = arith.constant 0 : i32
    %c0_i32_1 = arith.constant 0 : i32
    return %c0_i32, %arg0, %c0_i32_0 : i32, i32, i32
  }
  func.func @transform_3(%arg0: i32) -> (i32, i32) {
    %c0_i32 = arith.constant 0 : i32
    %c0_i32_0 = arith.constant 0 : i32
    %c0_i32_1 = arith.constant 0 : i32
    return %c0_i32, %c0_i32_0 : i32, i32
  }
  func.func @transform_4(%arg0: i32) -> (i32, i32) {
    %c0_i32 = arith.constant 0 : i32
    %c0_i32_0 = arith.constant 0 : i32
    %c0_i32_1 = arith.constant 0 : i32
    return %c0_i32, %c0_i32_0 : i32, i32
  }
  func.func @transform_5(%arg0: i32) -> (i32, i32) {
    %c0_i32 = arith.constant 0 : i32
    %c0_i32_0 = arith.constant 0 : i32
    %c0_i32_1 = arith.constant 0 : i32
    return %c0_i32, %c0_i32_0 : i32, i32
  }
  func.func @transform_6(%arg0: i32) -> (i32, i32) {
    %c0_i32 = arith.constant 0 : i32
    %c0_i32_0 = arith.constant 0 : i32
    %c0_i32_1 = arith.constant 0 : i32
    return %c0_i32, %c0_i32_0 : i32, i32
  }
  func.func @transform_7(%arg0: i32) -> (i32, i32) {
    %c0_i32 = arith.constant 0 : i32
    %c0_i32_0 = arith.constant 0 : i32
    %c0_i32_1 = arith.constant 0 : i32
    return %c0_i32, %c0_i32_0 : i32, i32
  }
  func.func @transform_8(%arg0: i32) -> (i32, i32) {
    %c0_i32 = arith.constant 0 : i32
    %c0_i32_0 = arith.constant 0 : i32
    return %arg0, %c0_i32 : i32, i32
  }
  func.func @transform_9(%arg0: i32) -> (i32, i32) {
    %c0_i32 = arith.constant 0 : i32
    %c0_i32_0 = arith.constant 0 : i32
    return %arg0, %c0_i32 : i32, i32
  }
  func.func @transform_10(%arg0: i32) -> (i32, i32) {
    %c0_i32 = arith.constant 0 : i32
    %c0_i32_0 = arith.constant 0 : i32
    return %arg0, %c0_i32 : i32, i32
  }
}

module attributes {stable_mosaic.version = 14 : i64} {
  func.func @_final_body(%arg0: i32, %arg1: memref<800x128xf32, #tpu.memory_space<vmem>>, %arg2: memref<800x128xf32, #tpu.memory_space<vmem>>, %arg3: memref<800x128xf32, #tpu.memory_space<vmem>>, %arg4: memref<800x128xf32, #tpu.memory_space<vmem>>, %arg5: memref<128x128xf32, #tpu.memory_space<vmem>>, %arg6: memref<1x128xf32, #tpu.memory_space<vmem>>, %arg7: memref<128x128xf32, #tpu.memory_space<vmem>>, %arg8: memref<1x128xf32, #tpu.memory_space<vmem>>, %arg9: memref<128x128xf32, #tpu.memory_space<vmem>>, %arg10: memref<1x128xf32, #tpu.memory_space<vmem>>, %arg11: memref<128x4xf32, #tpu.memory_space<vmem>>, %arg12: memref<1xf32, #tpu.memory_space<smem>>, %arg13: memref<1x800x4xf32, #tpu.memory_space<vmem>>) attributes {dimension_semantics = [#tpu.dimension_semantics<arbitrary>], iteration_bounds = array<i64: 100>, scalar_prefetch = 0 : i64, scratch_operands = 0 : i64, tpu.core_type = #tpu.core_type<tc>, window_params = [{transform_indices = @transform_0, window_bounds = array<i64: 800, 128>}, {transform_indices = @transform_1, window_bounds = array<i64: 800, 128>}, {transform_indices = @transform_2, window_bounds = array<i64: 800, 128>}, {transform_indices = @transform_3, window_bounds = array<i64: 800, 128>}, {pipeline_mode = #tpu.pipeline_mode<synchronous>, transform_indices = @transform_4, window_bounds = array<i64: 128, 128>}, {pipeline_mode = #tpu.pipeline_mode<synchronous>, transform_indices = @transform_5, window_bounds = array<i64: 1, 128>}, {pipeline_mode = #tpu.pipeline_mode<synchronous>, transform_indices = @transform_6, window_bounds = array<i64: 128, 128>}, {pipeline_mode = #tpu.pipeline_mode<synchronous>, transform_indices = @transform_7, window_bounds = array<i64: 1, 128>}, {pipeline_mode = #tpu.pipeline_mode<synchronous>, transform_indices = @transform_8, window_bounds = array<i64: 128, 128>}, {pipeline_mode = #tpu.pipeline_mode<synchronous>, transform_indices = @transform_9, window_bounds = array<i64: 1, 128>}, {pipeline_mode = #tpu.pipeline_mode<synchronous>, transform_indices = @transform_10, window_bounds = array<i64: 128, 4>}, {transform_indices = @transform_11, window_bounds = array<i64: 1>}, {transform_indices = @transform_12, window_bounds = array<i64: 1, 800, 4>}]} {
    %get3A = arith.constant 0 : index
    %get3A_0 = arith.constant 0 : index
    %get3A_1 = vector.load %arg3[%get3A, %get3A_0] : memref<800x128xf32, #tpu.memory_space<vmem>>, vector<800x128xf32>
    %get3A_2 = arith.constant 0 : index
    %get3A_3 = arith.constant 0 : index
    %get3A_4 = vector.load %arg4[%get3A_2, %get3A_3] : memref<800x128xf32, #tpu.memory_space<vmem>>, vector<800x128xf32>
    %add3A = arith.addf %get3A_1, %get3A_4 : vector<800x128xf32>
    %mul3A = arith.constant 5.000000e-01 : f32
    %mul3A_5 = vector.broadcast %mul3A : f32 to vector<800x128xf32>
    %mul3A_6 = arith.mulf %mul3A_5, %add3A : vector<800x128xf32>
    %get3A_7 = arith.constant 0 : index
    %get3A_8 = arith.constant 0 : index
    %get3A_9 = vector.load %arg5[%get3A_7, %get3A_8] : memref<128x128xf32, #tpu.memory_space<vmem>>, vector<128x128xf32>
    %dot_general3A = arith.constant dense<0.000000e+00> : vector<800x128xf32>
    %dot_general3A_10 = tpu.matmul %mul3A_6, %get3A_9, %dot_general3A {dimension_numbers = #tpu.dot_dimension_numbers<[1], [0], [0], [1], [0, 0, 1, 1], [], []>, transpose_lhs_hint = false} : vector<800x128xf32>, vector<128x128xf32>, vector<800x128xf32> -> vector<800x128xf32>
    %get3A_11 = arith.constant 0 : index
    %get3A_12 = arith.constant 0 : index
    %get3A_13 = vector.load %arg1[%get3A_11, %get3A_12] : memref<800x128xf32, #tpu.memory_space<vmem>>, vector<800x128xf32>
    %add3A_14 = arith.addf %dot_general3A_10, %get3A_13 : vector<800x128xf32>
    %get3A_15 = arith.constant 0 : index
    %get3A_16 = arith.constant 0 : index
    %get3A_17 = vector.load %arg2[%get3A_15, %get3A_16] : memref<800x128xf32, #tpu.memory_space<vmem>>, vector<800x128xf32>
    %add3A_18 = arith.addf %add3A_14, %get3A_17 : vector<800x128xf32>
    %get3A_19 = arith.constant 0 : index
    %get3A_20 = arith.constant 0 : index
    %get3A_21 = vector.load %arg6[%get3A_19, %get3A_20] : memref<1x128xf32, #tpu.memory_space<vmem>>, vector<1x128xf32>
    %add3A_22 = vector.broadcast %get3A_21 : vector<1x128xf32> to vector<800x128xf32>
    %add3A_23 = arith.addf %add3A_18, %add3A_22 : vector<800x128xf32>
    %max3A = arith.constant 0.000000e+00 : f32
    %max3A_24 = vector.broadcast %max3A : f32 to vector<800x128xf32>
    %max3A_25 = arith.maximumf %add3A_23, %max3A_24 : vector<800x128xf32>
    %get3A_26 = arith.constant 0 : index
    %get3A_27 = arith.constant 0 : index
    %get3A_28 = vector.load %arg7[%get3A_26, %get3A_27] : memref<128x128xf32, #tpu.memory_space<vmem>>, vector<128x128xf32>
    %dot_general3A_29 = arith.constant dense<0.000000e+00> : vector<800x128xf32>
    %dot_general3A_30 = tpu.matmul %max3A_25, %get3A_28, %dot_general3A_29 {dimension_numbers = #tpu.dot_dimension_numbers<[1], [0], [0], [1], [0, 0, 1, 1], [], []>, transpose_lhs_hint = false} : vector<800x128xf32>, vector<128x128xf32>, vector<800x128xf32> -> vector<800x128xf32>
    %get3A_31 = arith.constant 0 : index
    %get3A_32 = arith.constant 0 : index
    %get3A_33 = vector.load %arg8[%get3A_31, %get3A_32] : memref<1x128xf32, #tpu.memory_space<vmem>>, vector<1x128xf32>
    %add3A_34 = vector.broadcast %get3A_33 : vector<1x128xf32> to vector<800x128xf32>
    %add3A_35 = arith.addf %dot_general3A_30, %add3A_34 : vector<800x128xf32>
    %max3A_36 = arith.constant 0.000000e+00 : f32
    %max3A_37 = vector.broadcast %max3A_36 : f32 to vector<800x128xf32>
    %max3A_38 = arith.maximumf %add3A_35, %max3A_37 : vector<800x128xf32>
    %get3A_39 = arith.constant 0 : index
    %get3A_40 = arith.constant 0 : index
    %get3A_41 = vector.load %arg9[%get3A_39, %get3A_40] : memref<128x128xf32, #tpu.memory_space<vmem>>, vector<128x128xf32>
    %dot_general3A_42 = arith.constant dense<0.000000e+00> : vector<800x128xf32>
    %dot_general3A_43 = tpu.matmul %max3A_38, %get3A_41, %dot_general3A_42 {dimension_numbers = #tpu.dot_dimension_numbers<[1], [0], [0], [1], [0, 0, 1, 1], [], []>, transpose_lhs_hint = false} : vector<800x128xf32>, vector<128x128xf32>, vector<800x128xf32> -> vector<800x128xf32>
    %get3A_44 = arith.constant 0 : index
    %get3A_45 = arith.constant 0 : index
    %get3A_46 = vector.load %arg10[%get3A_44, %get3A_45] : memref<1x128xf32, #tpu.memory_space<vmem>>, vector<1x128xf32>
    %add3A_47 = vector.broadcast %get3A_46 : vector<1x128xf32> to vector<800x128xf32>
    %add3A_48 = arith.addf %dot_general3A_43, %add3A_47 : vector<800x128xf32>
    %max3A_49 = arith.constant 0.000000e+00 : f32
    %max3A_50 = vector.broadcast %max3A_49 : f32 to vector<800x128xf32>
    %max3A_51 = arith.maximumf %add3A_48, %max3A_50 : vector<800x128xf32>
    %get3A_52 = arith.constant 0 : index
    %get3A_53 = arith.constant 0 : index
    %get3A_54 = vector.load %arg11[%get3A_52, %get3A_53] : memref<128x4xf32, #tpu.memory_space<vmem>>, vector<128x4xf32>
    %dot_general3A_55 = arith.constant dense<0.000000e+00> : vector<800x4xf32>
    %dot_general3A_56 = tpu.matmul %max3A_51, %get3A_54, %dot_general3A_55 {dimension_numbers = #tpu.dot_dimension_numbers<[1], [0], [0], [1], [0, 0, 1, 1], [], []>, transpose_lhs_hint = false} : vector<800x128xf32>, vector<128x4xf32>, vector<800x4xf32> -> vector<800x4xf32>
    %get3A_57 = arith.constant 0 : index
    %get3A_58 = memref.load %arg12[%get3A_57] : memref<1xf32, #tpu.memory_space<smem>>
    %add3A_59 = vector.broadcast %get3A_58 : f32 to vector<800x4xf32>
    %add3A_60 = arith.addf %dot_general3A_56, %add3A_59 : vector<800x4xf32>
    %reshape3A = vector.shape_cast %add3A_60 : vector<800x4xf32> to vector<1x800x4xf32>
    %swap3A = arith.constant 0 : index
    %swap3A_61 = arith.constant 0 : index
    %swap3A_62 = arith.constant 0 : index
    %swap3A_63 = vector.load %arg13[%swap3A, %swap3A_61, %swap3A_62] : memref<1x800x4xf32, #tpu.memory_space<vmem>>, vector<1x800x4xf32>
    tpu.vector_store %arg13[%swap3A, %swap3A_61, %swap3A_62], %reshape3A {strides = array<i32>} : memref<1x800x4xf32, #tpu.memory_space<vmem>>, vector<1x800x4xf32>,
    return
  }
  func.func @transform_0(%arg0: i32) -> (i32, i32) {
    %c0_i32 = arith.constant 0 : i32
    %c0_i32_0 = arith.constant 0 : i32
    return %arg0, %c0_i32 : i32, i32
  }
  func.func @transform_1(%arg0: i32) -> (i32, i32) {
    %c0_i32 = arith.constant 0 : i32
    %c0_i32_0 = arith.constant 0 : i32
    return %arg0, %c0_i32 : i32, i32
  }
  func.func @transform_2(%arg0: i32) -> (i32, i32) {
    %c0_i32 = arith.constant 0 : i32
    %c0_i32_0 = arith.constant 0 : i32
    return %arg0, %c0_i32 : i32, i32
  }
  func.func @transform_3(%arg0: i32) -> (i32, i32) {
    %c0_i32 = arith.constant 0 : i32
    %c0_i32_0 = arith.constant 0 : i32
    return %arg0, %c0_i32 : i32, i32
  }
  func.func @transform_4(%arg0: i32) -> (i32, i32) {
    %c0_i32 = arith.constant 0 : i32
    %c0_i32_0 = arith.constant 0 : i32
    %c0_i32_1 = arith.constant 0 : i32
    return %c0_i32, %c0_i32_0 : i32, i32
  }
  func.func @transform_5(%arg0: i32) -> (i32, i32) {
    %c0_i32 = arith.constant 0 : i32
    %c0_i32_0 = arith.constant 0 : i32
    %c0_i32_1 = arith.constant 0 : i32
    return %c0_i32, %c0_i32_0 : i32, i32
  }
  func.func @transform_6(%arg0: i32) -> (i32, i32) {
    %c0_i32 = arith.constant 0 : i32
    %c0_i32_0 = arith.constant 0 : i32
    %c0_i32_1 = arith.constant 0 : i32
    return %c0_i32, %c0_i32_0 : i32, i32
  }
  func.func @transform_7(%arg0: i32) -> (i32, i32) {
    %c0_i32 = arith.constant 0 : i32
    %c0_i32_0 = arith.constant 0 : i32
    %c0_i32_1 = arith.constant 0 : i32
    return %c0_i32, %c0_i32_0 : i32, i32
  }
  func.func @transform_8(%arg0: i32) -> (i32, i32) {
    %c0_i32 = arith.constant 0 : i32
    %c0_i32_0 = arith.constant 0 : i32
    %c0_i32_1 = arith.constant 0 : i32
    return %c0_i32, %c0_i32_0 : i32, i32
  }
  func.func @transform_9(%arg0: i32) -> (i32, i32) {
    %c0_i32 = arith.constant 0 : i32
    %c0_i32_0 = arith.constant 0 : i32
    %c0_i32_1 = arith.constant 0 : i32
    return %c0_i32, %c0_i32_0 : i32, i32
  }
  func.func @transform_10(%arg0: i32) -> (i32, i32) {
    %c0_i32 = arith.constant 0 : i32
    %c0_i32_0 = arith.constant 0 : i32
    %c0_i32_1 = arith.constant 0 : i32
    return %c0_i32, %c0_i32_0 : i32, i32
  }
  func.func @transform_11(%arg0: i32) -> i32 {
    %c0_i32 = arith.constant 0 : i32
    %c0_i32_0 = arith.constant 0 : i32
    return %c0_i32 : i32
  }
  func.func @transform_12(%arg0: i32) -> (i32, i32, i32) {
    %c0_i32 = arith.constant 0 : i32
    %c0_i32_0 = arith.constant 0 : i32
    %c0_i32_1 = arith.constant 0 : i32
    return %arg0, %c0_i32, %c0_i32_0 : i32, i32, i32
  }
}

</mosaic_0001>

<sc_bundles>
// kernel: kernel.13.cloned.1.call-start
scs
__scs_entry_jumppad:
0x0: {  	(pc) =	sbr.rel $0x88, $3  }
0x1: {  	(tag) =	ssettag $0x0;
	lr =	simm.s32 $0x1  }
0x2: {  	[smem:$0x3F8E] =	sst lr;
	_ =	strace $0xD0000000  }
0x3: {  	_ = 	snop  }
0x4: {  	_ = 	snop  }
0x5: {  	_ = 	snop  }
0x6: {  	_ = 	snop  }
0x7: {  	_ = 	snop  }
__scs_overlays_trampoline_lowered:
0x8: {  	[smem:$0x3F9D] =	sst s0  }
0x9: {  	[smem:$0x3F9E] =	sst s1  }
0xa: {  	[smem:$0x3F9F] =	sst s2  }
0xb: {  	[smem:$0x3FA0] =	sst s3  }
0xc: {  	[smem:$0x3FA1] =	sst s4  }
0xd: {  	[smem:$0x3FA2] =	sst s5  }
0xe: {  	[smem:$0x3FA3] =	sst s6  }
0xf: {  	[smem:$0x3FA4] =	sst s7  }
0x10: {  	[smem:$0x3FA5] =	sst s8  }
0x11: {  	[smem:$0x3FA6] =	sst s9;
	s0 =	simm.s32 @!p0 $0x0  }
0x12: {  	s1 =	sld [smem:$0x3F8C];
	s0 =	simm.s32 @p0 $0x1  }
0x13: {  	[smem:$0x3FA7] =	sst s0;
	s0 =	simm.s32 @!p1 $0x0  }
0x14: {  	s2 =	sld [smem:$0x3F8B];
	s0 =	simm.s32 @p1 $0x1  }
0x15: {  	[smem:$0x3FA8] =	sst s0;
	s0 =	simm.s32 @!p2 $0x0  }
0x16: {  	s3 =	sld [smem:$0x3FDB];
	s0 =	simm.s32 @p2 $0x1  }
0x17: {  	s4 =	simm.s32 $0x1BF5;
	[smem:$0x3FAA] =	sst s0  }
0x18: {  	s0 =	sld [smem:$0x3F8D];
	_ =	swait.ge [sflag:s4], $0x0  }
0x19: {  	s7 =	sld [smem:$0x3F8E]  }
0x1a: {  	s8 =	sadd.s32 $0xFFFFE003, lr  }
0x1b: {  	s9 =	sadd.s32 $0xFFFFFEF7, lr;
	s5 =	simm.s32 $0xFFFFFFFF;
	p2 =	slt.u32 s8, $0xFFFFF086  }
0x1c: {  	p1 =	slt.u32 s9, $0xF7A;
	s5 =	simm.s32 @!p2 $0x0  }
0x1d: {  	s5 =	simm.s32 @p1 $0x1;
	p0 =	seq.s32 s7, s2  }
0x1e: {  	s7 =	smul.u32 @!p0 $0xF7A, s2;
	p2 =	seq.s32 @!p0 s5, $0x0  }
0x1f: {  	s9 =	smul.u32 $0xF7A, s1;
	s8 =	simm.s32 @!p0 $0x1BF5;
	p2 =	por !p2, p0  }
0x20: {  	[sflag:s8] =	ssyncset.s32 @!p0 $0xFFFFF086;
	s6 =	sadd.s32 @!p0 s3, s7;
	s7 =	simm.s32 @!p0 $0x108  }
0x21: {  	s3 =	sadd.s32 s3, s9;
	s6 =	sadd.s32 @!p0 $0x88, s6;
	s7 =	simm.s32 @p2 $0x1082  }
0x22: {  	[simem:s7], [sflag:s8] =	dma.local @!p0 [hbm:s6], $0xF7A  }
0x23: {  	s9 =	sor.u32 $0xD0000000, s2;
	s6 =	simm.s32 $0x108;
	_ =	swait.ge @!p0 [sflag:s8], $0x0  }
0x24: {  	s3 =	sadd.s32 $0x88, s3;
	s6 =	simm.s32 @!p1 $0x1082;
	[sflag:s4] =	ssyncset.s32 $0xFFFFF086  }
0x25: {  	[simem:s6], [sflag:s4] =	dma.local [hbm:s3], $0xF7A  }
0x26: {  	[smem:$0x3F8E] =	sst s1;
	(tag) =	ssettag s2;
	_ =	strace s9  }
0x27: {  	s1 =	sld [smem:$0x3F9E]  }
0x28: {  	s2 =	sld [smem:$0x3F9F]  }
0x29: {  	s4 =	sld [smem:$0x3FA1]  }
0x2a: {  	p0 =	seq.s32 s5, $0x0;
	s5 =	sld [smem:$0x3FA2]  }
0x2b: {  	s6 =	sld [smem:$0x3FA3]  }
0x2c: {  	s7 =	sld [smem:$0x3FA4]  }
0x2d: {  	s3 =	simm.s32 $0x108;
	s8 =	sld [smem:$0x3FA5]  }
0x2e: {  	s3 =	simm.s32 @!p0 $0x1082;
	s9 =	sld [smem:$0x3FA6]  }
0x2f: {  	lr =	sadd.s32 s0, s3;
	s0 =	sld [smem:$0x3F9D]  }
0x30: {  	s3 =	sld [smem:$0x3FA0]  }
0x31: {  	[smem:$0x3FA9] =	sst s10  }
0x32: {  	s10 =	sld [smem:$0x3FA7];
	_ =	sdelay $0x3  }
0x33: {  	p0 =	seq.s32 s10, $0x1;
	s10 =	sld [smem:$0x3FA9];
	_ =	sdelay $0x3  }
0x34: {  	[smem:$0x3FA9] =	sst s10  }
0x35: {  	s10 =	sld [smem:$0x3FA8];
	_ =	sdelay $0x3  }
0x36: {  	p1 =	seq.s32 s10, $0x1;
	s10 =	sld [smem:$0x3FA9];
	_ =	sdelay $0x3  }
0x37: {  	[smem:$0x3FA9] =	sst s10  }
0x38: {  	s10 =	sld [smem:$0x3FAA]  }
0x39: {  	_ = 	snop;
	(pc) =	sbr.ind lr, $3  }
0x3a: {  	_ = 	snop  }
0x3b: {  	_ = 	snop  }
0x3c: {  	p2 =	seq.s32 s10, $0x1;
	s10 =	sld [smem:$0x3FA9]  }
0x3d: {  	_ =	shalt  }
0x3e: {  	_ =	shalt  }
0x3f: {  	_ =	shalt  }
0x40: {  	_ =	shalt  }
0x41: {  	_ =	shalt  }
0x42: {  	_ =	shalt  }
0x43: {  	_ =	shalt  }
0x44: {  	_ =	shalt  }
0x45: {  	_ =	shalt  }
0x46: {  	_ =	shalt  }
0x47: {  	_ =	shalt  }
0x48: {  	_ =	shalt  }
0x49: {  	_ =	shalt  }
0x4a: {  	_ =	shalt  }
0x4b: {  	_ =	shalt  }
0x4c: {  	_ =	shalt  }
0x4d: {  	_ =	shalt  }
0x4e: {  	_ =	shalt  }
0x4f: {  	_ =	shalt  }
0x50: {  	_ =	shalt  }
0x51: {  	_ =	shalt  }
0x52: {  	_ =	shalt  }
0x53: {  	_ =	shalt  }
0x54: {  	_ =	shalt  }
0x55: {  	_ =	shalt  }
0x56: {  	_ =	shalt  }
0x57: {  	_ =	shalt  }
0x58: {  	_ =	shalt  }
0x59: {  	_ =	shalt  }
0x5a: {  	_ =	shalt  }
0x5b: {  	_ =	shalt  }
0x5c: {  	_ =	shalt  }
0x5d: {  	_ =	shalt  }
0x5e: {  	_ =	shalt  }
0x5f: {  	_ =	shalt  }
0x60: {  	_ =	shalt  }
0x61: {  	_ =	shalt  }
0x62: {  	_ =	shalt  }
0x63: {  	_ =	shalt  }
0x64: {  	_ =	shalt  }
0x65: {  	_ =	shalt  }
0x66: {  	_ =	shalt  }
0x67: {  	_ =	shalt  }
0x68: {  	_ =	shalt  }
0x69: {  	_ =	shalt  }
0x6a: {  	_ =	shalt  }
0x6b: {  	_ =	shalt  }
0x6c: {  	_ =	shalt  }
0x6d: {  	_ =	shalt  }
0x6e: {  	_ =	shalt  }
0x6f: {  	_ =	shalt  }
0x70: {  	_ =	shalt  }
0x71: {  	_ =	shalt  }
0x72: {  	_ =	shalt  }
0x73: {  	_ =	shalt  }
0x74: {  	_ =	shalt  }
0x75: {  	_ =	shalt  }
0x76: {  	_ =	shalt  }
0x77: {  	_ =	shalt  }
0x78: {  	_ =	shalt  }
0x79: {  	_ =	shalt  }
0x7a: {  	_ =	shalt  }
0x7b: {  	_ =	shalt  }
0x7c: {  	_ =	shalt  }
0x7d: {  	_ =	shalt  }
0x7e: {  	_ =	shalt  }
0x7f: {  	_ =	shalt  }
0x80: {  	_ =	shalt  }
0x81: {  	_ =	shalt  }
0x82: {  	_ =	shalt  }
0x83: {  	_ =	shalt  }
0x84: {  	_ =	shalt  }
0x85: {  	_ =	shalt  }
0x86: {  	_ =	shalt  }
0x87: {  	_ =	shalt  }
.Lfunc_end0:
.L_simem_size_0:
called_computation_lowered:
.L_overlay_start_0:
0x88: {  	s2 =	sld [smem:$0x3FD9]  }
0x89: {  	s3 =	sld [smem:$0x3FFE];
	_ =	sdelay $0x1  }
0x8a: {  	s1 =	srdreg.scid  }
0x8b: {  	s0 =	sand.u32 $0x1, s1  }
0x8c: {  	s17 =	sshll.u32 s0, $0xA;
	s2 =	sadd.s32 s3, s2  }
0x8d: {  	s2 =	sadd.s32 s2, s17  }
0x8e: {  	[smem:$0x3FB5] =	sst s2  }
0x8f: {  	_ = 	snop  }
0x90: {  	s2 =	sld [smem:$0x3FD0];
	(tm) =	ssettm $0x1  }
0x91: {  	s18 =	sld [smem:$0x3FFB];
	_ =	sdelay $0x3  }
0x92: {  	_ =	strace s18  }
0x93: {  	s3 =	sld [smem:$0x3FFC];
	_ =	sdelay $0x3  }
0x94: {  	_ =	strace s3  }
0x95: {  	s3 =	sld [smem:$0x3FFD];
	_ =	sdelay $0x3  }
0x96: {  	_ =	strace s3  }
0x97: {  	_ =	strace $0x8FFFFFFF  }
0x98: {  	s19 =	sld [smem:$0x3FDB];
	_ =	sdelay $0x1  }
0x99: {  	s4 =	simm.s32 $_scs_section_size  }
0x9a: {  	s5 =	simm.s32 $_size__tile_overlayer_lowered;
	s6 =	simm.s32 $_tile_overlayer_lowered  }
0x9b: {  	s22 =	simm.s32 $0x1BFF;
	s21 =	sshll.u32 s6, $0x1;
	s3 =	sadd.s32 s4, s19  }
0x9c: {  	s7 =	simm.s32 $0x0;
	s20 =	sshll.u32 s5, $0x1;
	s5 =	sadd.s32 s21, s3  }
0x9d: {  	[timem:s7], [sflag:s22] =	dma.local [hbm:s5], s20  }
0x9e: {  	_ =	swait.ge [sflag:s22], s20  }
0x9f: {  	s4 =	ssub.s32 $0x0, s20;
	[sflag:s22] =	ssyncset.done $0x0  }
0xa0: {  	[sflag:s22] =	ssyncadd.s32 s4;
	_ =	sdelay $0x1  }
0xa1: {  	s23 =	simm.s32 $0x1B8B  }
0xa2: {  	_ =	swait.ge [sflag:s23], $0x1  }
0xa3: {  	[sflag:s23] =	ssyncset.done $0x0  }
0xa4: {  	s25 =	simm.s32 $0x1B8E;
	s24 =	sld [smem:$0x3FFE];
	[sflag:s23] =	ssyncadd.s32 $0xFFFFFFFF  }
0xa5: {  	s26 =	simm.s32 $execute0_lowered;
	[smem:$0x3FD2] =	sst s25  }
0xa6: {  	s5 =	sshll.u32 s26, $0x1;
	_ =	strace $0x80000046;
	[dreg:$0x1] =	wrdreg $0xFFFFFFFF  }
0xa7: {  	s28 =	simm.s32 $_size_execute0_lowered;
	s3 =	sadd.s32 s3, s5;
	[dreg:$0x0] =	wrdreg $0x0  }
0xa8: {  	s5 =	sshll.u32 s28, $0x1;
	[dreg:$0x2] =	wrdreg s3  }
0xa9: {  	[dreg:$0x3] =	wrdreg s5  }
0xaa: {  	[dreg:$0x4] =	wrdreg $0xC0  }
0xab: {  	_ =	task [dreg:s7], $0x5FFFF  }
0xac: {  	[dreg:$0x1] =	wrdreg $0xFFFFFFFF  }
0xad: {  	[dreg:$0x0] =	wrdreg $0x60  }
0xae: {  	[dreg:$0x2] =	wrdreg s2  }
0xaf: {  	[dreg:$0x3] =	wrdreg s24  }
0xb0: {  	[dreg:$0x4] =	wrdreg $0x9  }
0xb1: {  	_ =	task.clear_ibuf [dreg:s7], $0x5FFFF;
	_ =	strace $0x90000046  }
0xb2: {  	s29 =	simm.s32 $0x9;
	_ =	strace $0x80000048  }
0xb3: {  	_ =	swait.ge [sflag:s29], $0x1  }
0xb4: {  	[sflag:s29] =	ssyncadd.s32 $0xFFFFFFFF  }
0xb5: {  	_ =	strace $0x90000048  }
0xb6: {  	_ =	sfence  }
0xb7: {  	s30 =	sld [smem:$0x0];
	_ =	sdelay $0x2  }
0xb8: {  	s31 =	sshll.u32 s1, $0xD;
	s1 =	sshrl.u32 s1, $0x2  }
0xb9: {  	s3 =	sand.u32 $0x4000, s31;
	s1 =	sadd.s32 s1, s30  }
0xba: {  	s0 =	sor.u32 s3, s0;
	s1 =	sshll.u32 s1, $0x11  }
0xbb: {  	s0 =	sor.u32 s1, s0  }
0xbc: {  	s0 =	sadd.s32 $0x8F2B, s0  }
0xbd: {  	[sflag:s0] =	ssyncadd.remote.s32 $0x1  }
0xbe: {  	_ =	sfence.sel $0xFFFF  }
0xbf: {  	[dreg:$0x0] =	wrdreg $0xFFFFFFFF;
	(pc) =	sbr.abs _section_cstart, $3  }
0xc0: {  	[dreg:$0x1] =	wrdreg $0xFFFFFFFF  }
0xc1: {  	_ =	task.clear_ibuf [dreg:s7], $0x2FFFF;
	_ =	strace $0x9FFFFFFF  }
0xc2: {  	(tm) =	ssettm $0x7FFFFFFF  }
0xc3: {  	_ =	shalt  }
tec
execute0_lowered:
.L_overlay_start_1:
0x0: {  	(tag) =	ssettag $0x1  }
0x1: {  	s0 =	rddreg [dreg:$0x0]  }
0x2: {  	s4 =	rddreg [dreg:$0x1]  }
0x3: {  	s3 =	srdreg.scid;
	s1 =	stileid.u32  }
0x4: {  	s2 =	simm.s32 $0x0;
	s10 =	simm.s32 $0x3E8;
	s11 =	simm.s32 $0x7D0  }
0x5: {  	s12 =	simm.s32 $0x84D0;
	s13 =	simm.s32 $0x1;
	s14 =	simm.s32 $0x2  }
0x6: {  	s15 =	simm.s32 $0x20;
	s16 =	simm.s32 $0x80;
	s17 =	simm.s32 $0x2710  }
0x7: {  	s18 =	simm.s32 $0xA410;
	s19 =	simm.s32 $0x4650;
	s20 =	simm.s32 $0xC350  }
0x8: {  	s21 =	simm.s32 $0x6590;
	s22 =	simm.s32 $0xE290;
	[dreg:$0x3] =	wrdreg s0  }
0x9: {  	s23 =	simm.s32 $0x0;
	s0 =	rddreg [dreg:$0x2];
	s6 =	smul.u32 $0x4E20, s1  }
0xa: {  	s5 =	sand.u32 $0x1, s3;
	[smem:$0x7FF] =	sst s2;
	s8 =	smul.u32 $0x13880, s1  }
0xb: {  	s3 =	sadd.s32 $0x7400, s4;
	s7 =	smul.u32 $0x2710, s5;
	s9 =	ssub.s32 $0x2, s5  }
0xc: {  	_ =	strace $0x80000047;
	s5 =	smul.u32 $0x9C40, s5;
	s30 =	sshrl.u32 s9, $0x1  }
0xd: {  	s29 =	sadd.s32 s8, s4;
	s6 =	sadd.s32 s7, s6;
	s8 =	ssub.s32 s9, s30  }
0xe: {  	s7 =	sadd.s32 s5, s29;
	s9 =	simm.s32 $0x3;
	s6 =	sshrl.u32 s6, $0x3  }
0xf: {  	s5 =	sadd.s32 $0x24E00, s7;
	s31 =	sadd.s32 s6, s4;
	s4 =	smax.u32 s8, $0x1  }
0x10: {  	s6 =	sadd.s32 $0x15D600, s7;
	s7 =	sadd.s32 $0x1B000, s31;
	s8 =	sadd.s32 $0x11200, s31  }
.LBB2_1:
0x11: {  	[tilespmem:s2], [sflag:$0x3] =	stream.linear.gather [hbm4b:s8+s2], $0x3E8, $0x38;
	[tilespmem:$0x101D0] =	vst v63  }
0x12: {  	_ =	swait.ge [sflag:s9], $0x3E8  }
0x13: {  	[sflag:s9] =	ssyncset.done $0x0  }
0x14: {  	[sflag:s9] =	ssyncadd.s32 $0xFFFFFC18  }
0x15: {  	[tilespmem:s10], [sflag:$0x3] =	stream.linear.gather [hbm4b:s7+s2], $0x3E8, $0x38;
	[tilespmem:$0x101D0] =	vst v63  }
0x16: {  	_ =	swait.ge [sflag:s9], $0x3E8  }
0x17: {  	[sflag:s9] =	ssyncset.done $0x0  }
0x18: {  	s24 =	rddreg [dreg:$0x3];
	[sflag:s9] =	ssyncadd.s32 $0xFFFFFC18  }
0x19: {  	[tilespmem:s11], [sflag:$0x1] =	stream.indirect.gather [hbm4b:s24+s10], $0x20, s2, s10, $0xb8;
	[tilespmem:$0x101D0] =	vst v63  }
0x1a: {  	_ = 	snop  }
0x1b: {  	[tilespmem:s12], [sflag:$0x2] =	stream.indirect.gather [hbm4b:s3+s10], $0x20, s10, s10, $0xb8;
	[tilespmem:$0x101D0] =	vst v63  }
0x1c: {  	_ =	swait.ge [sflag:s13], $0x7D00  }
0x1d: {  	[sflag:s13] =	ssyncset.done $0x0  }
0x1e: {  	[sflag:s13] =	ssyncadd.s32 $0xFFFF8300  }
0x1f: {  	_ =	swait.ge [sflag:s14], $0x7D00  }
0x20: {  	[sflag:s14] =	ssyncset.done $0x0  }
0x21: {  	s31 =	sadd.s32 $0x0, s5;
	[sflag:s14] =	ssyncadd.s32 $0xFFFF8300  }
0x22: {  	[hbm4b:s31+s15] =	stream.strided.scatter [tilespmem:s11], [sflag:$0x3], $0x1F40, s16, s15, $0x38;
	[tilespmem:$0x101D0] =	vst v63  }
0x23: {  	_ =	swait.ge [sflag:s9], $0x1F40  }
0x24: {  	[sflag:s9] =	ssyncset.done $0x0  }
0x25: {  	s25 =	sadd.s32 $0x0, s6;
	[sflag:s9] =	ssyncadd.s32 $0xFFFFE0C0  }
0x26: {  	[hbm4b:s25+s15] =	stream.strided.scatter [tilespmem:s12], [sflag:$0x3], $0x1F40, s16, s15, $0x38;
	[tilespmem:$0x101D0] =	vst v63  }
0x27: {  	_ =	swait.ge [sflag:s9], $0x1F40  }
0x28: {  	[sflag:s9] =	ssyncset.done $0x0  }
0x29: {  	s26 =	sadd.s32 $0x4, s31;
	[sflag:s9] =	ssyncadd.s32 $0xFFFFE0C0  }
0x2a: {  	[hbm4b:s26+s15] =	stream.strided.scatter [tilespmem:s17], [sflag:$0x3], $0x1F40, s16, s15, $0x38;
	[tilespmem:$0x101D0] =	vst v63  }
0x2b: {  	_ =	swait.ge [sflag:s9], $0x1F40  }
0x2c: {  	[sflag:s9] =	ssyncset.done $0x0  }
0x2d: {  	s28 =	sadd.s32 $0x4, s25;
	[sflag:s9] =	ssyncadd.s32 $0xFFFFE0C0  }
0x2e: {  	[hbm4b:s28+s15] =	stream.strided.scatter [tilespmem:s18], [sflag:$0x3], $0x1F40, s16, s15, $0x38;
	[tilespmem:$0x101D0] =	vst v63  }
0x2f: {  	_ =	swait.ge [sflag:s9], $0x1F40  }
0x30: {  	[sflag:s9] =	ssyncset.done $0x0  }
0x31: {  	s29 =	sadd.s32 $0x8, s31;
	[sflag:s9] =	ssyncadd.s32 $0xFFFFE0C0  }
0x32: {  	[hbm4b:s29+s15] =	stream.strided.scatter [tilespmem:s19], [sflag:$0x3], $0x1F40, s16, s15, $0x38;
	[tilespmem:$0x101D0] =	vst v63  }
0x33: {  	_ =	swait.ge [sflag:s9], $0x1F40  }
0x34: {  	[sflag:s9] =	ssyncset.done $0x0  }
0x35: {  	s30 =	sadd.s32 $0x8, s25;
	[sflag:s9] =	ssyncadd.s32 $0xFFFFE0C0  }
0x36: {  	[hbm4b:s30+s15] =	stream.strided.scatter [tilespmem:s20], [sflag:$0x3], $0x1F40, s16, s15, $0x38;
	[tilespmem:$0x101D0] =	vst v63  }
0x37: {  	_ =	swait.ge [sflag:s9], $0x1F40  }
0x38: {  	[sflag:s9] =	ssyncset.done $0x0  }
0x39: {  	s24 =	sadd.s32 $0xC, s31;
	[sflag:s9] =	ssyncadd.s32 $0xFFFFE0C0  }
0x3a: {  	[hbm4b:s24+s15] =	stream.strided.scatter [tilespmem:s21], [sflag:$0x3], $0x1F40, s16, s15, $0x38;
	[tilespmem:$0x101D0] =	vst v63  }
0x3b: {  	_ =	swait.ge [sflag:s9], $0x1F40  }
0x3c: {  	[sflag:s9] =	ssyncset.done $0x0  }
0x3d: {  	s31 =	sadd.s32 $0xC, s25;
	[sflag:s9] =	ssyncadd.s32 $0xFFFFE0C0  }
0x3e: {  	[hbm4b:s31+s15] =	stream.strided.scatter [tilespmem:s22], [sflag:$0x3], $0x1F40, s16, s15, $0x38;
	[tilespmem:$0x101D0] =	vst v63  }
0x3f: {  	s25 =	smov.u32 s7;
	_ =	swait.ge [sflag:s9], $0x1F40  }
0x40: {  	s26 =	smov.u32 s8;
	s24 =	simm.s32 $0xFA0;
	[sflag:s9] =	ssyncset.done $0x0  }
.LBB2_2:
0x41: {  	[sflag:s9] =	ssyncadd.s32 $0xFFFFE0C0;
	s26 =	sadd.s32 $0x7D, s26  }
0x42: {  	[tilespmem:s2], [sflag:$0x3] =	stream.linear.gather [hbm4b:s26+s2], $0x3E8, $0x38;
	[tilespmem:$0x101D0] =	vst v63  }
0x43: {  	_ =	swait.ge [sflag:s9], $0x3E8  }
0x44: {  	[sflag:s9] =	ssyncset.done $0x0  }
0x45: {  	s25 =	sadd.s32 $0x7D, s25;
	[sflag:s9] =	ssyncadd.s32 $0xFFFFFC18  }
0x46: {  	[tilespmem:s10], [sflag:$0x3] =	stream.linear.gather [hbm4b:s25+s2], $0x3E8, $0x38;
	[tilespmem:$0x101D0] =	vst v63  }
0x47: {  	_ =	swait.ge [sflag:s9], $0x3E8  }
0x48: {  	[sflag:s9] =	ssyncset.done $0x0  }
0x49: {  	s29 =	rddreg [dreg:$0x3];
	[sflag:s9] =	ssyncadd.s32 $0xFFFFFC18  }
0x4a: {  	[tilespmem:s11], [sflag:$0x1] =	stream.indirect.gather [hbm4b:s29+s10], $0x20, s2, s10, $0xb8;
	[tilespmem:$0x101D0] =	vst v63  }
0x4b: {  	_ = 	snop  }
0x4c: {  	[tilespmem:s12], [sflag:$0x2] =	stream.indirect.gather [hbm4b:s3+s10], $0x20, s10, s10, $0xb8;
	[tilespmem:$0x101D0] =	vst v63  }
0x4d: {  	_ =	swait.ge [sflag:s13], $0x7D00  }
0x4e: {  	[sflag:s13] =	ssyncset.done $0x0  }
0x4f: {  	[sflag:s13] =	ssyncadd.s32 $0xFFFF8300  }
0x50: {  	_ =	swait.ge [sflag:s14], $0x7D00  }
0x51: {  	s28 =	smov.u32 s24;
	[sflag:s14] =	ssyncset.done $0x0  }
0x52: {  	s29 =	sadd.s32 s28, s5;
	[sflag:s14] =	ssyncadd.s32 $0xFFFF8300  }
0x53: {  	[hbm4b:s29+s15] =	stream.strided.scatter [tilespmem:s11], [sflag:$0x3], $0x1F40, s16, s15, $0x38;
	[tilespmem:$0x101D0] =	vst v63  }
0x54: {  	_ =	swait.ge [sflag:s9], $0x1F40  }
0x55: {  	[sflag:s9] =	ssyncset.done $0x0  }
0x56: {  	s28 =	sadd.s32 s28, s6;
	[sflag:s9] =	ssyncadd.s32 $0xFFFFE0C0  }
0x57: {  	[hbm4b:s28+s15] =	stream.strided.scatter [tilespmem:s12], [sflag:$0x3], $0x1F40, s16, s15, $0x38;
	[tilespmem:$0x101D0] =	vst v63  }
0x58: {  	_ =	swait.ge [sflag:s9], $0x1F40  }
0x59: {  	[sflag:s9] =	ssyncset.done $0x0  }
0x5a: {  	s30 =	sadd.s32 $0x4, s29;
	[sflag:s9] =	ssyncadd.s32 $0xFFFFE0C0  }
0x5b: {  	[hbm4b:s30+s15] =	stream.strided.scatter [tilespmem:s17], [sflag:$0x3], $0x1F40, s16, s15, $0x38;
	[tilespmem:$0x101D0] =	vst v63  }
0x5c: {  	_ =	swait.ge [sflag:s9], $0x1F40  }
0x5d: {  	[sflag:s9] =	ssyncset.done $0x0  }
0x5e: {  	s31 =	sadd.s32 $0x4, s28;
	[sflag:s9] =	ssyncadd.s32 $0xFFFFE0C0  }
0x5f: {  	[hbm4b:s31+s15] =	stream.strided.scatter [tilespmem:s18], [sflag:$0x3], $0x1F40, s16, s15, $0x38;
	[tilespmem:$0x101D0] =	vst v63  }
0x60: {  	_ =	swait.ge [sflag:s9], $0x1F40  }
0x61: {  	[sflag:s9] =	ssyncset.done $0x0  }
0x62: {  	s31 =	sadd.s32 $0x8, s29;
	[sflag:s9] =	ssyncadd.s32 $0xFFFFE0C0  }
0x63: {  	[hbm4b:s31+s15] =	stream.strided.scatter [tilespmem:s19], [sflag:$0x3], $0x1F40, s16, s15, $0x38;
	[tilespmem:$0x101D0] =	vst v63  }
0x64: {  	_ =	swait.ge [sflag:s9], $0x1F40  }
0x65: {  	[sflag:s9] =	ssyncset.done $0x0  }
0x66: {  	s31 =	sadd.s32 $0x8, s28;
	[sflag:s9] =	ssyncadd.s32 $0xFFFFE0C0  }
0x67: {  	[hbm4b:s31+s15] =	stream.strided.scatter [tilespmem:s20], [sflag:$0x3], $0x1F40, s16, s15, $0x38;
	[tilespmem:$0x101D0] =	vst v63  }
0x68: {  	_ =	swait.ge [sflag:s9], $0x1F40  }
0x69: {  	[sflag:s9] =	ssyncset.done $0x0  }
0x6a: {  	s29 =	sadd.s32 $0xC, s29;
	[sflag:s9] =	ssyncadd.s32 $0xFFFFE0C0  }
0x6b: {  	[hbm4b:s29+s15] =	stream.strided.scatter [tilespmem:s21], [sflag:$0x3], $0x1F40, s16, s15, $0x38;
	[tilespmem:$0x101D0] =	vst v63  }
0x6c: {  	p0 =	sne.s32 s24, $0x8CA0;
	_ =	swait.ge [sflag:s9], $0x1F40  }
.Ltmp0:
0x6d: {  	[sflag:s9] =	ssyncset.done $0x0;
	(pc) =	sbr.rel @p0 .LBB2_2-.Ltmp0, $4  }
0x6e: {  	s28 =	sadd.s32 $0xC, s28;
	[sflag:s9] =	ssyncadd.s32 $0xFFFFE0C0  }
0x6f: {  	[hbm4b:s28+s15] =	stream.strided.scatter [tilespmem:s22], [sflag:$0x3], $0x1F40, s16, s15, $0x38;
	[tilespmem:$0x101D0] =	vst v63  }
0x70: {  	_ =	swait.ge [sflag:s9], $0x1F40  }
0x71: {  	s24 =	sadd.s32 $0xFA0, s24;
	[sflag:s9] =	ssyncset.done $0x0  }
0x72: {  	s23 =	sadd.s32 $0x1, s23  }
0x73: {  	p0 =	sne.s32 s23, s4  }
.Ltmp1:
0x74: {  	_ = 	snop;
	(pc) =	sbr.rel @p0 .LBB2_1-.Ltmp1, $2  }
0x75: {  	_ =	sdelay $0x2  }
0x76: {  	[sflag:s9] =	ssyncadd.s32 $0xFFFFE0C0  }
0x77: {  	_ =	sfence.sel $0x180000  }
0x78: {  	[bflag:$0x0] =	sbarrier.arrive $0xFFFF  }
0x79: {  	p0 =	sne.s32 s1, $0x0;
	_ =	strace $0x90000047  }
0x7a: {  	s0 =	sadd.s32 @!p0 $0x100000, s0;
	[bflag:$0x2] =	sbarrier.arrive $0xFFFF  }
0x7b: {  	[sflag:s0] =	ssyncadd.tile.s32 @!p0 $0x1;
	_ =	shalt  }
.Lfunc_end2:
_tile_overlayer_lowered:
.L_overlay_start_2:
0x7c: {  	(tag) =	ssettag $0x2  }
0x7d: {  	s0 =	rddreg [dreg:$0x0];
	s2 =	stileid.u32  }
0x7e: {  	s1 =	rddreg [dreg:$0x1];
	p0 =	sne.s32 s2, $0x0  }
0x7f: {  	s3 =	rddreg [dreg:$0x2];
	[bflag:$0x3] =	sbarrier.arrive $0xFFFF;
	s2 =	simm.s32 @!p0 $0x1C03  }
0x80: {  	[timem:s3], [sflag:s2] =	dma.local @!p0 [hbm:s0], s1  }
0x81: {  	s0 =	simm.s32 @!p0 $0x3  }
0x82: {  	_ =	swait.ge @!p0 [sflag:s0], s1  }
0x83: {  	s1 =	ssub.s32 @!p0 $0x0, s1;
	[sflag:s0] =	ssyncset.done @!p0 $0x0  }
0x84: {  	[sflag:s0] =	ssyncadd.s32 @!p0 s1  }
0x85: {  	[bflag:$0x3] =	sbarrier.arrive $0xFFFF  }
0x86: {  	_ =	shalt  }

// kernel: kernel.16.cloned.1.call-start
scs
__scs_entry_jumppad:
0x0: {  	(pc) =	sbr.rel $0x88, $3  }
0x1: {  	(tag) =	ssettag $0x0;
	lr =	simm.s32 $0x1  }
0x2: {  	[smem:$0x3F8E] =	sst lr;
	_ =	strace $0xD0000000  }
0x3: {  	_ = 	snop  }
0x4: {  	_ = 	snop  }
0x5: {  	_ = 	snop  }
0x6: {  	_ = 	snop  }
0x7: {  	_ = 	snop  }
__scs_overlays_trampoline_lowered:
0x8: {  	[smem:$0x3F9D] =	sst s0  }
0x9: {  	[smem:$0x3F9E] =	sst s1  }
0xa: {  	[smem:$0x3F9F] =	sst s2  }
0xb: {  	[smem:$0x3FA0] =	sst s3  }
0xc: {  	[smem:$0x3FA1] =	sst s4  }
0xd: {  	[smem:$0x3FA2] =	sst s5  }
0xe: {  	[smem:$0x3FA3] =	sst s6  }
0xf: {  	[smem:$0x3FA4] =	sst s7  }
0x10: {  	[smem:$0x3FA5] =	sst s8  }
0x11: {  	[smem:$0x3FA6] =	sst s9;
	s0 =	simm.s32 @!p0 $0x0  }
0x12: {  	s1 =	sld [smem:$0x3F8C];
	s0 =	simm.s32 @p0 $0x1  }
0x13: {  	[smem:$0x3FA7] =	sst s0;
	s0 =	simm.s32 @!p1 $0x0  }
0x14: {  	s2 =	sld [smem:$0x3F8B];
	s0 =	simm.s32 @p1 $0x1  }
0x15: {  	[smem:$0x3FA8] =	sst s0;
	s0 =	simm.s32 @!p2 $0x0  }
0x16: {  	s3 =	sld [smem:$0x3FDB];
	s0 =	simm.s32 @p2 $0x1  }
0x17: {  	s4 =	simm.s32 $0x1BF5;
	[smem:$0x3FAA] =	sst s0  }
0x18: {  	s0 =	sld [smem:$0x3F8D];
	_ =	swait.ge [sflag:s4], $0x0  }
0x19: {  	s7 =	sld [smem:$0x3F8E]  }
0x1a: {  	s8 =	sadd.s32 $0xFFFFE003, lr  }
0x1b: {  	s9 =	sadd.s32 $0xFFFFFEF7, lr;
	s5 =	simm.s32 $0xFFFFFFFF;
	p2 =	slt.u32 s8, $0xFFFFF086  }
0x1c: {  	p1 =	slt.u32 s9, $0xF7A;
	s5 =	simm.s32 @!p2 $0x0  }
0x1d: {  	s5 =	simm.s32 @p1 $0x1;
	p0 =	seq.s32 s7, s2  }
0x1e: {  	s7 =	smul.u32 @!p0 $0xF7A, s2;
	p2 =	seq.s32 @!p0 s5, $0x0  }
0x1f: {  	s9 =	smul.u32 $0xF7A, s1;
	s8 =	simm.s32 @!p0 $0x1BF5;
	p2 =	por !p2, p0  }
0x20: {  	[sflag:s8] =	ssyncset.s32 @!p0 $0xFFFFF086;
	s6 =	sadd.s32 @!p0 s3, s7;
	s7 =	simm.s32 @!p0 $0x108  }
0x21: {  	s3 =	sadd.s32 s3, s9;
	s6 =	sadd.s32 @!p0 $0x88, s6;
	s7 =	simm.s32 @p2 $0x1082  }
0x22: {  	[simem:s7], [sflag:s8] =	dma.local @!p0 [hbm:s6], $0xF7A  }
0x23: {  	s9 =	sor.u32 $0xD0000000, s2;
	s6 =	simm.s32 $0x108;
	_ =	swait.ge @!p0 [sflag:s8], $0x0  }
0x24: {  	s3 =	sadd.s32 $0x88, s3;
	s6 =	simm.s32 @!p1 $0x1082;
	[sflag:s4] =	ssyncset.s32 $0xFFFFF086  }
0x25: {  	[simem:s6], [sflag:s4] =	dma.local [hbm:s3], $0xF7A  }
0x26: {  	[smem:$0x3F8E] =	sst s1;
	(tag) =	ssettag s2;
	_ =	strace s9  }
0x27: {  	s1 =	sld [smem:$0x3F9E]  }
0x28: {  	s2 =	sld [smem:$0x3F9F]  }
0x29: {  	s4 =	sld [smem:$0x3FA1]  }
0x2a: {  	p0 =	seq.s32 s5, $0x0;
	s5 =	sld [smem:$0x3FA2]  }
0x2b: {  	s6 =	sld [smem:$0x3FA3]  }
0x2c: {  	s7 =	sld [smem:$0x3FA4]  }
0x2d: {  	s3 =	simm.s32 $0x108;
	s8 =	sld [smem:$0x3FA5]  }
0x2e: {  	s3 =	simm.s32 @!p0 $0x1082;
	s9 =	sld [smem:$0x3FA6]  }
0x2f: {  	lr =	sadd.s32 s0, s3;
	s0 =	sld [smem:$0x3F9D]  }
0x30: {  	s3 =	sld [smem:$0x3FA0]  }
0x31: {  	[smem:$0x3FA9] =	sst s10  }
0x32: {  	s10 =	sld [smem:$0x3FA7];
	_ =	sdelay $0x3  }
0x33: {  	p0 =	seq.s32 s10, $0x1;
	s10 =	sld [smem:$0x3FA9];
	_ =	sdelay $0x3  }
0x34: {  	[smem:$0x3FA9] =	sst s10  }
0x35: {  	s10 =	sld [smem:$0x3FA8];
	_ =	sdelay $0x3  }
0x36: {  	p1 =	seq.s32 s10, $0x1;
	s10 =	sld [smem:$0x3FA9];
	_ =	sdelay $0x3  }
0x37: {  	[smem:$0x3FA9] =	sst s10  }
0x38: {  	s10 =	sld [smem:$0x3FAA]  }
0x39: {  	_ = 	snop;
	(pc) =	sbr.ind lr, $3  }
0x3a: {  	_ = 	snop  }
0x3b: {  	_ = 	snop  }
0x3c: {  	p2 =	seq.s32 s10, $0x1;
	s10 =	sld [smem:$0x3FA9]  }
0x3d: {  	_ =	shalt  }
0x3e: {  	_ =	shalt  }
0x3f: {  	_ =	shalt  }
0x40: {  	_ =	shalt  }
0x41: {  	_ =	shalt  }
0x42: {  	_ =	shalt  }
0x43: {  	_ =	shalt  }
0x44: {  	_ =	shalt  }
0x45: {  	_ =	shalt  }
0x46: {  	_ =	shalt  }
0x47: {  	_ =	shalt  }
0x48: {  	_ =	shalt  }
0x49: {  	_ =	shalt  }
0x4a: {  	_ =	shalt  }
0x4b: {  	_ =	shalt  }
0x4c: {  	_ =	shalt  }
0x4d: {  	_ =	shalt  }
0x4e: {  	_ =	shalt  }
0x4f: {  	_ =	shalt  }
0x50: {  	_ =	shalt  }
0x51: {  	_ =	shalt  }
0x52: {  	_ =	shalt  }
0x53: {  	_ =	shalt  }
0x54: {  	_ =	shalt  }
0x55: {  	_ =	shalt  }
0x56: {  	_ =	shalt  }
0x57: {  	_ =	shalt  }
0x58: {  	_ =	shalt  }
0x59: {  	_ =	shalt  }
0x5a: {  	_ =	shalt  }
0x5b: {  	_ =	shalt  }
0x5c: {  	_ =	shalt  }
0x5d: {  	_ =	shalt  }
0x5e: {  	_ =	shalt  }
0x5f: {  	_ =	shalt  }
0x60: {  	_ =	shalt  }
0x61: {  	_ =	shalt  }
0x62: {  	_ =	shalt  }
0x63: {  	_ =	shalt  }
0x64: {  	_ =	shalt  }
0x65: {  	_ =	shalt  }
0x66: {  	_ =	shalt  }
0x67: {  	_ =	shalt  }
0x68: {  	_ =	shalt  }
0x69: {  	_ =	shalt  }
0x6a: {  	_ =	shalt  }
0x6b: {  	_ =	shalt  }
0x6c: {  	_ =	shalt  }
0x6d: {  	_ =	shalt  }
0x6e: {  	_ =	shalt  }
0x6f: {  	_ =	shalt  }
0x70: {  	_ =	shalt  }
0x71: {  	_ =	shalt  }
0x72: {  	_ =	shalt  }
0x73: {  	_ =	shalt  }
0x74: {  	_ =	shalt  }
0x75: {  	_ =	shalt  }
0x76: {  	_ =	shalt  }
0x77: {  	_ =	shalt  }
0x78: {  	_ =	shalt  }
0x79: {  	_ =	shalt  }
0x7a: {  	_ =	shalt  }
0x7b: {  	_ =	shalt  }
0x7c: {  	_ =	shalt  }
0x7d: {  	_ =	shalt  }
0x7e: {  	_ =	shalt  }
0x7f: {  	_ =	shalt  }
0x80: {  	_ =	shalt  }
0x81: {  	_ =	shalt  }
0x82: {  	_ =	shalt  }
0x83: {  	_ =	shalt  }
0x84: {  	_ =	shalt  }
0x85: {  	_ =	shalt  }
0x86: {  	_ =	shalt  }
0x87: {  	_ =	shalt  }
.Lfunc_end0:
.L_simem_size_0:
called_computation.1_lowered:
.L_overlay_start_0:
0x88: {  	s2 =	sld [smem:$0x3FD9]  }
0x89: {  	s3 =	sld [smem:$0x3FFE];
	_ =	sdelay $0x1  }
0x8a: {  	s1 =	srdreg.scid  }
0x8b: {  	s0 =	sand.u32 $0x1, s1  }
0x8c: {  	s17 =	sshll.u32 s0, $0xA;
	s2 =	sadd.s32 s3, s2  }
0x8d: {  	s2 =	sadd.s32 s2, s17  }
0x8e: {  	[smem:$0x3FB5] =	sst s2  }
0x8f: {  	_ = 	snop  }
0x90: {  	s2 =	sld [smem:$0x3FD0];
	(tm) =	ssettm $0x1  }
0x91: {  	s18 =	sld [smem:$0x3FFB];
	_ =	sdelay $0x3  }
0x92: {  	_ =	strace s18  }
0x93: {  	s3 =	sld [smem:$0x3FFC];
	_ =	sdelay $0x3  }
0x94: {  	_ =	strace s3  }
0x95: {  	s3 =	sld [smem:$0x3FFD];
	_ =	sdelay $0x3  }
0x96: {  	_ =	strace s3  }
0x97: {  	_ =	strace $0x8FFFFFFF  }
0x98: {  	s19 =	sld [smem:$0x3FDB];
	_ =	sdelay $0x1  }
0x99: {  	s4 =	simm.s32 $_scs_section_size  }
0x9a: {  	s5 =	simm.s32 $_size__tile_overlayer_lowered;
	s6 =	simm.s32 $_tile_overlayer_lowered  }
0x9b: {  	s22 =	simm.s32 $0x1BFF;
	s21 =	sshll.u32 s6, $0x1;
	s3 =	sadd.s32 s4, s19  }
0x9c: {  	s7 =	simm.s32 $0x0;
	s20 =	sshll.u32 s5, $0x1;
	s5 =	sadd.s32 s21, s3  }
0x9d: {  	[timem:s7], [sflag:s22] =	dma.local [hbm:s5], s20  }
0x9e: {  	_ =	swait.ge [sflag:s22], s20  }
0x9f: {  	s4 =	ssub.s32 $0x0, s20;
	[sflag:s22] =	ssyncset.done $0x0  }
0xa0: {  	[sflag:s22] =	ssyncadd.s32 s4;
	_ =	sdelay $0x1  }
0xa1: {  	s23 =	simm.s32 $0x1B8B  }
0xa2: {  	_ =	swait.ge [sflag:s23], $0x1  }
0xa3: {  	[sflag:s23] =	ssyncset.done $0x0  }
0xa4: {  	s25 =	simm.s32 $0x1B8E;
	s24 =	sld [smem:$0x3FFE];
	[sflag:s23] =	ssyncadd.s32 $0xFFFFFFFF  }
0xa5: {  	s26 =	simm.s32 $execute0_lowered;
	[smem:$0x3FD2] =	sst s25  }
0xa6: {  	s5 =	sshll.u32 s26, $0x1;
	_ =	strace $0x80000049;
	[dreg:$0x1] =	wrdreg $0xFFFFFFFF  }
0xa7: {  	s28 =	simm.s32 $_size_execute0_lowered;
	s3 =	sadd.s32 s3, s5;
	[dreg:$0x0] =	wrdreg $0x0  }
0xa8: {  	s5 =	sshll.u32 s28, $0x1;
	[dreg:$0x2] =	wrdreg s3  }
0xa9: {  	[dreg:$0x3] =	wrdreg s5  }
0xaa: {  	[dreg:$0x4] =	wrdreg $0xC0  }
0xab: {  	_ =	task [dreg:s7], $0x5FFFF  }
0xac: {  	[dreg:$0x1] =	wrdreg $0xFFFFFFFF  }
0xad: {  	[dreg:$0x0] =	wrdreg $0x60  }
0xae: {  	[dreg:$0x2] =	wrdreg s24  }
0xaf: {  	[dreg:$0x3] =	wrdreg s2  }
0xb0: {  	[dreg:$0x4] =	wrdreg $0xCF080  }
0xb1: {  	[dreg:$0x5] =	wrdreg $0x182B80  }
0xb2: {  	[dreg:$0x6] =	wrdreg $0x9  }
0xb3: {  	_ =	task.clear_ibuf [dreg:s7], $0x7FFFF;
	_ =	strace $0x90000049  }
0xb4: {  	s29 =	simm.s32 $0x9;
	_ =	strace $0x8000004B  }
0xb5: {  	_ =	swait.ge [sflag:s29], $0x1  }
0xb6: {  	[sflag:s29] =	ssyncadd.s32 $0xFFFFFFFF  }
0xb7: {  	_ =	strace $0x9000004B  }
0xb8: {  	_ =	sfence  }
0xb9: {  	s30 =	sld [smem:$0x0];
	_ =	sdelay $0x2  }
0xba: {  	s31 =	sshll.u32 s1, $0xD;
	s1 =	sshrl.u32 s1, $0x2  }
0xbb: {  	s3 =	sand.u32 $0x4000, s31;
	s1 =	sadd.s32 s1, s30  }
0xbc: {  	s0 =	sor.u32 s3, s0;
	s1 =	sshll.u32 s1, $0x11  }
0xbd: {  	s0 =	sor.u32 s1, s0  }
0xbe: {  	s0 =	sadd.s32 $0x8F2B, s0  }
0xbf: {  	[sflag:s0] =	ssyncadd.remote.s32 $0x1  }
0xc0: {  	_ =	sfence.sel $0xFFFF  }
0xc1: {  	[dreg:$0x0] =	wrdreg $0xFFFFFFFF;
	(pc) =	sbr.abs _section_cstart, $3  }
0xc2: {  	[dreg:$0x1] =	wrdreg $0xFFFFFFFF  }
0xc3: {  	_ =	task.clear_ibuf [dreg:s7], $0x2FFFF;
	_ =	strace $0x9FFFFFFF  }
0xc4: {  	(tm) =	ssettm $0x7FFFFFFF  }
0xc5: {  	_ =	shalt  }
tec
execute0_lowered:
.L_overlay_start_1:
0x0: {  	(tag) =	ssettag $0x1  }
0x1: {  	s5 =	rddreg [dreg:$0x0]  }
0x2: {  	s8 =	rddreg [dreg:$0x1]  }
0x3: {  	s0 =	stileid.u32;
	s2 =	rddreg [dreg:$0x2]  }
0x4: {  	s1 =	srdreg.scid;
	s3 =	rddreg [dreg:$0x3];
	s4 =	simm.s32 $0x0  }
0x5: {  	s16 =	simm.s32 $0x80;
	s17 =	simm.s32 $0x3E8;
	s7 =	smul.u32 $0x4E20, s0  }
0x6: {  	s18 =	simm.s32 $0x2328;
	s19 =	simm.s32 $0x4268;
	s10 =	smul.u32 $0x13880, s0  }
0x7: {  	s20 =	simm.s32 $0x61A8;
	s6 =	sand.u32 $0x1, s1;
	s13 =	smul.u32 $0x2710, s0  }
0x8: {  	s21 =	simm.s32 $0x11D28;
	s1 =	rddreg [dreg:$0x4];
	s9 =	smul.u32 $0x2710, s6  }
0x9: {  	s22 =	simm.s32 $0x0;
	[smem:$0x7FF] =	sst s4;
	s11 =	smul.u32 $0x4E200, s6  }
0xa: {  	_ =	strace $0x8000004A;
	s29 =	ssub.s32 $0x2, s6;
	s15 =	smul.u32 $0x27100, s6  }
0xb: {  	s30 =	smul.u32 $0x9C40, s6;
	s10 =	sadd.s32 s10, s5;
	s14 =	sshrl.u32 s29, $0x1  }
0xc: {  	s6 =	sadd.s32 s13, s3;
	s9 =	sadd.s32 s9, s7;
	s28 =	sadd.s32 s7, s11  }
0xd: {  	s11 =	ssub.s32 s29, s14;
	s13 =	sadd.s32 s13, s15;
	s10 =	sadd.s32 s30, s10  }
0xe: {  	s14 =	simm.s32 $0x15BA8;
	s15 =	simm.s32 $0x20;
	s9 =	sshrl.u32 s9, $0x3  }
0xf: {  	s31 =	sshrl.u32 s13, $0x3;
	s12 =	sadd.s32 s9, s5;
	s9 =	sshrl.u32 s28, $0x3  }
0x10: {  	s10 =	sadd.s32 $0x295E00, s10;
	s13 =	simm.s32 $0x1;
	s9 =	sadd.s32 s9, s5  }
0x11: {  	s8 =	sadd.s32 s8, s31;
	s5 =	sadd.s32 s7, s2;
	s7 =	sadd.s32 $0x24E00, s9  }
0x12: {  	v0 =	vimm.f32 $0.0e+00;
	v1 =	vimm.f32 $1.000000000e+00;
	s9 =	smax.u32 s11, $0x1;
	s11 =	sadd.s32 $0x1B000, s12;
	s12 =	simm.s32 $0x80E8  }
.LBB2_1:
0x13: {  	s23 =	simm.s32 $0x80F8;
	s24 =	simm.s32 $0x0  }
.LBB2_2:
0x14: {  	p0 =	sne.s32 s24, $0x9C00  }
.Ltmp0:
0x15: {  	_ = 	snop;
	(pc) =	sbr.rel @p0 .LBB2_2-.Ltmp0, $4  }
0x16: {  	[tilespmem:s23+$0xFFFFFFF0] =	vst v0  }
0x17: {  	[tilespmem:s23+$0x0] =	vst v0;
	s25 =	sshra.s32 s24, $0x2  }
0x18: {  	[tilespmem:s25+$0x11D28] =	vst v1  }
0x19: {  	s23 =	sadd.s32 $0x20, s23;
	s24 =	sadd.s32 $0x40, s24;
	[tilespmem:s25+$0x15BA8] =	vst v0  }
0x1a: {  	s23 =	simm.s32 $0x40;
	s24 =	simm.s32 $0x0  }
.LBB2_4:
0x1b: {  	p0 =	sne.s32 s23, $0x5D80;
	[tilespmem:s24+$0x14438] =	vst v1;
	s24 =	smov.u32 s23;
	s23 =	sadd.s32 $0x40, s23  }
.Ltmp1:
0x1c: {  	(pc) =	sbr.rel @p0 .LBB2_4-.Ltmp1, $2  }
0x1d: {  	_ =	sdelay $0x2  }
0x1e: {  	s24 =	sshra.s32 s24, $0x2  }
0x1f: {  	[tilespmem:s24+$0x14438] =	vst v1  }
0x20: {  	[spmem:s5] =	stream.linear.scatter [tilespmem:s12], [sflag:$0x1], $0x4E20, $0x38;
	[tilespmem:$0x1A9C8] =	vst v63  }
0x21: {  	_ =	swait.ge [sflag:s13], $0x4E20  }
0x22: {  	[sflag:s13] =	ssyncset.done $0x0  }
0x23: {  	[sflag:s13] =	ssyncadd.s32 $0xFFFFB1E0  }
0x24: {  	[spmem:s6] =	stream.linear.scatter [tilespmem:s14], [sflag:$0x1], $0x2710, $0x38;
	[tilespmem:$0x1A9C8] =	vst v63  }
0x25: {  	_ =	swait.ge [sflag:s13], $0x2710  }
0x26: {  	[sflag:s13] =	ssyncset.done $0x0  }
0x27: {  	[sflag:s13] =	ssyncadd.s32 $0xFFFFD8F0  }
0x28: {  	[bflag:$0x0] =	sbarrier.arrive $0xFFFF  }
0x29: {  	[tilespmem:s4], [sflag:$0x1] =	stream.linear.gather [hbm4b:s11+s4], $0x3E8, $0x38;
	[tilespmem:$0x1A9C8] =	vst v63  }
0x2a: {  	_ =	swait.ge [sflag:s13], $0x3E8  }
0x2b: {  	[sflag:s13] =	ssyncset.done $0x0  }
0x2c: {  	s23 =	sadd.s32 $0x0, s10;
	[sflag:s13] =	ssyncadd.s32 $0xFFFFFC18  }
0x2d: {  	[tilespmem:s17], [sflag:$0x1] =	stream.strided.gather [hbm4b:s23+s15], $0x1F40, s16, s15, $0x38;
	[tilespmem:$0x1A9C8] =	vst v63  }
0x2e: {  	_ =	swait.ge [sflag:s13], $0x1F40  }
0x2f: {  	[sflag:s13] =	ssyncset.done $0x0  }
0x30: {  	s30 =	sadd.s32 $0x4, s23;
	[sflag:s13] =	ssyncadd.s32 $0xFFFFE0C0  }
0x31: {  	[tilespmem:s18], [sflag:$0x1] =	stream.strided.gather [hbm4b:s30+s15], $0x1F40, s16, s15, $0x38;
	[tilespmem:$0x1A9C8] =	vst v63  }
0x32: {  	_ =	swait.ge [sflag:s13], $0x1F40  }
0x33: {  	[sflag:s13] =	ssyncset.done $0x0  }
0x34: {  	s31 =	sadd.s32 $0x8, s23;
	[sflag:s13] =	ssyncadd.s32 $0xFFFFE0C0  }
0x35: {  	[tilespmem:s19], [sflag:$0x1] =	stream.strided.gather [hbm4b:s31+s15], $0x1F40, s16, s15, $0x38;
	[tilespmem:$0x1A9C8] =	vst v63  }
0x36: {  	_ =	swait.ge [sflag:s13], $0x1F40  }
0x37: {  	[sflag:s13] =	ssyncset.done $0x0  }
0x38: {  	s23 =	sadd.s32 $0xC, s23;
	[sflag:s13] =	ssyncadd.s32 $0xFFFFE0C0  }
0x39: {  	[tilespmem:s20], [sflag:$0x1] =	stream.strided.gather [hbm4b:s23+s15], $0x1F40, s16, s15, $0x38;
	[tilespmem:$0x1A9C8] =	vst v63  }
0x3a: {  	_ =	swait.ge [sflag:s13], $0x1F40  }
0x3b: {  	[sflag:s13] =	ssyncset.done $0x0  }
0x3c: {  	[sflag:s13] =	ssyncadd.s32 $0xFFFFE0C0  }
0x3d: {  	[spmem:s2] =	stream.indirect.scatter.add.f32 [tilespmem:s17], [sflag:$0x1], $0x20, s4, s17, $0xb8;
	[tilespmem:$0x1A9C8] =	vst v63  }
0x3e: {  	_ =	swait.ge [sflag:s13], $0x7D00  }
0x3f: {  	[sflag:s13] =	ssyncset.done $0x0  }
0x40: {  	[sflag:s13] =	ssyncadd.s32 $0xFFFF8300  }
0x41: {  	[spmem:s3] =	stream.indirect.scatter.add.f32 [tilespmem:s21], [sflag:$0x1], $0x10, s4, s17, $0xb8;
	[tilespmem:$0x1A9C8] =	vst v63  }
0x42: {  	_ =	swait.ge [sflag:s13], $0x3E80  }
0x43: {  	s24 =	smov.u32 s11;
	s23 =	simm.s32 $0xFA0;
	[sflag:s13] =	ssyncset.done $0x0  }
.LBB2_6:
0x44: {  	p0 =	sne.s32 s23, $0x8CA0;
	[sflag:s13] =	ssyncadd.s32 $0xFFFFC180;
	s24 =	sadd.s32 $0x7D, s24  }
0x45: {  	[tilespmem:s4], [sflag:$0x1] =	stream.linear.gather [hbm4b:s24+s4], $0x3E8, $0x38;
	[tilespmem:$0x1A9C8] =	vst v63  }
0x46: {  	s25 =	smov.u32 s23;
	s23 =	sadd.s32 $0xFA0, s23;
	_ =	swait.ge [sflag:s13], $0x3E8  }
0x47: {  	[sflag:s13] =	ssyncset.done $0x0  }
0x48: {  	s25 =	sadd.s32 s25, s10;
	[sflag:s13] =	ssyncadd.s32 $0xFFFFFC18  }
0x49: {  	[tilespmem:s17], [sflag:$0x1] =	stream.strided.gather [hbm4b:s25+s15], $0x1F40, s16, s15, $0x38;
	[tilespmem:$0x1A9C8] =	vst v63  }
0x4a: {  	_ =	swait.ge [sflag:s13], $0x1F40  }
0x4b: {  	[sflag:s13] =	ssyncset.done $0x0  }
0x4c: {  	s26 =	sadd.s32 $0x4, s25;
	[sflag:s13] =	ssyncadd.s32 $0xFFFFE0C0  }
0x4d: {  	[tilespmem:s18], [sflag:$0x1] =	stream.strided.gather [hbm4b:s26+s15], $0x1F40, s16, s15, $0x38;
	[tilespmem:$0x1A9C8] =	vst v63  }
0x4e: {  	_ =	swait.ge [sflag:s13], $0x1F40  }
0x4f: {  	[sflag:s13] =	ssyncset.done $0x0  }
0x50: {  	s26 =	sadd.s32 $0x8, s25;
	[sflag:s13] =	ssyncadd.s32 $0xFFFFE0C0  }
0x51: {  	[tilespmem:s19], [sflag:$0x1] =	stream.strided.gather [hbm4b:s26+s15], $0x1F40, s16, s15, $0x38;
	[tilespmem:$0x1A9C8] =	vst v63  }
0x52: {  	_ =	swait.ge [sflag:s13], $0x1F40  }
0x53: {  	[sflag:s13] =	ssyncset.done $0x0  }
0x54: {  	s25 =	sadd.s32 $0xC, s25;
	[sflag:s13] =	ssyncadd.s32 $0xFFFFE0C0  }
0x55: {  	[tilespmem:s20], [sflag:$0x1] =	stream.strided.gather [hbm4b:s25+s15], $0x1F40, s16, s15, $0x38;
	[tilespmem:$0x1A9C8] =	vst v63  }
0x56: {  	_ =	swait.ge [sflag:s13], $0x1F40  }
0x57: {  	[sflag:s13] =	ssyncset.done $0x0  }
0x58: {  	[sflag:s13] =	ssyncadd.s32 $0xFFFFE0C0  }
0x59: {  	[spmem:s2] =	stream.indirect.scatter.add.f32 [tilespmem:s17], [sflag:$0x1], $0x20, s4, s17, $0xb8;
	[tilespmem:$0x1A9C8] =	vst v63  }
0x5a: {  	_ =	swait.ge [sflag:s13], $0x7D00  }
.Ltmp2:
0x5b: {  	[sflag:s13] =	ssyncset.done $0x0;
	(pc) =	sbr.rel @p0 .LBB2_6-.Ltmp2, $4  }
0x5c: {  	[sflag:s13] =	ssyncadd.s32 $0xFFFF8300  }
0x5d: {  	[spmem:s3] =	stream.indirect.scatter.add.f32 [tilespmem:s21], [sflag:$0x1], $0x10, s4, s17, $0xb8;
	[tilespmem:$0x1A9C8] =	vst v63  }
0x5e: {  	_ =	swait.ge [sflag:s13], $0x3E80  }
0x5f: {  	[sflag:s13] =	ssyncset.done $0x0  }
0x60: {  	[sflag:s13] =	ssyncadd.s32 $0xFFFFC180  }
0x61: {  	[bflag:$0x0] =	sbarrier.arrive $0xFFFF  }
0x62: {  	[tilespmem:s12], [sflag:$0x1] =	stream.linear.gather [spmem:s5], $0x4E20, $0x38;
	[tilespmem:$0x1A9C8] =	vst v63  }
0x63: {  	_ =	swait.ge [sflag:s13], $0x4E20  }
0x64: {  	[sflag:s13] =	ssyncset.done $0x0  }
0x65: {  	[sflag:s13] =	ssyncadd.s32 $0xFFFFB1E0  }
0x66: {  	[hbm4b:s7+s4] =	stream.linear.scatter [tilespmem:s12], [sflag:$0x1], $0x4E20, $0x38;
	[tilespmem:$0x1A9C8] =	vst v63  }
0x67: {  	_ =	swait.ge [sflag:s13], $0x4E20  }
0x68: {  	[sflag:s13] =	ssyncset.done $0x0  }
0x69: {  	[sflag:s13] =	ssyncadd.s32 $0xFFFFB1E0  }
0x6a: {  	[tilespmem:s14], [sflag:$0x1] =	stream.linear.gather [spmem:s6], $0x2710, $0x38;
	[tilespmem:$0x1A9C8] =	vst v63  }
0x6b: {  	s22 =	sadd.s32 $0x1, s22;
	_ =	swait.ge [sflag:s13], $0x2710  }
0x6c: {  	p0 =	sne.s32 s22, s9;
	[sflag:s13] =	ssyncset.done $0x0  }
.Ltmp3:
0x6d: {  	[sflag:s13] =	ssyncadd.s32 $0xFFFFD8F0;
	(pc) =	sbr.rel @p0 .LBB2_1-.Ltmp3, $4  }
0x6e: {  	[hbm4b:s8+s4] =	stream.linear.scatter [tilespmem:s14], [sflag:$0x1], $0x2710, $0x38;
	[tilespmem:$0x1A9C8] =	vst v63  }
0x6f: {  	_ =	swait.ge [sflag:s13], $0x2710  }
0x70: {  	[sflag:s13] =	ssyncset.done $0x0  }
0x71: {  	[sflag:s13] =	ssyncadd.s32 $0xFFFFD8F0  }
0x72: {  	_ =	sfence.sel $0x180000  }
0x73: {  	[bflag:$0x0] =	sbarrier.arrive $0xFFFF  }
0x74: {  	p0 =	sne.s32 s0, $0x0;
	_ =	strace $0x9000004A  }
0x75: {  	s0 =	sadd.s32 @!p0 $0x100000, s1;
	[bflag:$0x2] =	sbarrier.arrive $0xFFFF  }
0x76: {  	[sflag:s0] =	ssyncadd.tile.s32 @!p0 $0x1;
	_ =	shalt  }
.Lfunc_end2:
_tile_overlayer_lowered:
.L_overlay_start_2:
0x77: {  	(tag) =	ssettag $0x2  }
0x78: {  	s0 =	rddreg [dreg:$0x0];
	s2 =	stileid.u32  }
0x79: {  	s1 =	rddreg [dreg:$0x1];
	p0 =	sne.s32 s2, $0x0  }
0x7a: {  	s3 =	rddreg [dreg:$0x2];
	[bflag:$0x3] =	sbarrier.arrive $0xFFFF;
	s2 =	simm.s32 @!p0 $0x1C01  }
0x7b: {  	[timem:s3], [sflag:s2] =	dma.local @!p0 [hbm:s0], s1  }
0x7c: {  	s0 =	simm.s32 @!p0 $0x1  }
0x7d: {  	_ =	swait.ge @!p0 [sflag:s0], s1  }
0x7e: {  	s1 =	ssub.s32 @!p0 $0x0, s1;
	[sflag:s0] =	ssyncset.done @!p0 $0x0  }
0x7f: {  	[sflag:s0] =	ssyncadd.s32 @!p0 s1  }
0x80: {  	[bflag:$0x3] =	sbarrier.arrive $0xFFFF  }
0x81: {  	_ =	shalt  }

// kernel: kernel.19.cloned.1.call-start
scs
__scs_entry_jumppad:
0x0: {  	(pc) =	sbr.rel $0x88, $3  }
0x1: {  	(tag) =	ssettag $0x0;
	lr =	simm.s32 $0x1  }
0x2: {  	[smem:$0x3F8E] =	sst lr;
	_ =	strace $0xD0000000  }
0x3: {  	_ = 	snop  }
0x4: {  	_ = 	snop  }
0x5: {  	_ = 	snop  }
0x6: {  	_ = 	snop  }
0x7: {  	_ = 	snop  }
__scs_overlays_trampoline_lowered:
0x8: {  	[smem:$0x3F9D] =	sst s0  }
0x9: {  	[smem:$0x3F9E] =	sst s1  }
0xa: {  	[smem:$0x3F9F] =	sst s2  }
0xb: {  	[smem:$0x3FA0] =	sst s3  }
0xc: {  	[smem:$0x3FA1] =	sst s4  }
0xd: {  	[smem:$0x3FA2] =	sst s5  }
0xe: {  	[smem:$0x3FA3] =	sst s6  }
0xf: {  	[smem:$0x3FA4] =	sst s7  }
0x10: {  	[smem:$0x3FA5] =	sst s8  }
0x11: {  	[smem:$0x3FA6] =	sst s9;
	s0 =	simm.s32 @!p0 $0x0  }
0x12: {  	s1 =	sld [smem:$0x3F8C];
	s0 =	simm.s32 @p0 $0x1  }
0x13: {  	[smem:$0x3FA7] =	sst s0;
	s0 =	simm.s32 @!p1 $0x0  }
0x14: {  	s2 =	sld [smem:$0x3F8B];
	s0 =	simm.s32 @p1 $0x1  }
0x15: {  	[smem:$0x3FA8] =	sst s0;
	s0 =	simm.s32 @!p2 $0x0  }
0x16: {  	s3 =	sld [smem:$0x3FDB];
	s0 =	simm.s32 @p2 $0x1  }
0x17: {  	s4 =	simm.s32 $0x1BF5;
	[smem:$0x3FAA] =	sst s0  }
0x18: {  	s0 =	sld [smem:$0x3F8D];
	_ =	swait.ge [sflag:s4], $0x0  }
0x19: {  	s7 =	sld [smem:$0x3F8E]  }
0x1a: {  	s8 =	sadd.s32 $0xFFFFE003, lr  }
0x1b: {  	s9 =	sadd.s32 $0xFFFFFEF7, lr;
	s5 =	simm.s32 $0xFFFFFFFF;
	p2 =	slt.u32 s8, $0xFFFFF086  }
0x1c: {  	p1 =	slt.u32 s9, $0xF7A;
	s5 =	simm.s32 @!p2 $0x0  }
0x1d: {  	s5 =	simm.s32 @p1 $0x1;
	p0 =	seq.s32 s7, s2  }
0x1e: {  	s7 =	smul.u32 @!p0 $0xF7A, s2;
	p2 =	seq.s32 @!p0 s5, $0x0  }
0x1f: {  	s9 =	smul.u32 $0xF7A, s1;
	s8 =	simm.s32 @!p0 $0x1BF5;
	p2 =	por !p2, p0  }
0x20: {  	[sflag:s8] =	ssyncset.s32 @!p0 $0xFFFFF086;
	s6 =	sadd.s32 @!p0 s3, s7;
	s7 =	simm.s32 @!p0 $0x108  }
0x21: {  	s3 =	sadd.s32 s3, s9;
	s6 =	sadd.s32 @!p0 $0x88, s6;
	s7 =	simm.s32 @p2 $0x1082  }
0x22: {  	[simem:s7], [sflag:s8] =	dma.local @!p0 [hbm:s6], $0xF7A  }
0x23: {  	s9 =	sor.u32 $0xD0000000, s2;
	s6 =	simm.s32 $0x108;
	_ =	swait.ge @!p0 [sflag:s8], $0x0  }
0x24: {  	s3 =	sadd.s32 $0x88, s3;
	s6 =	simm.s32 @!p1 $0x1082;
	[sflag:s4] =	ssyncset.s32 $0xFFFFF086  }
0x25: {  	[simem:s6], [sflag:s4] =	dma.local [hbm:s3], $0xF7A  }
0x26: {  	[smem:$0x3F8E] =	sst s1;
	(tag) =	ssettag s2;
	_ =	strace s9  }
0x27: {  	s1 =	sld [smem:$0x3F9E]  }
0x28: {  	s2 =	sld [smem:$0x3F9F]  }
0x29: {  	s4 =	sld [smem:$0x3FA1]  }
0x2a: {  	p0 =	seq.s32 s5, $0x0;
	s5 =	sld [smem:$0x3FA2]  }
0x2b: {  	s6 =	sld [smem:$0x3FA3]  }
0x2c: {  	s7 =	sld [smem:$0x3FA4]  }
0x2d: {  	s3 =	simm.s32 $0x108;
	s8 =	sld [smem:$0x3FA5]  }
0x2e: {  	s3 =	simm.s32 @!p0 $0x1082;
	s9 =	sld [smem:$0x3FA6]  }
0x2f: {  	lr =	sadd.s32 s0, s3;
	s0 =	sld [smem:$0x3F9D]  }
0x30: {  	s3 =	sld [smem:$0x3FA0]  }
0x31: {  	[smem:$0x3FA9] =	sst s10  }
0x32: {  	s10 =	sld [smem:$0x3FA7];
	_ =	sdelay $0x3  }
0x33: {  	p0 =	seq.s32 s10, $0x1;
	s10 =	sld [smem:$0x3FA9];
	_ =	sdelay $0x3  }
0x34: {  	[smem:$0x3FA9] =	sst s10  }
0x35: {  	s10 =	sld [smem:$0x3FA8];
	_ =	sdelay $0x3  }
0x36: {  	p1 =	seq.s32 s10, $0x1;
	s10 =	sld [smem:$0x3FA9];
	_ =	sdelay $0x3  }
0x37: {  	[smem:$0x3FA9] =	sst s10  }
0x38: {  	s10 =	sld [smem:$0x3FAA]  }
0x39: {  	_ = 	snop;
	(pc) =	sbr.ind lr, $3  }
0x3a: {  	_ = 	snop  }
0x3b: {  	_ = 	snop  }
0x3c: {  	p2 =	seq.s32 s10, $0x1;
	s10 =	sld [smem:$0x3FA9]  }
0x3d: {  	_ =	shalt  }
0x3e: {  	_ =	shalt  }
0x3f: {  	_ =	shalt  }
0x40: {  	_ =	shalt  }
0x41: {  	_ =	shalt  }
0x42: {  	_ =	shalt  }
0x43: {  	_ =	shalt  }
0x44: {  	_ =	shalt  }
0x45: {  	_ =	shalt  }
0x46: {  	_ =	shalt  }
0x47: {  	_ =	shalt  }
0x48: {  	_ =	shalt  }
0x49: {  	_ =	shalt  }
0x4a: {  	_ =	shalt  }
0x4b: {  	_ =	shalt  }
0x4c: {  	_ =	shalt  }
0x4d: {  	_ =	shalt  }
0x4e: {  	_ =	shalt  }
0x4f: {  	_ =	shalt  }
0x50: {  	_ =	shalt  }
0x51: {  	_ =	shalt  }
0x52: {  	_ =	shalt  }
0x53: {  	_ =	shalt  }
0x54: {  	_ =	shalt  }
0x55: {  	_ =	shalt  }
0x56: {  	_ =	shalt  }
0x57: {  	_ =	shalt  }
0x58: {  	_ =	shalt  }
0x59: {  	_ =	shalt  }
0x5a: {  	_ =	shalt  }
0x5b: {  	_ =	shalt  }
0x5c: {  	_ =	shalt  }
0x5d: {  	_ =	shalt  }
0x5e: {  	_ =	shalt  }
0x5f: {  	_ =	shalt  }
0x60: {  	_ =	shalt  }
0x61: {  	_ =	shalt  }
0x62: {  	_ =	shalt  }
0x63: {  	_ =	shalt  }
0x64: {  	_ =	shalt  }
0x65: {  	_ =	shalt  }
0x66: {  	_ =	shalt  }
0x67: {  	_ =	shalt  }
0x68: {  	_ =	shalt  }
0x69: {  	_ =	shalt  }
0x6a: {  	_ =	shalt  }
0x6b: {  	_ =	shalt  }
0x6c: {  	_ =	shalt  }
0x6d: {  	_ =	shalt  }
0x6e: {  	_ =	shalt  }
0x6f: {  	_ =	shalt  }
0x70: {  	_ =	shalt  }
0x71: {  	_ =	shalt  }
0x72: {  	_ =	shalt  }
0x73: {  	_ =	shalt  }
0x74: {  	_ =	shalt  }
0x75: {  	_ =	shalt  }
0x76: {  	_ =	shalt  }
0x77: {  	_ =	shalt  }
0x78: {  	_ =	shalt  }
0x79: {  	_ =	shalt  }
0x7a: {  	_ =	shalt  }
0x7b: {  	_ =	shalt  }
0x7c: {  	_ =	shalt  }
0x7d: {  	_ =	shalt  }
0x7e: {  	_ =	shalt  }
0x7f: {  	_ =	shalt  }
0x80: {  	_ =	shalt  }
0x81: {  	_ =	shalt  }
0x82: {  	_ =	shalt  }
0x83: {  	_ =	shalt  }
0x84: {  	_ =	shalt  }
0x85: {  	_ =	shalt  }
0x86: {  	_ =	shalt  }
0x87: {  	_ =	shalt  }
.Lfunc_end0:
.L_simem_size_0:
called_computation.2_lowered:
.L_overlay_start_0:
0x88: {  	s2 =	sld [smem:$0x3FD9]  }
0x89: {  	s3 =	sld [smem:$0x3FFE];
	_ =	sdelay $0x1  }
0x8a: {  	s1 =	srdreg.scid  }
0x8b: {  	s0 =	sand.u32 $0x1, s1  }
0x8c: {  	s17 =	sshll.u32 s0, $0xA;
	s2 =	sadd.s32 s3, s2  }
0x8d: {  	s2 =	sadd.s32 s2, s17  }
0x8e: {  	[smem:$0x3FB5] =	sst s2  }
0x8f: {  	_ = 	snop  }
0x90: {  	s2 =	sld [smem:$0x3FD0];
	(tm) =	ssettm $0x1  }
0x91: {  	s18 =	sld [smem:$0x3FFB];
	_ =	sdelay $0x3  }
0x92: {  	_ =	strace s18  }
0x93: {  	s3 =	sld [smem:$0x3FFC];
	_ =	sdelay $0x3  }
0x94: {  	_ =	strace s3  }
0x95: {  	s3 =	sld [smem:$0x3FFD];
	_ =	sdelay $0x3  }
0x96: {  	_ =	strace s3  }
0x97: {  	_ =	strace $0x8FFFFFFF  }
0x98: {  	s19 =	sld [smem:$0x3FDB];
	_ =	sdelay $0x1  }
0x99: {  	s4 =	simm.s32 $_scs_section_size  }
0x9a: {  	s5 =	simm.s32 $_size__tile_overlayer_lowered;
	s6 =	simm.s32 $_tile_overlayer_lowered  }
0x9b: {  	s22 =	simm.s32 $0x1BFF;
	s21 =	sshll.u32 s6, $0x1;
	s3 =	sadd.s32 s4, s19  }
0x9c: {  	s7 =	simm.s32 $0x0;
	s20 =	sshll.u32 s5, $0x1;
	s5 =	sadd.s32 s21, s3  }
0x9d: {  	[timem:s7], [sflag:s22] =	dma.local [hbm:s5], s20  }
0x9e: {  	_ =	swait.ge [sflag:s22], s20  }
0x9f: {  	s4 =	ssub.s32 $0x0, s20;
	[sflag:s22] =	ssyncset.done $0x0  }
0xa0: {  	[sflag:s22] =	ssyncadd.s32 s4;
	_ =	sdelay $0x1  }
0xa1: {  	s23 =	simm.s32 $0x1B8B  }
0xa2: {  	_ =	swait.ge [sflag:s23], $0x1  }
0xa3: {  	[sflag:s23] =	ssyncset.done $0x0  }
0xa4: {  	s25 =	simm.s32 $0x1B8E;
	s24 =	sld [smem:$0x3FFE];
	[sflag:s23] =	ssyncadd.s32 $0xFFFFFFFF  }
0xa5: {  	s26 =	simm.s32 $execute0_lowered;
	[smem:$0x3FD2] =	sst s25  }
0xa6: {  	s5 =	sshll.u32 s26, $0x1;
	_ =	strace $0x8000004C;
	[dreg:$0x1] =	wrdreg $0xFFFFFFFF  }
0xa7: {  	s28 =	simm.s32 $_size_execute0_lowered;
	s3 =	sadd.s32 s3, s5;
	[dreg:$0x0] =	wrdreg $0x0  }
0xa8: {  	s5 =	sshll.u32 s28, $0x1;
	[dreg:$0x2] =	wrdreg s3  }
0xa9: {  	[dreg:$0x3] =	wrdreg s5  }
0xaa: {  	[dreg:$0x4] =	wrdreg $0xC0  }
0xab: {  	_ =	task [dreg:s7], $0x5FFFF  }
0xac: {  	[dreg:$0x1] =	wrdreg $0xFFFFFFFF  }
0xad: {  	[dreg:$0x0] =	wrdreg $0x60  }
0xae: {  	[dreg:$0x2] =	wrdreg s2  }
0xaf: {  	[dreg:$0x3] =	wrdreg s24  }
0xb0: {  	[dreg:$0x4] =	wrdreg $0x9  }
0xb1: {  	_ =	task.clear_ibuf [dreg:s7], $0x5FFFF;
	_ =	strace $0x9000004C  }
0xb2: {  	s29 =	simm.s32 $0x9;
	_ =	strace $0x8000004E  }
0xb3: {  	_ =	swait.ge [sflag:s29], $0x1  }
0xb4: {  	[sflag:s29] =	ssyncadd.s32 $0xFFFFFFFF  }
0xb5: {  	_ =	strace $0x9000004E  }
0xb6: {  	_ =	sfence  }
0xb7: {  	s30 =	sld [smem:$0x0];
	_ =	sdelay $0x2  }
0xb8: {  	s31 =	sshll.u32 s1, $0xD;
	s1 =	sshrl.u32 s1, $0x2  }
0xb9: {  	s3 =	sand.u32 $0x4000, s31;
	s1 =	sadd.s32 s1, s30  }
0xba: {  	s0 =	sor.u32 s3, s0;
	s1 =	sshll.u32 s1, $0x11  }
0xbb: {  	s0 =	sor.u32 s1, s0  }
0xbc: {  	s0 =	sadd.s32 $0x8F2B, s0  }
0xbd: {  	[sflag:s0] =	ssyncadd.remote.s32 $0x1  }
0xbe: {  	_ =	sfence.sel $0xFFFF  }
0xbf: {  	[dreg:$0x0] =	wrdreg $0xFFFFFFFF;
	(pc) =	sbr.abs _section_cstart, $3  }
0xc0: {  	[dreg:$0x1] =	wrdreg $0xFFFFFFFF  }
0xc1: {  	_ =	task.clear_ibuf [dreg:s7], $0x2FFFF;
	_ =	strace $0x9FFFFFFF  }
0xc2: {  	(tm) =	ssettm $0x7FFFFFFF  }
0xc3: {  	_ =	shalt  }
tec
execute0_lowered:
.L_overlay_start_1:
0x0: {  	(tag) =	ssettag $0x1  }
0x1: {  	s0 =	rddreg [dreg:$0x0]  }
0x2: {  	s4 =	rddreg [dreg:$0x1]  }
0x3: {  	s3 =	srdreg.scid;
	s1 =	stileid.u32  }
0x4: {  	s2 =	simm.s32 $0x0;
	s10 =	simm.s32 $0x3E8;
	s11 =	simm.s32 $0x7D0  }
0x5: {  	s12 =	simm.s32 $0x84D0;
	s13 =	simm.s32 $0x1;
	s14 =	simm.s32 $0x2  }
0x6: {  	s15 =	simm.s32 $0x20;
	s16 =	simm.s32 $0x80;
	s17 =	simm.s32 $0x2710  }
0x7: {  	s18 =	simm.s32 $0xA410;
	s19 =	simm.s32 $0x4650;
	s20 =	simm.s32 $0xC350  }
0x8: {  	s21 =	simm.s32 $0x6590;
	s22 =	simm.s32 $0xE290;
	[dreg:$0x3] =	wrdreg s0  }
0x9: {  	s23 =	simm.s32 $0x0;
	s0 =	rddreg [dreg:$0x2];
	s6 =	smul.u32 $0x4E20, s1  }
0xa: {  	s5 =	sand.u32 $0x1, s3;
	[smem:$0x7FF] =	sst s2;
	s8 =	smul.u32 $0x13880, s1  }
0xb: {  	s3 =	sadd.s32 $0x7400, s4;
	s7 =	smul.u32 $0x2710, s5;
	s9 =	ssub.s32 $0x2, s5  }
0xc: {  	_ =	strace $0x8000004D;
	s5 =	smul.u32 $0x9C40, s5;
	s30 =	sshrl.u32 s9, $0x1  }
0xd: {  	s29 =	sadd.s32 s8, s4;
	s6 =	sadd.s32 s7, s6;
	s8 =	ssub.s32 s9, s30  }
0xe: {  	s7 =	sadd.s32 s5, s29;
	s9 =	simm.s32 $0x3;
	s6 =	sshrl.u32 s6, $0x3  }
0xf: {  	s5 =	sadd.s32 $0xD4C00, s7;
	s31 =	sadd.s32 s6, s4;
	s4 =	smax.u32 s8, $0x1  }
0x10: {  	s6 =	sadd.s32 $0x3CE600, s7;
	s7 =	sadd.s32 $0x1B000, s31;
	s8 =	sadd.s32 $0x11200, s31  }
.LBB2_1:
0x11: {  	[tilespmem:s2], [sflag:$0x3] =	stream.linear.gather [hbm4b:s8+s2], $0x3E8, $0x38;
	[tilespmem:$0x101D0] =	vst v63  }
0x12: {  	_ =	swait.ge [sflag:s9], $0x3E8  }
0x13: {  	[sflag:s9] =	ssyncset.done $0x0  }
0x14: {  	[sflag:s9] =	ssyncadd.s32 $0xFFFFFC18  }
0x15: {  	[tilespmem:s10], [sflag:$0x3] =	stream.linear.gather [hbm4b:s7+s2], $0x3E8, $0x38;
	[tilespmem:$0x101D0] =	vst v63  }
0x16: {  	_ =	swait.ge [sflag:s9], $0x3E8  }
0x17: {  	[sflag:s9] =	ssyncset.done $0x0  }
0x18: {  	s24 =	rddreg [dreg:$0x3];
	[sflag:s9] =	ssyncadd.s32 $0xFFFFFC18  }
0x19: {  	[tilespmem:s11], [sflag:$0x1] =	stream.indirect.gather [hbm4b:s24+s10], $0x20, s2, s10, $0xb8;
	[tilespmem:$0x101D0] =	vst v63  }
0x1a: {  	_ = 	snop  }
0x1b: {  	[tilespmem:s12], [sflag:$0x2] =	stream.indirect.gather [hbm4b:s3+s10], $0x20, s10, s10, $0xb8;
	[tilespmem:$0x101D0] =	vst v63  }
0x1c: {  	_ =	swait.ge [sflag:s13], $0x7D00  }
0x1d: {  	[sflag:s13] =	ssyncset.done $0x0  }
0x1e: {  	[sflag:s13] =	ssyncadd.s32 $0xFFFF8300  }
0x1f: {  	_ =	swait.ge [sflag:s14], $0x7D00  }
0x20: {  	[sflag:s14] =	ssyncset.done $0x0  }
0x21: {  	s31 =	sadd.s32 $0x0, s5;
	[sflag:s14] =	ssyncadd.s32 $0xFFFF8300  }
0x22: {  	[hbm4b:s31+s15] =	stream.strided.scatter [tilespmem:s11], [sflag:$0x3], $0x1F40, s16, s15, $0x38;
	[tilespmem:$0x101D0] =	vst v63  }
0x23: {  	_ =	swait.ge [sflag:s9], $0x1F40  }
0x24: {  	[sflag:s9] =	ssyncset.done $0x0  }
0x25: {  	s25 =	sadd.s32 $0x0, s6;
	[sflag:s9] =	ssyncadd.s32 $0xFFFFE0C0  }
0x26: {  	[hbm4b:s25+s15] =	stream.strided.scatter [tilespmem:s12], [sflag:$0x3], $0x1F40, s16, s15, $0x38;
	[tilespmem:$0x101D0] =	vst v63  }
0x27: {  	_ =	swait.ge [sflag:s9], $0x1F40  }
0x28: {  	[sflag:s9] =	ssyncset.done $0x0  }
0x29: {  	s26 =	sadd.s32 $0x4, s31;
	[sflag:s9] =	ssyncadd.s32 $0xFFFFE0C0  }
0x2a: {  	[hbm4b:s26+s15] =	stream.strided.scatter [tilespmem:s17], [sflag:$0x3], $0x1F40, s16, s15, $0x38;
	[tilespmem:$0x101D0] =	vst v63  }
0x2b: {  	_ =	swait.ge [sflag:s9], $0x1F40  }
0x2c: {  	[sflag:s9] =	ssyncset.done $0x0  }
0x2d: {  	s28 =	sadd.s32 $0x4, s25;
	[sflag:s9] =	ssyncadd.s32 $0xFFFFE0C0  }
0x2e: {  	[hbm4b:s28+s15] =	stream.strided.scatter [tilespmem:s18], [sflag:$0x3], $0x1F40, s16, s15, $0x38;
	[tilespmem:$0x101D0] =	vst v63  }
0x2f: {  	_ =	swait.ge [sflag:s9], $0x1F40  }
0x30: {  	[sflag:s9] =	ssyncset.done $0x0  }
0x31: {  	s29 =	sadd.s32 $0x8, s31;
	[sflag:s9] =	ssyncadd.s32 $0xFFFFE0C0  }
0x32: {  	[hbm4b:s29+s15] =	stream.strided.scatter [tilespmem:s19], [sflag:$0x3], $0x1F40, s16, s15, $0x38;
	[tilespmem:$0x101D0] =	vst v63  }
0x33: {  	_ =	swait.ge [sflag:s9], $0x1F40  }
0x34: {  	[sflag:s9] =	ssyncset.done $0x0  }
0x35: {  	s30 =	sadd.s32 $0x8, s25;
	[sflag:s9] =	ssyncadd.s32 $0xFFFFE0C0  }
0x36: {  	[hbm4b:s30+s15] =	stream.strided.scatter [tilespmem:s20], [sflag:$0x3], $0x1F40, s16, s15, $0x38;
	[tilespmem:$0x101D0] =	vst v63  }
0x37: {  	_ =	swait.ge [sflag:s9], $0x1F40  }
0x38: {  	[sflag:s9] =	ssyncset.done $0x0  }
0x39: {  	s24 =	sadd.s32 $0xC, s31;
	[sflag:s9] =	ssyncadd.s32 $0xFFFFE0C0  }
0x3a: {  	[hbm4b:s24+s15] =	stream.strided.scatter [tilespmem:s21], [sflag:$0x3], $0x1F40, s16, s15, $0x38;
	[tilespmem:$0x101D0] =	vst v63  }
0x3b: {  	_ =	swait.ge [sflag:s9], $0x1F40  }
0x3c: {  	[sflag:s9] =	ssyncset.done $0x0  }
0x3d: {  	s31 =	sadd.s32 $0xC, s25;
	[sflag:s9] =	ssyncadd.s32 $0xFFFFE0C0  }
0x3e: {  	[hbm4b:s31+s15] =	stream.strided.scatter [tilespmem:s22], [sflag:$0x3], $0x1F40, s16, s15, $0x38;
	[tilespmem:$0x101D0] =	vst v63  }
0x3f: {  	s25 =	smov.u32 s7;
	_ =	swait.ge [sflag:s9], $0x1F40  }
0x40: {  	s26 =	smov.u32 s8;
	s24 =	simm.s32 $0xFA0;
	[sflag:s9] =	ssyncset.done $0x0  }
.LBB2_2:
0x41: {  	[sflag:s9] =	ssyncadd.s32 $0xFFFFE0C0;
	s26 =	sadd.s32 $0x7D, s26  }
0x42: {  	[tilespmem:s2], [sflag:$0x3] =	stream.linear.gather [hbm4b:s26+s2], $0x3E8, $0x38;
	[tilespmem:$0x101D0] =	vst v63  }
0x43: {  	_ =	swait.ge [sflag:s9], $0x3E8  }
0x44: {  	[sflag:s9] =	ssyncset.done $0x0  }
0x45: {  	s25 =	sadd.s32 $0x7D, s25;
	[sflag:s9] =	ssyncadd.s32 $0xFFFFFC18  }
0x46: {  	[tilespmem:s10], [sflag:$0x3] =	stream.linear.gather [hbm4b:s25+s2], $0x3E8, $0x38;
	[tilespmem:$0x101D0] =	vst v63  }
0x47: {  	_ =	swait.ge [sflag:s9], $0x3E8  }
0x48: {  	[sflag:s9] =	ssyncset.done $0x0  }
0x49: {  	s29 =	rddreg [dreg:$0x3];
	[sflag:s9] =	ssyncadd.s32 $0xFFFFFC18  }
0x4a: {  	[tilespmem:s11], [sflag:$0x1] =	stream.indirect.gather [hbm4b:s29+s10], $0x20, s2, s10, $0xb8;
	[tilespmem:$0x101D0] =	vst v63  }
0x4b: {  	_ = 	snop  }
0x4c: {  	[tilespmem:s12], [sflag:$0x2] =	stream.indirect.gather [hbm4b:s3+s10], $0x20, s10, s10, $0xb8;
	[tilespmem:$0x101D0] =	vst v63  }
0x4d: {  	_ =	swait.ge [sflag:s13], $0x7D00  }
0x4e: {  	[sflag:s13] =	ssyncset.done $0x0  }
0x4f: {  	[sflag:s13] =	ssyncadd.s32 $0xFFFF8300  }
0x50: {  	_ =	swait.ge [sflag:s14], $0x7D00  }
0x51: {  	s28 =	smov.u32 s24;
	[sflag:s14] =	ssyncset.done $0x0  }
0x52: {  	s29 =	sadd.s32 s28, s5;
	[sflag:s14] =	ssyncadd.s32 $0xFFFF8300  }
0x53: {  	[hbm4b:s29+s15] =	stream.strided.scatter [tilespmem:s11], [sflag:$0x3], $0x1F40, s16, s15, $0x38;
	[tilespmem:$0x101D0] =	vst v63  }
0x54: {  	_ =	swait.ge [sflag:s9], $0x1F40  }
0x55: {  	[sflag:s9] =	ssyncset.done $0x0  }
0x56: {  	s28 =	sadd.s32 s28, s6;
	[sflag:s9] =	ssyncadd.s32 $0xFFFFE0C0  }
0x57: {  	[hbm4b:s28+s15] =	stream.strided.scatter [tilespmem:s12], [sflag:$0x3], $0x1F40, s16, s15, $0x38;
	[tilespmem:$0x101D0] =	vst v63  }
0x58: {  	_ =	swait.ge [sflag:s9], $0x1F40  }
0x59: {  	[sflag:s9] =	ssyncset.done $0x0  }
0x5a: {  	s30 =	sadd.s32 $0x4, s29;
	[sflag:s9] =	ssyncadd.s32 $0xFFFFE0C0  }
0x5b: {  	[hbm4b:s30+s15] =	stream.strided.scatter [tilespmem:s17], [sflag:$0x3], $0x1F40, s16, s15, $0x38;
	[tilespmem:$0x101D0] =	vst v63  }
0x5c: {  	_ =	swait.ge [sflag:s9], $0x1F40  }
0x5d: {  	[sflag:s9] =	ssyncset.done $0x0  }
0x5e: {  	s31 =	sadd.s32 $0x4, s28;
	[sflag:s9] =	ssyncadd.s32 $0xFFFFE0C0  }
0x5f: {  	[hbm4b:s31+s15] =	stream.strided.scatter [tilespmem:s18], [sflag:$0x3], $0x1F40, s16, s15, $0x38;
	[tilespmem:$0x101D0] =	vst v63  }
0x60: {  	_ =	swait.ge [sflag:s9], $0x1F40  }
0x61: {  	[sflag:s9] =	ssyncset.done $0x0  }
0x62: {  	s31 =	sadd.s32 $0x8, s29;
	[sflag:s9] =	ssyncadd.s32 $0xFFFFE0C0  }
0x63: {  	[hbm4b:s31+s15] =	stream.strided.scatter [tilespmem:s19], [sflag:$0x3], $0x1F40, s16, s15, $0x38;
	[tilespmem:$0x101D0] =	vst v63  }
0x64: {  	_ =	swait.ge [sflag:s9], $0x1F40  }
0x65: {  	[sflag:s9] =	ssyncset.done $0x0  }
0x66: {  	s31 =	sadd.s32 $0x8, s28;
	[sflag:s9] =	ssyncadd.s32 $0xFFFFE0C0  }
0x67: {  	[hbm4b:s31+s15] =	stream.strided.scatter [tilespmem:s20], [sflag:$0x3], $0x1F40, s16, s15, $0x38;
	[tilespmem:$0x101D0] =	vst v63  }
0x68: {  	_ =	swait.ge [sflag:s9], $0x1F40  }
0x69: {  	[sflag:s9] =	ssyncset.done $0x0  }
0x6a: {  	s29 =	sadd.s32 $0xC, s29;
	[sflag:s9] =	ssyncadd.s32 $0xFFFFE0C0  }
0x6b: {  	[hbm4b:s29+s15] =	stream.strided.scatter [tilespmem:s21], [sflag:$0x3], $0x1F40, s16, s15, $0x38;
	[tilespmem:$0x101D0] =	vst v63  }
0x6c: {  	p0 =	sne.s32 s24, $0x8CA0;
	_ =	swait.ge [sflag:s9], $0x1F40  }
.Ltmp0:
0x6d: {  	[sflag:s9] =	ssyncset.done $0x0;
	(pc) =	sbr.rel @p0 .LBB2_2-.Ltmp0, $4  }
0x6e: {  	s28 =	sadd.s32 $0xC, s28;
	[sflag:s9] =	ssyncadd.s32 $0xFFFFE0C0  }
0x6f: {  	[hbm4b:s28+s15] =	stream.strided.scatter [tilespmem:s22], [sflag:$0x3], $0x1F40, s16, s15, $0x38;
	[tilespmem:$0x101D0] =	vst v63  }
0x70: {  	_ =	swait.ge [sflag:s9], $0x1F40  }
0x71: {  	s24 =	sadd.s32 $0xFA0, s24;
	[sflag:s9] =	ssyncset.done $0x0  }
0x72: {  	s23 =	sadd.s32 $0x1, s23  }
0x73: {  	p0 =	sne.s32 s23, s4  }
.Ltmp1:
0x74: {  	_ = 	snop;
	(pc) =	sbr.rel @p0 .LBB2_1-.Ltmp1, $2  }
0x75: {  	_ =	sdelay $0x2  }
0x76: {  	[sflag:s9] =	ssyncadd.s32 $0xFFFFE0C0  }
0x77: {  	_ =	sfence.sel $0x180000  }
0x78: {  	[bflag:$0x0] =	sbarrier.arrive $0xFFFF  }
0x79: {  	p0 =	sne.s32 s1, $0x0;
	_ =	strace $0x9000004D  }
0x7a: {  	s0 =	sadd.s32 @!p0 $0x100000, s0;
	[bflag:$0x2] =	sbarrier.arrive $0xFFFF  }
0x7b: {  	[sflag:s0] =	ssyncadd.tile.s32 @!p0 $0x1;
	_ =	shalt  }
.Lfunc_end2:
_tile_overlayer_lowered:
.L_overlay_start_2:
0x7c: {  	(tag) =	ssettag $0x2  }
0x7d: {  	s0 =	rddreg [dreg:$0x0];
	s2 =	stileid.u32  }
0x7e: {  	s1 =	rddreg [dreg:$0x1];
	p0 =	sne.s32 s2, $0x0  }
0x7f: {  	s3 =	rddreg [dreg:$0x2];
	[bflag:$0x3] =	sbarrier.arrive $0xFFFF;
	s2 =	simm.s32 @!p0 $0x1C03  }
0x80: {  	[timem:s3], [sflag:s2] =	dma.local @!p0 [hbm:s0], s1  }
0x81: {  	s0 =	simm.s32 @!p0 $0x3  }
0x82: {  	_ =	swait.ge @!p0 [sflag:s0], s1  }
0x83: {  	s1 =	ssub.s32 @!p0 $0x0, s1;
	[sflag:s0] =	ssyncset.done @!p0 $0x0  }
0x84: {  	[sflag:s0] =	ssyncadd.s32 @!p0 s1  }
0x85: {  	[bflag:$0x3] =	sbarrier.arrive $0xFFFF  }
0x86: {  	_ =	shalt  }

// kernel: kernel.22.cloned.1.call-start
scs
__scs_entry_jumppad:
0x0: {  	(pc) =	sbr.rel $0x88, $3  }
0x1: {  	(tag) =	ssettag $0x0;
	lr =	simm.s32 $0x1  }
0x2: {  	[smem:$0x3F8E] =	sst lr;
	_ =	strace $0xD0000000  }
0x3: {  	_ = 	snop  }
0x4: {  	_ = 	snop  }
0x5: {  	_ = 	snop  }
0x6: {  	_ = 	snop  }
0x7: {  	_ = 	snop  }
__scs_overlays_trampoline_lowered:
0x8: {  	[smem:$0x3F9D] =	sst s0  }
0x9: {  	[smem:$0x3F9E] =	sst s1  }
0xa: {  	[smem:$0x3F9F] =	sst s2  }
0xb: {  	[smem:$0x3FA0] =	sst s3  }
0xc: {  	[smem:$0x3FA1] =	sst s4  }
0xd: {  	[smem:$0x3FA2] =	sst s5  }
0xe: {  	[smem:$0x3FA3] =	sst s6  }
0xf: {  	[smem:$0x3FA4] =	sst s7  }
0x10: {  	[smem:$0x3FA5] =	sst s8  }
0x11: {  	[smem:$0x3FA6] =	sst s9;
	s0 =	simm.s32 @!p0 $0x0  }
0x12: {  	s1 =	sld [smem:$0x3F8C];
	s0 =	simm.s32 @p0 $0x1  }
0x13: {  	[smem:$0x3FA7] =	sst s0;
	s0 =	simm.s32 @!p1 $0x0  }
0x14: {  	s2 =	sld [smem:$0x3F8B];
	s0 =	simm.s32 @p1 $0x1  }
0x15: {  	[smem:$0x3FA8] =	sst s0;
	s0 =	simm.s32 @!p2 $0x0  }
0x16: {  	s3 =	sld [smem:$0x3FDB];
	s0 =	simm.s32 @p2 $0x1  }
0x17: {  	s4 =	simm.s32 $0x1BF5;
	[smem:$0x3FAA] =	sst s0  }
0x18: {  	s0 =	sld [smem:$0x3F8D];
	_ =	swait.ge [sflag:s4], $0x0  }
0x19: {  	s7 =	sld [smem:$0x3F8E]  }
0x1a: {  	s8 =	sadd.s32 $0xFFFFE003, lr  }
0x1b: {  	s9 =	sadd.s32 $0xFFFFFEF7, lr;
	s5 =	simm.s32 $0xFFFFFFFF;
	p2 =	slt.u32 s8, $0xFFFFF086  }
0x1c: {  	p1 =	slt.u32 s9, $0xF7A;
	s5 =	simm.s32 @!p2 $0x0  }
0x1d: {  	s5 =	simm.s32 @p1 $0x1;
	p0 =	seq.s32 s7, s2  }
0x1e: {  	s7 =	smul.u32 @!p0 $0xF7A, s2;
	p2 =	seq.s32 @!p0 s5, $0x0  }
0x1f: {  	s9 =	smul.u32 $0xF7A, s1;
	s8 =	simm.s32 @!p0 $0x1BF5;
	p2 =	por !p2, p0  }
0x20: {  	[sflag:s8] =	ssyncset.s32 @!p0 $0xFFFFF086;
	s6 =	sadd.s32 @!p0 s3, s7;
	s7 =	simm.s32 @!p0 $0x108  }
0x21: {  	s3 =	sadd.s32 s3, s9;
	s6 =	sadd.s32 @!p0 $0x88, s6;
	s7 =	simm.s32 @p2 $0x1082  }
0x22: {  	[simem:s7], [sflag:s8] =	dma.local @!p0 [hbm:s6], $0xF7A  }
0x23: {  	s9 =	sor.u32 $0xD0000000, s2;
	s6 =	simm.s32 $0x108;
	_ =	swait.ge @!p0 [sflag:s8], $0x0  }
0x24: {  	s3 =	sadd.s32 $0x88, s3;
	s6 =	simm.s32 @!p1 $0x1082;
	[sflag:s4] =	ssyncset.s32 $0xFFFFF086  }
0x25: {  	[simem:s6], [sflag:s4] =	dma.local [hbm:s3], $0xF7A  }
0x26: {  	[smem:$0x3F8E] =	sst s1;
	(tag) =	ssettag s2;
	_ =	strace s9  }
0x27: {  	s1 =	sld [smem:$0x3F9E]  }
0x28: {  	s2 =	sld [smem:$0x3F9F]  }
0x29: {  	s4 =	sld [smem:$0x3FA1]  }
0x2a: {  	p0 =	seq.s32 s5, $0x0;
	s5 =	sld [smem:$0x3FA2]  }
0x2b: {  	s6 =	sld [smem:$0x3FA3]  }
0x2c: {  	s7 =	sld [smem:$0x3FA4]  }
0x2d: {  	s3 =	simm.s32 $0x108;
	s8 =	sld [smem:$0x3FA5]  }
0x2e: {  	s3 =	simm.s32 @!p0 $0x1082;
	s9 =	sld [smem:$0x3FA6]  }
0x2f: {  	lr =	sadd.s32 s0, s3;
	s0 =	sld [smem:$0x3F9D]  }
0x30: {  	s3 =	sld [smem:$0x3FA0]  }
0x31: {  	[smem:$0x3FA9] =	sst s10  }
0x32: {  	s10 =	sld [smem:$0x3FA7];
	_ =	sdelay $0x3  }
0x33: {  	p0 =	seq.s32 s10, $0x1;
	s10 =	sld [smem:$0x3FA9];
	_ =	sdelay $0x3  }
0x34: {  	[smem:$0x3FA9] =	sst s10  }
0x35: {  	s10 =	sld [smem:$0x3FA8];
	_ =	sdelay $0x3  }
0x36: {  	p1 =	seq.s32 s10, $0x1;
	s10 =	sld [smem:$0x3FA9];
	_ =	sdelay $0x3  }
0x37: {  	[smem:$0x3FA9] =	sst s10  }
0x38: {  	s10 =	sld [smem:$0x3FAA]  }
0x39: {  	_ = 	snop;
	(pc) =	sbr.ind lr, $3  }
0x3a: {  	_ = 	snop  }
0x3b: {  	_ = 	snop  }
0x3c: {  	p2 =	seq.s32 s10, $0x1;
	s10 =	sld [smem:$0x3FA9]  }
0x3d: {  	_ =	shalt  }
0x3e: {  	_ =	shalt  }
0x3f: {  	_ =	shalt  }
0x40: {  	_ =	shalt  }
0x41: {  	_ =	shalt  }
0x42: {  	_ =	shalt  }
0x43: {  	_ =	shalt  }
0x44: {  	_ =	shalt  }
0x45: {  	_ =	shalt  }
0x46: {  	_ =	shalt  }
0x47: {  	_ =	shalt  }
0x48: {  	_ =	shalt  }
0x49: {  	_ =	shalt  }
0x4a: {  	_ =	shalt  }
0x4b: {  	_ =	shalt  }
0x4c: {  	_ =	shalt  }
0x4d: {  	_ =	shalt  }
0x4e: {  	_ =	shalt  }
0x4f: {  	_ =	shalt  }
0x50: {  	_ =	shalt  }
0x51: {  	_ =	shalt  }
0x52: {  	_ =	shalt  }
0x53: {  	_ =	shalt  }
0x54: {  	_ =	shalt  }
0x55: {  	_ =	shalt  }
0x56: {  	_ =	shalt  }
0x57: {  	_ =	shalt  }
0x58: {  	_ =	shalt  }
0x59: {  	_ =	shalt  }
0x5a: {  	_ =	shalt  }
0x5b: {  	_ =	shalt  }
0x5c: {  	_ =	shalt  }
0x5d: {  	_ =	shalt  }
0x5e: {  	_ =	shalt  }
0x5f: {  	_ =	shalt  }
0x60: {  	_ =	shalt  }
0x61: {  	_ =	shalt  }
0x62: {  	_ =	shalt  }
0x63: {  	_ =	shalt  }
0x64: {  	_ =	shalt  }
0x65: {  	_ =	shalt  }
0x66: {  	_ =	shalt  }
0x67: {  	_ =	shalt  }
0x68: {  	_ =	shalt  }
0x69: {  	_ =	shalt  }
0x6a: {  	_ =	shalt  }
0x6b: {  	_ =	shalt  }
0x6c: {  	_ =	shalt  }
0x6d: {  	_ =	shalt  }
0x6e: {  	_ =	shalt  }
0x6f: {  	_ =	shalt  }
0x70: {  	_ =	shalt  }
0x71: {  	_ =	shalt  }
0x72: {  	_ =	shalt  }
0x73: {  	_ =	shalt  }
0x74: {  	_ =	shalt  }
0x75: {  	_ =	shalt  }
0x76: {  	_ =	shalt  }
0x77: {  	_ =	shalt  }
0x78: {  	_ =	shalt  }
0x79: {  	_ =	shalt  }
0x7a: {  	_ =	shalt  }
0x7b: {  	_ =	shalt  }
0x7c: {  	_ =	shalt  }
0x7d: {  	_ =	shalt  }
0x7e: {  	_ =	shalt  }
0x7f: {  	_ =	shalt  }
0x80: {  	_ =	shalt  }
0x81: {  	_ =	shalt  }
0x82: {  	_ =	shalt  }
0x83: {  	_ =	shalt  }
0x84: {  	_ =	shalt  }
0x85: {  	_ =	shalt  }
0x86: {  	_ =	shalt  }
0x87: {  	_ =	shalt  }
.Lfunc_end0:
.L_simem_size_0:
called_computation.3_lowered:
.L_overlay_start_0:
0x88: {  	s2 =	sld [smem:$0x3FD9]  }
0x89: {  	s3 =	sld [smem:$0x3FFE];
	_ =	sdelay $0x1  }
0x8a: {  	s1 =	srdreg.scid  }
0x8b: {  	s0 =	sand.u32 $0x1, s1  }
0x8c: {  	s16 =	sshll.u32 s0, $0xA;
	s2 =	sadd.s32 s3, s2  }
0x8d: {  	s2 =	sadd.s32 s2, s16  }
0x8e: {  	[smem:$0x3FB5] =	sst s2  }
0x8f: {  	_ = 	snop  }
0x90: {  	(tm) =	ssettm $0x1  }
0x91: {  	s17 =	sld [smem:$0x3FFB];
	_ =	sdelay $0x3  }
0x92: {  	_ =	strace s17  }
0x93: {  	s2 =	sld [smem:$0x3FFC];
	_ =	sdelay $0x3  }
0x94: {  	_ =	strace s2  }
0x95: {  	s2 =	sld [smem:$0x3FFD];
	_ =	sdelay $0x3  }
0x96: {  	_ =	strace s2  }
0x97: {  	_ =	strace $0x8FFFFFFF  }
0x98: {  	s18 =	sld [smem:$0x3FDB];
	_ =	sdelay $0x1  }
0x99: {  	s19 =	simm.s32 $_scs_section_size  }
0x9a: {  	s4 =	simm.s32 $_size__tile_overlayer_lowered;
	s5 =	simm.s32 $_tile_overlayer_lowered  }
0x9b: {  	s22 =	simm.s32 $0x1BFF;
	s21 =	sshll.u32 s5, $0x1;
	s2 =	sadd.s32 s19, s18  }
0x9c: {  	s6 =	simm.s32 $0x0;
	s20 =	sshll.u32 s4, $0x1;
	s4 =	sadd.s32 s21, s2  }
0x9d: {  	[timem:s6], [sflag:s22] =	dma.local [hbm:s4], s20  }
0x9e: {  	_ =	swait.ge [sflag:s22], s20  }
0x9f: {  	s3 =	ssub.s32 $0x0, s20;
	[sflag:s22] =	ssyncset.done $0x0  }
0xa0: {  	[sflag:s22] =	ssyncadd.s32 s3;
	_ =	sdelay $0x1  }
0xa1: {  	s23 =	simm.s32 $0x1B8B  }
0xa2: {  	_ =	swait.ge [sflag:s23], $0x1  }
0xa3: {  	[sflag:s23] =	ssyncset.done $0x0  }
0xa4: {  	s25 =	simm.s32 $0x1B8E;
	s24 =	sld [smem:$0x3FFE];
	[sflag:s23] =	ssyncadd.s32 $0xFFFFFFFF  }
0xa5: {  	s26 =	simm.s32 $execute0_lowered;
	[smem:$0x3FD2] =	sst s25  }
0xa6: {  	s4 =	sshll.u32 s26, $0x1;
	_ =	strace $0x8000004F;
	[dreg:$0x1] =	wrdreg $0xFFFFFFFF  }
0xa7: {  	s28 =	simm.s32 $_size_execute0_lowered;
	s2 =	sadd.s32 s2, s4;
	[dreg:$0x0] =	wrdreg $0x0  }
0xa8: {  	s4 =	sshll.u32 s28, $0x1;
	[dreg:$0x2] =	wrdreg s2  }
0xa9: {  	[dreg:$0x3] =	wrdreg s4  }
0xaa: {  	[dreg:$0x4] =	wrdreg $0xC0  }
0xab: {  	_ =	task [dreg:s6], $0x5FFFF  }
0xac: {  	[dreg:$0x1] =	wrdreg $0xFFFFFFFF  }
0xad: {  	[dreg:$0x0] =	wrdreg $0x60  }
0xae: {  	[dreg:$0x2] =	wrdreg s24  }
0xaf: {  	[dreg:$0x3] =	wrdreg $0xCF080  }
0xb0: {  	[dreg:$0x4] =	wrdreg $0x9  }
0xb1: {  	_ =	task.clear_ibuf [dreg:s6], $0x5FFFF;
	_ =	strace $0x9000004F  }
0xb2: {  	s29 =	simm.s32 $0x9;
	_ =	strace $0x80000051  }
0xb3: {  	_ =	swait.ge [sflag:s29], $0x1  }
0xb4: {  	[sflag:s29] =	ssyncadd.s32 $0xFFFFFFFF  }
0xb5: {  	_ =	strace $0x90000051  }
0xb6: {  	_ =	sfence  }
0xb7: {  	s30 =	sld [smem:$0x0];
	_ =	sdelay $0x2  }
0xb8: {  	s31 =	sshll.u32 s1, $0xD;
	s1 =	sshrl.u32 s1, $0x2  }
0xb9: {  	s3 =	sand.u32 $0x4000, s31;
	s1 =	sadd.s32 s1, s30  }
0xba: {  	s0 =	sor.u32 s3, s0;
	s1 =	sshll.u32 s1, $0x11  }
0xbb: {  	s0 =	sor.u32 s1, s0  }
0xbc: {  	s0 =	sadd.s32 $0x8F2B, s0  }
0xbd: {  	[sflag:s0] =	ssyncadd.remote.s32 $0x1  }
0xbe: {  	_ =	sfence.sel $0xFFFF  }
0xbf: {  	[dreg:$0x0] =	wrdreg $0xFFFFFFFF;
	(pc) =	sbr.abs _section_cstart, $3  }
0xc0: {  	[dreg:$0x1] =	wrdreg $0xFFFFFFFF  }
0xc1: {  	_ =	task.clear_ibuf [dreg:s6], $0x2FFFF;
	_ =	strace $0x9FFFFFFF  }
0xc2: {  	(tm) =	ssettm $0x7FFFFFFF  }
0xc3: {  	_ =	shalt  }
tec
execute0_lowered:
.L_overlay_start_1:
0x0: {  	(tag) =	ssettag $0x1  }
0x1: {  	s4 =	rddreg [dreg:$0x0]  }
0x2: {  	s0 =	stileid.u32;
	s1 =	srdreg.scid  }
0x3: {  	s2 =	rddreg [dreg:$0x1];
	s3 =	simm.s32 $0x0;
	s13 =	simm.s32 $0x3E8  }
0x4: {  	s14 =	simm.s32 $0x2328;
	s15 =	simm.s32 $0x4268;
	s5 =	smul.u32 $0x13880, s0  }
0x5: {  	s16 =	simm.s32 $0x61A8;
	s6 =	sand.u32 $0x1, s1;
	s7 =	smul.u32 $0x4E20, s0  }
0x6: {  	s17 =	simm.s32 $0x0;
	[smem:$0x7FF] =	sst s3;
	s8 =	smul.u32 $0x2710, s6  }
0x7: {  	s1 =	rddreg [dreg:$0x2];
	s9 =	smul.u32 $0x4E200, s6;
	_ =	strace $0x80000050  }
0x8: {  	s28 =	ssub.s32 $0x2, s6;
	s6 =	smul.u32 $0x9C40, s6;
	s10 =	sadd.s32 s5, s4  }
0x9: {  	s11 =	sshrl.u32 s28, $0x1;
	s25 =	sadd.s32 s8, s7;
	s26 =	sadd.s32 s7, s9  }
0xa: {  	s30 =	ssub.s32 s28, s11;
	s31 =	sadd.s32 s6, s10;
	s9 =	simm.s32 $0x80E8  }
0xb: {  	s10 =	simm.s32 $0x1;
	s11 =	simm.s32 $0x20;
	s5 =	sshrl.u32 s25, $0x3  }
0xc: {  	s8 =	sshrl.u32 s26, $0x3;
	s6 =	smax.u32 s30, $0x1;
	s12 =	sadd.s32 s5, s4  }
0xd: {  	s29 =	sadd.s32 s8, s4;
	s4 =	sadd.s32 s7, s2;
	s7 =	sadd.s32 $0x506E00, s31  }
0xe: {  	v0 =	vimm.f32 $0.0e+00;
	s5 =	sadd.s32 $0x24E00, s29;
	s8 =	sadd.s32 $0x1B000, s12;
	s12 =	simm.s32 $0x80  }
.LBB2_1:
0xf: {  	s18 =	simm.s32 $0x80;
	s19 =	simm.s32 $0x0  }
.LBB2_2:
0x10: {  	p0 =	sne.s32 s18, $0x13800;
	[tilespmem:s19+$0x80E8] =	vst v0;
	s20 =	smov.u32 s18;
	s18 =	sadd.s32 $0x80, s18  }
.Ltmp0:
0x11: {  	[tilespmem:s19+$0x80F8] =	vst v0;
	(pc) =	sbr.rel @p0 .LBB2_2-.Ltmp0, $2  }
0x12: {  	_ =	sdelay $0x2  }
0x13: {  	s19 =	sshra.s32 s20, $0x2  }
0x14: {  	[tilespmem:s19+$0x80E8] =	vst v0  }
0x15: {  	[tilespmem:s19+$0x80F8] =	vst v0  }
0x16: {  	[spmem:s4] =	stream.linear.scatter [tilespmem:s9], [sflag:$0x1], $0x4E20, $0x38;
	[tilespmem:$0x11D28] =	vst v63  }
0x17: {  	_ =	swait.ge [sflag:s10], $0x4E20  }
0x18: {  	[sflag:s10] =	ssyncset.done $0x0  }
0x19: {  	[sflag:s10] =	ssyncadd.s32 $0xFFFFB1E0  }
0x1a: {  	[bflag:$0x0] =	sbarrier.arrive $0xFFFF  }
0x1b: {  	[tilespmem:s3], [sflag:$0x1] =	stream.linear.gather [hbm4b:s8+s3], $0x3E8, $0x38;
	[tilespmem:$0x11D28] =	vst v63  }
0x1c: {  	_ =	swait.ge [sflag:s10], $0x3E8  }
0x1d: {  	[sflag:s10] =	ssyncset.done $0x0  }
0x1e: {  	s18 =	sadd.s32 $0x0, s7;
	[sflag:s10] =	ssyncadd.s32 $0xFFFFFC18  }
0x1f: {  	[tilespmem:s13], [sflag:$0x1] =	stream.strided.gather [hbm4b:s18+s11], $0x1F40, s12, s11, $0x38;
	[tilespmem:$0x11D28] =	vst v63  }
0x20: {  	_ =	swait.ge [sflag:s10], $0x1F40  }
0x21: {  	[sflag:s10] =	ssyncset.done $0x0  }
0x22: {  	s30 =	sadd.s32 $0x4, s18;
	[sflag:s10] =	ssyncadd.s32 $0xFFFFE0C0  }
0x23: {  	[tilespmem:s14], [sflag:$0x1] =	stream.strided.gather [hbm4b:s30+s11], $0x1F40, s12, s11, $0x38;
	[tilespmem:$0x11D28] =	vst v63  }
0x24: {  	_ =	swait.ge [sflag:s10], $0x1F40  }
0x25: {  	[sflag:s10] =	ssyncset.done $0x0  }
0x26: {  	s31 =	sadd.s32 $0x8, s18;
	[sflag:s10] =	ssyncadd.s32 $0xFFFFE0C0  }
0x27: {  	[tilespmem:s15], [sflag:$0x1] =	stream.strided.gather [hbm4b:s31+s11], $0x1F40, s12, s11, $0x38;
	[tilespmem:$0x11D28] =	vst v63  }
0x28: {  	_ =	swait.ge [sflag:s10], $0x1F40  }
0x29: {  	[sflag:s10] =	ssyncset.done $0x0  }
0x2a: {  	s18 =	sadd.s32 $0xC, s18;
	[sflag:s10] =	ssyncadd.s32 $0xFFFFE0C0  }
0x2b: {  	[tilespmem:s16], [sflag:$0x1] =	stream.strided.gather [hbm4b:s18+s11], $0x1F40, s12, s11, $0x38;
	[tilespmem:$0x11D28] =	vst v63  }
0x2c: {  	_ =	swait.ge [sflag:s10], $0x1F40  }
0x2d: {  	[sflag:s10] =	ssyncset.done $0x0  }
0x2e: {  	[sflag:s10] =	ssyncadd.s32 $0xFFFFE0C0  }
0x2f: {  	[spmem:s2] =	stream.indirect.scatter.add.f32 [tilespmem:s13], [sflag:$0x1], $0x20, s3, s13, $0xb8;
	[tilespmem:$0x11D28] =	vst v63  }
0x30: {  	_ =	swait.ge [sflag:s10], $0x7D00  }
0x31: {  	s19 =	smov.u32 s8;
	s18 =	simm.s32 $0xFA0;
	[sflag:s10] =	ssyncset.done $0x0  }
.LBB2_4:
0x32: {  	p0 =	sne.s32 s18, $0x8CA0;
	[sflag:s10] =	ssyncadd.s32 $0xFFFF8300;
	s19 =	sadd.s32 $0x7D, s19  }
0x33: {  	[tilespmem:s3], [sflag:$0x1] =	stream.linear.gather [hbm4b:s19+s3], $0x3E8, $0x38;
	[tilespmem:$0x11D28] =	vst v63  }
0x34: {  	s20 =	smov.u32 s18;
	s18 =	sadd.s32 $0xFA0, s18;
	_ =	swait.ge [sflag:s10], $0x3E8  }
0x35: {  	[sflag:s10] =	ssyncset.done $0x0  }
0x36: {  	s20 =	sadd.s32 s20, s7;
	[sflag:s10] =	ssyncadd.s32 $0xFFFFFC18  }
0x37: {  	[tilespmem:s13], [sflag:$0x1] =	stream.strided.gather [hbm4b:s20+s11], $0x1F40, s12, s11, $0x38;
	[tilespmem:$0x11D28] =	vst v63  }
0x38: {  	_ =	swait.ge [sflag:s10], $0x1F40  }
0x39: {  	[sflag:s10] =	ssyncset.done $0x0  }
0x3a: {  	s21 =	sadd.s32 $0x4, s20;
	[sflag:s10] =	ssyncadd.s32 $0xFFFFE0C0  }
0x3b: {  	[tilespmem:s14], [sflag:$0x1] =	stream.strided.gather [hbm4b:s21+s11], $0x1F40, s12, s11, $0x38;
	[tilespmem:$0x11D28] =	vst v63  }
0x3c: {  	_ =	swait.ge [sflag:s10], $0x1F40  }
0x3d: {  	[sflag:s10] =	ssyncset.done $0x0  }
0x3e: {  	s21 =	sadd.s32 $0x8, s20;
	[sflag:s10] =	ssyncadd.s32 $0xFFFFE0C0  }
0x3f: {  	[tilespmem:s15], [sflag:$0x1] =	stream.strided.gather [hbm4b:s21+s11], $0x1F40, s12, s11, $0x38;
	[tilespmem:$0x11D28] =	vst v63  }
0x40: {  	_ =	swait.ge [sflag:s10], $0x1F40  }
0x41: {  	[sflag:s10] =	ssyncset.done $0x0  }
0x42: {  	s20 =	sadd.s32 $0xC, s20;
	[sflag:s10] =	ssyncadd.s32 $0xFFFFE0C0  }
0x43: {  	[tilespmem:s16], [sflag:$0x1] =	stream.strided.gather [hbm4b:s20+s11], $0x1F40, s12, s11, $0x38;
	[tilespmem:$0x11D28] =	vst v63  }
0x44: {  	_ =	swait.ge [sflag:s10], $0x1F40  }
.Ltmp1:
0x45: {  	[sflag:s10] =	ssyncset.done $0x0;
	(pc) =	sbr.rel @p0 .LBB2_4-.Ltmp1, $4  }
0x46: {  	[sflag:s10] =	ssyncadd.s32 $0xFFFFE0C0  }
0x47: {  	[spmem:s2] =	stream.indirect.scatter.add.f32 [tilespmem:s13], [sflag:$0x1], $0x20, s3, s13, $0xb8;
	[tilespmem:$0x11D28] =	vst v63  }
0x48: {  	_ =	swait.ge [sflag:s10], $0x7D00  }
0x49: {  	[sflag:s10] =	ssyncset.done $0x0  }
0x4a: {  	[sflag:s10] =	ssyncadd.s32 $0xFFFF8300  }
0x4b: {  	[bflag:$0x0] =	sbarrier.arrive $0xFFFF  }
0x4c: {  	[tilespmem:s9], [sflag:$0x1] =	stream.linear.gather [spmem:s4], $0x4E20, $0x38;
	[tilespmem:$0x11D28] =	vst v63  }
0x4d: {  	s17 =	sadd.s32 $0x1, s17;
	_ =	swait.ge [sflag:s10], $0x4E20  }
0x4e: {  	p0 =	sne.s32 s17, s6;
	[sflag:s10] =	ssyncset.done $0x0  }
.Ltmp2:
0x4f: {  	[sflag:s10] =	ssyncadd.s32 $0xFFFFB1E0;
	(pc) =	sbr.rel @p0 .LBB2_1-.Ltmp2, $4  }
0x50: {  	[hbm4b:s5+s3] =	stream.linear.scatter [tilespmem:s9], [sflag:$0x1], $0x4E20, $0x38;
	[tilespmem:$0x11D28] =	vst v63  }
0x51: {  	_ =	swait.ge [sflag:s10], $0x4E20  }
0x52: {  	[sflag:s10] =	ssyncset.done $0x0  }
0x53: {  	[sflag:s10] =	ssyncadd.s32 $0xFFFFB1E0  }
0x54: {  	_ =	sfence.sel $0x180000  }
0x55: {  	[bflag:$0x0] =	sbarrier.arrive $0xFFFF  }
0x56: {  	p0 =	sne.s32 s0, $0x0;
	_ =	strace $0x90000050  }
0x57: {  	s0 =	sadd.s32 @!p0 $0x100000, s1;
	[bflag:$0x2] =	sbarrier.arrive $0xFFFF  }
0x58: {  	[sflag:s0] =	ssyncadd.tile.s32 @!p0 $0x1;
	_ =	shalt  }
.Lfunc_end2:
_tile_overlayer_lowered:
.L_overlay_start_2:
0x59: {  	(tag) =	ssettag $0x2  }
0x5a: {  	s0 =	rddreg [dreg:$0x0];
	s2 =	stileid.u32  }
0x5b: {  	s1 =	rddreg [dreg:$0x1];
	p0 =	sne.s32 s2, $0x0  }
0x5c: {  	s3 =	rddreg [dreg:$0x2];
	[bflag:$0x3] =	sbarrier.arrive $0xFFFF;
	s2 =	simm.s32 @!p0 $0x1C01  }
0x5d: {  	[timem:s3], [sflag:s2] =	dma.local @!p0 [hbm:s0], s1  }
0x5e: {  	s0 =	simm.s32 @!p0 $0x1  }
0x5f: {  	_ =	swait.ge @!p0 [sflag:s0], s1  }
0x60: {  	s1 =	ssub.s32 @!p0 $0x0, s1;
	[sflag:s0] =	ssyncset.done @!p0 $0x0  }
0x61: {  	[sflag:s0] =	ssyncadd.s32 @!p0 s1  }
0x62: {  	[bflag:$0x3] =	sbarrier.arrive $0xFFFF  }
0x63: {  	_ =	shalt  }

// kernel: kernel.25.cloned.1.call-start
scs
__scs_entry_jumppad:
0x0: {  	(pc) =	sbr.rel $0x88, $3  }
0x1: {  	(tag) =	ssettag $0x0;
	lr =	simm.s32 $0x1  }
0x2: {  	[smem:$0x3F8E] =	sst lr;
	_ =	strace $0xD0000000  }
0x3: {  	_ = 	snop  }
0x4: {  	_ = 	snop  }
0x5: {  	_ = 	snop  }
0x6: {  	_ = 	snop  }
0x7: {  	_ = 	snop  }
__scs_overlays_trampoline_lowered:
0x8: {  	[smem:$0x3F9D] =	sst s0  }
0x9: {  	[smem:$0x3F9E] =	sst s1  }
0xa: {  	[smem:$0x3F9F] =	sst s2  }
0xb: {  	[smem:$0x3FA0] =	sst s3  }
0xc: {  	[smem:$0x3FA1] =	sst s4  }
0xd: {  	[smem:$0x3FA2] =	sst s5  }
0xe: {  	[smem:$0x3FA3] =	sst s6  }
0xf: {  	[smem:$0x3FA4] =	sst s7  }
0x10: {  	[smem:$0x3FA5] =	sst s8  }
0x11: {  	[smem:$0x3FA6] =	sst s9;
	s0 =	simm.s32 @!p0 $0x0  }
0x12: {  	s1 =	sld [smem:$0x3F8C];
	s0 =	simm.s32 @p0 $0x1  }
0x13: {  	[smem:$0x3FA7] =	sst s0;
	s0 =	simm.s32 @!p1 $0x0  }
0x14: {  	s2 =	sld [smem:$0x3F8B];
	s0 =	simm.s32 @p1 $0x1  }
0x15: {  	[smem:$0x3FA8] =	sst s0;
	s0 =	simm.s32 @!p2 $0x0  }
0x16: {  	s3 =	sld [smem:$0x3FDB];
	s0 =	simm.s32 @p2 $0x1  }
0x17: {  	s4 =	simm.s32 $0x1BF5;
	[smem:$0x3FAA] =	sst s0  }
0x18: {  	s0 =	sld [smem:$0x3F8D];
	_ =	swait.ge [sflag:s4], $0x0  }
0x19: {  	s7 =	sld [smem:$0x3F8E]  }
0x1a: {  	s8 =	sadd.s32 $0xFFFFE003, lr  }
0x1b: {  	s9 =	sadd.s32 $0xFFFFFEF7, lr;
	s5 =	simm.s32 $0xFFFFFFFF;
	p2 =	slt.u32 s8, $0xFFFFF086  }
0x1c: {  	p1 =	slt.u32 s9, $0xF7A;
	s5 =	simm.s32 @!p2 $0x0  }
0x1d: {  	s5 =	simm.s32 @p1 $0x1;
	p0 =	seq.s32 s7, s2  }
0x1e: {  	s7 =	smul.u32 @!p0 $0xF7A, s2;
	p2 =	seq.s32 @!p0 s5, $0x0  }
0x1f: {  	s9 =	smul.u32 $0xF7A, s1;
	s8 =	simm.s32 @!p0 $0x1BF5;
	p2 =	por !p2, p0  }
0x20: {  	[sflag:s8] =	ssyncset.s32 @!p0 $0xFFFFF086;
	s6 =	sadd.s32 @!p0 s3, s7;
	s7 =	simm.s32 @!p0 $0x108  }
0x21: {  	s3 =	sadd.s32 s3, s9;
	s6 =	sadd.s32 @!p0 $0x88, s6;
	s7 =	simm.s32 @p2 $0x1082  }
0x22: {  	[simem:s7], [sflag:s8] =	dma.local @!p0 [hbm:s6], $0xF7A  }
0x23: {  	s9 =	sor.u32 $0xD0000000, s2;
	s6 =	simm.s32 $0x108;
	_ =	swait.ge @!p0 [sflag:s8], $0x0  }
0x24: {  	s3 =	sadd.s32 $0x88, s3;
	s6 =	simm.s32 @!p1 $0x1082;
	[sflag:s4] =	ssyncset.s32 $0xFFFFF086  }
0x25: {  	[simem:s6], [sflag:s4] =	dma.local [hbm:s3], $0xF7A  }
0x26: {  	[smem:$0x3F8E] =	sst s1;
	(tag) =	ssettag s2;
	_ =	strace s9  }
0x27: {  	s1 =	sld [smem:$0x3F9E]  }
0x28: {  	s2 =	sld [smem:$0x3F9F]  }
0x29: {  	s4 =	sld [smem:$0x3FA1]  }
0x2a: {  	p0 =	seq.s32 s5, $0x0;
	s5 =	sld [smem:$0x3FA2]  }
0x2b: {  	s6 =	sld [smem:$0x3FA3]  }
0x2c: {  	s7 =	sld [smem:$0x3FA4]  }
0x2d: {  	s3 =	simm.s32 $0x108;
	s8 =	sld [smem:$0x3FA5]  }
0x2e: {  	s3 =	simm.s32 @!p0 $0x1082;
	s9 =	sld [smem:$0x3FA6]  }
0x2f: {  	lr =	sadd.s32 s0, s3;
	s0 =	sld [smem:$0x3F9D]  }
0x30: {  	s3 =	sld [smem:$0x3FA0]  }
0x31: {  	[smem:$0x3FA9] =	sst s10  }
0x32: {  	s10 =	sld [smem:$0x3FA7];
	_ =	sdelay $0x3  }
0x33: {  	p0 =	seq.s32 s10, $0x1;
	s10 =	sld [smem:$0x3FA9];
	_ =	sdelay $0x3  }
0x34: {  	[smem:$0x3FA9] =	sst s10  }
0x35: {  	s10 =	sld [smem:$0x3FA8];
	_ =	sdelay $0x3  }
0x36: {  	p1 =	seq.s32 s10, $0x1;
	s10 =	sld [smem:$0x3FA9];
	_ =	sdelay $0x3  }
0x37: {  	[smem:$0x3FA9] =	sst s10  }
0x38: {  	s10 =	sld [smem:$0x3FAA]  }
0x39: {  	_ = 	snop;
	(pc) =	sbr.ind lr, $3  }
0x3a: {  	_ = 	snop  }
0x3b: {  	_ = 	snop  }
0x3c: {  	p2 =	seq.s32 s10, $0x1;
	s10 =	sld [smem:$0x3FA9]  }
0x3d: {  	_ =	shalt  }
0x3e: {  	_ =	shalt  }
0x3f: {  	_ =	shalt  }
0x40: {  	_ =	shalt  }
0x41: {  	_ =	shalt  }
0x42: {  	_ =	shalt  }
0x43: {  	_ =	shalt  }
0x44: {  	_ =	shalt  }
0x45: {  	_ =	shalt  }
0x46: {  	_ =	shalt  }
0x47: {  	_ =	shalt  }
0x48: {  	_ =	shalt  }
0x49: {  	_ =	shalt  }
0x4a: {  	_ =	shalt  }
0x4b: {  	_ =	shalt  }
0x4c: {  	_ =	shalt  }
0x4d: {  	_ =	shalt  }
0x4e: {  	_ =	shalt  }
0x4f: {  	_ =	shalt  }
0x50: {  	_ =	shalt  }
0x51: {  	_ =	shalt  }
0x52: {  	_ =	shalt  }
0x53: {  	_ =	shalt  }
0x54: {  	_ =	shalt  }
0x55: {  	_ =	shalt  }
0x56: {  	_ =	shalt  }
0x57: {  	_ =	shalt  }
0x58: {  	_ =	shalt  }
0x59: {  	_ =	shalt  }
0x5a: {  	_ =	shalt  }
0x5b: {  	_ =	shalt  }
0x5c: {  	_ =	shalt  }
0x5d: {  	_ =	shalt  }
0x5e: {  	_ =	shalt  }
0x5f: {  	_ =	shalt  }
0x60: {  	_ =	shalt  }
0x61: {  	_ =	shalt  }
0x62: {  	_ =	shalt  }
0x63: {  	_ =	shalt  }
0x64: {  	_ =	shalt  }
0x65: {  	_ =	shalt  }
0x66: {  	_ =	shalt  }
0x67: {  	_ =	shalt  }
0x68: {  	_ =	shalt  }
0x69: {  	_ =	shalt  }
0x6a: {  	_ =	shalt  }
0x6b: {  	_ =	shalt  }
0x6c: {  	_ =	shalt  }
0x6d: {  	_ =	shalt  }
0x6e: {  	_ =	shalt  }
0x6f: {  	_ =	shalt  }
0x70: {  	_ =	shalt  }
0x71: {  	_ =	shalt  }
0x72: {  	_ =	shalt  }
0x73: {  	_ =	shalt  }
0x74: {  	_ =	shalt  }
0x75: {  	_ =	shalt  }
0x76: {  	_ =	shalt  }
0x77: {  	_ =	shalt  }
0x78: {  	_ =	shalt  }
0x79: {  	_ =	shalt  }
0x7a: {  	_ =	shalt  }
0x7b: {  	_ =	shalt  }
0x7c: {  	_ =	shalt  }
0x7d: {  	_ =	shalt  }
0x7e: {  	_ =	shalt  }
0x7f: {  	_ =	shalt  }
0x80: {  	_ =	shalt  }
0x81: {  	_ =	shalt  }
0x82: {  	_ =	shalt  }
0x83: {  	_ =	shalt  }
0x84: {  	_ =	shalt  }
0x85: {  	_ =	shalt  }
0x86: {  	_ =	shalt  }
0x87: {  	_ =	shalt  }
.Lfunc_end0:
.L_simem_size_0:
called_computation.4_lowered:
.L_overlay_start_0:
0x88: {  	s2 =	sld [smem:$0x3FD9]  }
0x89: {  	s3 =	sld [smem:$0x3FFE];
	_ =	sdelay $0x1  }
0x8a: {  	s1 =	srdreg.scid  }
0x8b: {  	s0 =	sand.u32 $0x1, s1  }
0x8c: {  	s17 =	sshll.u32 s0, $0xA;
	s2 =	sadd.s32 s3, s2  }
0x8d: {  	s2 =	sadd.s32 s2, s17  }
0x8e: {  	[smem:$0x3FB5] =	sst s2  }
0x8f: {  	_ = 	snop  }
0x90: {  	s2 =	sld [smem:$0x3FD0];
	(tm) =	ssettm $0x1  }
0x91: {  	s18 =	sld [smem:$0x3FFB];
	_ =	sdelay $0x3  }
0x92: {  	_ =	strace s18  }
0x93: {  	s3 =	sld [smem:$0x3FFC];
	_ =	sdelay $0x3  }
0x94: {  	_ =	strace s3  }
0x95: {  	s3 =	sld [smem:$0x3FFD];
	_ =	sdelay $0x3  }
0x96: {  	_ =	strace s3  }
0x97: {  	_ =	strace $0x8FFFFFFF  }
0x98: {  	s19 =	sld [smem:$0x3FDB];
	_ =	sdelay $0x1  }
0x99: {  	s4 =	simm.s32 $_scs_section_size  }
0x9a: {  	s5 =	simm.s32 $_size__tile_overlayer_lowered;
	s6 =	simm.s32 $_tile_overlayer_lowered  }
0x9b: {  	s22 =	simm.s32 $0x1BFF;
	s21 =	sshll.u32 s6, $0x1;
	s3 =	sadd.s32 s4, s19  }
0x9c: {  	s7 =	simm.s32 $0x0;
	s20 =	sshll.u32 s5, $0x1;
	s5 =	sadd.s32 s21, s3  }
0x9d: {  	[timem:s7], [sflag:s22] =	dma.local [hbm:s5], s20  }
0x9e: {  	_ =	swait.ge [sflag:s22], s20  }
0x9f: {  	s4 =	ssub.s32 $0x0, s20;
	[sflag:s22] =	ssyncset.done $0x0  }
0xa0: {  	[sflag:s22] =	ssyncadd.s32 s4;
	_ =	sdelay $0x1  }
0xa1: {  	s23 =	simm.s32 $0x1B8B  }
0xa2: {  	_ =	swait.ge [sflag:s23], $0x1  }
0xa3: {  	[sflag:s23] =	ssyncset.done $0x0  }
0xa4: {  	s25 =	simm.s32 $0x1B8E;
	s24 =	sld [smem:$0x3FFE];
	[sflag:s23] =	ssyncadd.s32 $0xFFFFFFFF  }
0xa5: {  	s26 =	simm.s32 $execute0_lowered;
	[smem:$0x3FD2] =	sst s25  }
0xa6: {  	s5 =	sshll.u32 s26, $0x1;
	_ =	strace $0x80000052;
	[dreg:$0x1] =	wrdreg $0xFFFFFFFF  }
0xa7: {  	s28 =	simm.s32 $_size_execute0_lowered;
	s3 =	sadd.s32 s3, s5;
	[dreg:$0x0] =	wrdreg $0x0  }
0xa8: {  	s5 =	sshll.u32 s28, $0x1;
	[dreg:$0x2] =	wrdreg s3  }
0xa9: {  	[dreg:$0x3] =	wrdreg s5  }
0xaa: {  	[dreg:$0x4] =	wrdreg $0xC0  }
0xab: {  	_ =	task [dreg:s7], $0x5FFFF  }
0xac: {  	[dreg:$0x1] =	wrdreg $0xFFFFFFFF  }
0xad: {  	[dreg:$0x0] =	wrdreg $0x60  }
0xae: {  	[dreg:$0x2] =	wrdreg s2  }
0xaf: {  	[dreg:$0x3] =	wrdreg s24  }
0xb0: {  	[dreg:$0x4] =	wrdreg $0x9  }
0xb1: {  	_ =	task.clear_ibuf [dreg:s7], $0x5FFFF;
	_ =	strace $0x90000052  }
0xb2: {  	s29 =	simm.s32 $0x9;
	_ =	strace $0x80000054  }
0xb3: {  	_ =	swait.ge [sflag:s29], $0x1  }
0xb4: {  	[sflag:s29] =	ssyncadd.s32 $0xFFFFFFFF  }
0xb5: {  	_ =	strace $0x90000054  }
0xb6: {  	_ =	sfence  }
0xb7: {  	s30 =	sld [smem:$0x0];
	_ =	sdelay $0x2  }
0xb8: {  	s31 =	sshll.u32 s1, $0xD;
	s1 =	sshrl.u32 s1, $0x2  }
0xb9: {  	s3 =	sand.u32 $0x4000, s31;
	s1 =	sadd.s32 s1, s30  }
0xba: {  	s0 =	sor.u32 s3, s0;
	s1 =	sshll.u32 s1, $0x11  }
0xbb: {  	s0 =	sor.u32 s1, s0  }
0xbc: {  	s0 =	sadd.s32 $0x8F2B, s0  }
0xbd: {  	[sflag:s0] =	ssyncadd.remote.s32 $0x1  }
0xbe: {  	_ =	sfence.sel $0xFFFF  }
0xbf: {  	[dreg:$0x0] =	wrdreg $0xFFFFFFFF;
	(pc) =	sbr.abs _section_cstart, $3  }
0xc0: {  	[dreg:$0x1] =	wrdreg $0xFFFFFFFF  }
0xc1: {  	_ =	task.clear_ibuf [dreg:s7], $0x2FFFF;
	_ =	strace $0x9FFFFFFF  }
0xc2: {  	(tm) =	ssettm $0x7FFFFFFF  }
0xc3: {  	_ =	shalt  }
tec
execute0_lowered:
.L_overlay_start_1:
0x0: {  	(tag) =	ssettag $0x1  }
0x1: {  	s0 =	rddreg [dreg:$0x0]  }
0x2: {  	s4 =	rddreg [dreg:$0x1]  }
0x3: {  	s3 =	srdreg.scid;
	s1 =	stileid.u32  }
0x4: {  	s2 =	simm.s32 $0x0;
	s10 =	simm.s32 $0x3E8;
	s11 =	simm.s32 $0x7D0  }
0x5: {  	s12 =	simm.s32 $0x84D0;
	s13 =	simm.s32 $0x1;
	s14 =	simm.s32 $0x2  }
0x6: {  	s15 =	simm.s32 $0x20;
	s16 =	simm.s32 $0x80;
	s17 =	simm.s32 $0x2710  }
0x7: {  	s18 =	simm.s32 $0xA410;
	s19 =	simm.s32 $0x4650;
	s20 =	simm.s32 $0xC350  }
0x8: {  	s21 =	simm.s32 $0x6590;
	s22 =	simm.s32 $0xE290;
	[dreg:$0x3] =	wrdreg s0  }
0x9: {  	s23 =	simm.s32 $0x0;
	s0 =	rddreg [dreg:$0x2];
	s6 =	smul.u32 $0x4E20, s1  }
0xa: {  	s5 =	sand.u32 $0x1, s3;
	[smem:$0x7FF] =	sst s2;
	s8 =	smul.u32 $0x13880, s1  }
0xb: {  	s3 =	sadd.s32 $0x7400, s4;
	s7 =	smul.u32 $0x2710, s5;
	s9 =	ssub.s32 $0x2, s5  }
0xc: {  	_ =	strace $0x80000053;
	s5 =	smul.u32 $0x9C40, s5;
	s30 =	sshrl.u32 s9, $0x1  }
0xd: {  	s29 =	sadd.s32 s8, s4;
	s6 =	sadd.s32 s7, s6;
	s8 =	ssub.s32 s9, s30  }
0xe: {  	s7 =	sadd.s32 s5, s29;
	s9 =	simm.s32 $0x3;
	s6 =	sshrl.u32 s6, $0x3  }
0xf: {  	s5 =	sadd.s32 $0x3CE600, s7;
	s31 =	sadd.s32 s6, s4;
	s4 =	smax.u32 s8, $0x1  }
0x10: {  	s6 =	sadd.s32 $0x24E00, s7;
	s7 =	sadd.s32 $0x1B000, s31;
	s8 =	sadd.s32 $0x11200, s31  }
.LBB2_1:
0x11: {  	[tilespmem:s2], [sflag:$0x3] =	stream.linear.gather [hbm4b:s8+s2], $0x3E8, $0x38;
	[tilespmem:$0x101D0] =	vst v63  }
0x12: {  	_ =	swait.ge [sflag:s9], $0x3E8  }
0x13: {  	[sflag:s9] =	ssyncset.done $0x0  }
0x14: {  	[sflag:s9] =	ssyncadd.s32 $0xFFFFFC18  }
0x15: {  	[tilespmem:s10], [sflag:$0x3] =	stream.linear.gather [hbm4b:s7+s2], $0x3E8, $0x38;
	[tilespmem:$0x101D0] =	vst v63  }
0x16: {  	_ =	swait.ge [sflag:s9], $0x3E8  }
0x17: {  	[sflag:s9] =	ssyncset.done $0x0  }
0x18: {  	s24 =	rddreg [dreg:$0x3];
	[sflag:s9] =	ssyncadd.s32 $0xFFFFFC18  }
0x19: {  	[tilespmem:s11], [sflag:$0x1] =	stream.indirect.gather [hbm4b:s24+s10], $0x20, s2, s10, $0xb8;
	[tilespmem:$0x101D0] =	vst v63  }
0x1a: {  	_ = 	snop  }
0x1b: {  	[tilespmem:s12], [sflag:$0x2] =	stream.indirect.gather [hbm4b:s3+s10], $0x20, s10, s10, $0xb8;
	[tilespmem:$0x101D0] =	vst v63  }
0x1c: {  	_ =	swait.ge [sflag:s13], $0x7D00  }
0x1d: {  	[sflag:s13] =	ssyncset.done $0x0  }
0x1e: {  	[sflag:s13] =	ssyncadd.s32 $0xFFFF8300  }
0x1f: {  	_ =	swait.ge [sflag:s14], $0x7D00  }
0x20: {  	[sflag:s14] =	ssyncset.done $0x0  }
0x21: {  	s31 =	sadd.s32 $0x0, s5;
	[sflag:s14] =	ssyncadd.s32 $0xFFFF8300  }
0x22: {  	[hbm4b:s31+s15] =	stream.strided.scatter [tilespmem:s11], [sflag:$0x3], $0x1F40, s16, s15, $0x38;
	[tilespmem:$0x101D0] =	vst v63  }
0x23: {  	_ =	swait.ge [sflag:s9], $0x1F40  }
0x24: {  	[sflag:s9] =	ssyncset.done $0x0  }
0x25: {  	s25 =	sadd.s32 $0x0, s6;
	[sflag:s9] =	ssyncadd.s32 $0xFFFFE0C0  }
0x26: {  	[hbm4b:s25+s15] =	stream.strided.scatter [tilespmem:s12], [sflag:$0x3], $0x1F40, s16, s15, $0x38;
	[tilespmem:$0x101D0] =	vst v63  }
0x27: {  	_ =	swait.ge [sflag:s9], $0x1F40  }
0x28: {  	[sflag:s9] =	ssyncset.done $0x0  }
0x29: {  	s26 =	sadd.s32 $0x4, s31;
	[sflag:s9] =	ssyncadd.s32 $0xFFFFE0C0  }
0x2a: {  	[hbm4b:s26+s15] =	stream.strided.scatter [tilespmem:s17], [sflag:$0x3], $0x1F40, s16, s15, $0x38;
	[tilespmem:$0x101D0] =	vst v63  }
0x2b: {  	_ =	swait.ge [sflag:s9], $0x1F40  }
0x2c: {  	[sflag:s9] =	ssyncset.done $0x0  }
0x2d: {  	s28 =	sadd.s32 $0x4, s25;
	[sflag:s9] =	ssyncadd.s32 $0xFFFFE0C0  }
0x2e: {  	[hbm4b:s28+s15] =	stream.strided.scatter [tilespmem:s18], [sflag:$0x3], $0x1F40, s16, s15, $0x38;
	[tilespmem:$0x101D0] =	vst v63  }
0x2f: {  	_ =	swait.ge [sflag:s9], $0x1F40  }
0x30: {  	[sflag:s9] =	ssyncset.done $0x0  }
0x31: {  	s29 =	sadd.s32 $0x8, s31;
	[sflag:s9] =	ssyncadd.s32 $0xFFFFE0C0  }
0x32: {  	[hbm4b:s29+s15] =	stream.strided.scatter [tilespmem:s19], [sflag:$0x3], $0x1F40, s16, s15, $0x38;
	[tilespmem:$0x101D0] =	vst v63  }
0x33: {  	_ =	swait.ge [sflag:s9], $0x1F40  }
0x34: {  	[sflag:s9] =	ssyncset.done $0x0  }
0x35: {  	s30 =	sadd.s32 $0x8, s25;
	[sflag:s9] =	ssyncadd.s32 $0xFFFFE0C0  }
0x36: {  	[hbm4b:s30+s15] =	stream.strided.scatter [tilespmem:s20], [sflag:$0x3], $0x1F40, s16, s15, $0x38;
	[tilespmem:$0x101D0] =	vst v63  }
0x37: {  	_ =	swait.ge [sflag:s9], $0x1F40  }
0x38: {  	[sflag:s9] =	ssyncset.done $0x0  }
0x39: {  	s24 =	sadd.s32 $0xC, s31;
	[sflag:s9] =	ssyncadd.s32 $0xFFFFE0C0  }
0x3a: {  	[hbm4b:s24+s15] =	stream.strided.scatter [tilespmem:s21], [sflag:$0x3], $0x1F40, s16, s15, $0x38;
	[tilespmem:$0x101D0] =	vst v63  }
0x3b: {  	_ =	swait.ge [sflag:s9], $0x1F40  }
0x3c: {  	[sflag:s9] =	ssyncset.done $0x0  }
0x3d: {  	s31 =	sadd.s32 $0xC, s25;
	[sflag:s9] =	ssyncadd.s32 $0xFFFFE0C0  }
0x3e: {  	[hbm4b:s31+s15] =	stream.strided.scatter [tilespmem:s22], [sflag:$0x3], $0x1F40, s16, s15, $0x38;
	[tilespmem:$0x101D0] =	vst v63  }
0x3f: {  	s25 =	smov.u32 s7;
	_ =	swait.ge [sflag:s9], $0x1F40  }
0x40: {  	s26 =	smov.u32 s8;
	s24 =	simm.s32 $0xFA0;
	[sflag:s9] =	ssyncset.done $0x0  }
.LBB2_2:
0x41: {  	[sflag:s9] =	ssyncadd.s32 $0xFFFFE0C0;
	s26 =	sadd.s32 $0x7D, s26  }
0x42: {  	[tilespmem:s2], [sflag:$0x3] =	stream.linear.gather [hbm4b:s26+s2], $0x3E8, $0x38;
	[tilespmem:$0x101D0] =	vst v63  }
0x43: {  	_ =	swait.ge [sflag:s9], $0x3E8  }
0x44: {  	[sflag:s9] =	ssyncset.done $0x0  }
0x45: {  	s25 =	sadd.s32 $0x7D, s25;
	[sflag:s9] =	ssyncadd.s32 $0xFFFFFC18  }
0x46: {  	[tilespmem:s10], [sflag:$0x3] =	stream.linear.gather [hbm4b:s25+s2], $0x3E8, $0x38;
	[tilespmem:$0x101D0] =	vst v63  }
0x47: {  	_ =	swait.ge [sflag:s9], $0x3E8  }
0x48: {  	[sflag:s9] =	ssyncset.done $0x0  }
0x49: {  	s29 =	rddreg [dreg:$0x3];
	[sflag:s9] =	ssyncadd.s32 $0xFFFFFC18  }
0x4a: {  	[tilespmem:s11], [sflag:$0x1] =	stream.indirect.gather [hbm4b:s29+s10], $0x20, s2, s10, $0xb8;
	[tilespmem:$0x101D0] =	vst v63  }
0x4b: {  	_ = 	snop  }
0x4c: {  	[tilespmem:s12], [sflag:$0x2] =	stream.indirect.gather [hbm4b:s3+s10], $0x20, s10, s10, $0xb8;
	[tilespmem:$0x101D0] =	vst v63  }
0x4d: {  	_ =	swait.ge [sflag:s13], $0x7D00  }
0x4e: {  	[sflag:s13] =	ssyncset.done $0x0  }
0x4f: {  	[sflag:s13] =	ssyncadd.s32 $0xFFFF8300  }
0x50: {  	_ =	swait.ge [sflag:s14], $0x7D00  }
0x51: {  	s28 =	smov.u32 s24;
	[sflag:s14] =	ssyncset.done $0x0  }
0x52: {  	s29 =	sadd.s32 s28, s5;
	[sflag:s14] =	ssyncadd.s32 $0xFFFF8300  }
0x53: {  	[hbm4b:s29+s15] =	stream.strided.scatter [tilespmem:s11], [sflag:$0x3], $0x1F40, s16, s15, $0x38;
	[tilespmem:$0x101D0] =	vst v63  }
0x54: {  	_ =	swait.ge [sflag:s9], $0x1F40  }
0x55: {  	[sflag:s9] =	ssyncset.done $0x0  }
0x56: {  	s28 =	sadd.s32 s28, s6;
	[sflag:s9] =	ssyncadd.s32 $0xFFFFE0C0  }
0x57: {  	[hbm4b:s28+s15] =	stream.strided.scatter [tilespmem:s12], [sflag:$0x3], $0x1F40, s16, s15, $0x38;
	[tilespmem:$0x101D0] =	vst v63  }
0x58: {  	_ =	swait.ge [sflag:s9], $0x1F40  }
0x59: {  	[sflag:s9] =	ssyncset.done $0x0  }
0x5a: {  	s30 =	sadd.s32 $0x4, s29;
	[sflag:s9] =	ssyncadd.s32 $0xFFFFE0C0  }
0x5b: {  	[hbm4b:s30+s15] =	stream.strided.scatter [tilespmem:s17], [sflag:$0x3], $0x1F40, s16, s15, $0x38;
	[tilespmem:$0x101D0] =	vst v63  }
0x5c: {  	_ =	swait.ge [sflag:s9], $0x1F40  }
0x5d: {  	[sflag:s9] =	ssyncset.done $0x0  }
0x5e: {  	s31 =	sadd.s32 $0x4, s28;
	[sflag:s9] =	ssyncadd.s32 $0xFFFFE0C0  }
0x5f: {  	[hbm4b:s31+s15] =	stream.strided.scatter [tilespmem:s18], [sflag:$0x3], $0x1F40, s16, s15, $0x38;
	[tilespmem:$0x101D0] =	vst v63  }
0x60: {  	_ =	swait.ge [sflag:s9], $0x1F40  }
0x61: {  	[sflag:s9] =	ssyncset.done $0x0  }
0x62: {  	s31 =	sadd.s32 $0x8, s29;
	[sflag:s9] =	ssyncadd.s32 $0xFFFFE0C0  }
0x63: {  	[hbm4b:s31+s15] =	stream.strided.scatter [tilespmem:s19], [sflag:$0x3], $0x1F40, s16, s15, $0x38;
	[tilespmem:$0x101D0] =	vst v63  }
0x64: {  	_ =	swait.ge [sflag:s9], $0x1F40  }
0x65: {  	[sflag:s9] =	ssyncset.done $0x0  }
0x66: {  	s31 =	sadd.s32 $0x8, s28;
	[sflag:s9] =	ssyncadd.s32 $0xFFFFE0C0  }
0x67: {  	[hbm4b:s31+s15] =	stream.strided.scatter [tilespmem:s20], [sflag:$0x3], $0x1F40, s16, s15, $0x38;
	[tilespmem:$0x101D0] =	vst v63  }
0x68: {  	_ =	swait.ge [sflag:s9], $0x1F40  }
0x69: {  	[sflag:s9] =	ssyncset.done $0x0  }
0x6a: {  	s29 =	sadd.s32 $0xC, s29;
	[sflag:s9] =	ssyncadd.s32 $0xFFFFE0C0  }
0x6b: {  	[hbm4b:s29+s15] =	stream.strided.scatter [tilespmem:s21], [sflag:$0x3], $0x1F40, s16, s15, $0x38;
	[tilespmem:$0x101D0] =	vst v63  }
0x6c: {  	p0 =	sne.s32 s24, $0x8CA0;
	_ =	swait.ge [sflag:s9], $0x1F40  }
.Ltmp0:
0x6d: {  	[sflag:s9] =	ssyncset.done $0x0;
	(pc) =	sbr.rel @p0 .LBB2_2-.Ltmp0, $4  }
0x6e: {  	s28 =	sadd.s32 $0xC, s28;
	[sflag:s9] =	ssyncadd.s32 $0xFFFFE0C0  }
0x6f: {  	[hbm4b:s28+s15] =	stream.strided.scatter [tilespmem:s22], [sflag:$0x3], $0x1F40, s16, s15, $0x38;
	[tilespmem:$0x101D0] =	vst v63  }
0x70: {  	_ =	swait.ge [sflag:s9], $0x1F40  }
0x71: {  	s24 =	sadd.s32 $0xFA0, s24;
	[sflag:s9] =	ssyncset.done $0x0  }
0x72: {  	s23 =	sadd.s32 $0x1, s23  }
0x73: {  	p0 =	sne.s32 s23, s4  }
.Ltmp1:
0x74: {  	_ = 	snop;
	(pc) =	sbr.rel @p0 .LBB2_1-.Ltmp1, $2  }
0x75: {  	_ =	sdelay $0x2  }
0x76: {  	[sflag:s9] =	ssyncadd.s32 $0xFFFFE0C0  }
0x77: {  	_ =	sfence.sel $0x180000  }
0x78: {  	[bflag:$0x0] =	sbarrier.arrive $0xFFFF  }
0x79: {  	p0 =	sne.s32 s1, $0x0;
	_ =	strace $0x90000053  }
0x7a: {  	s0 =	sadd.s32 @!p0 $0x100000, s0;
	[bflag:$0x2] =	sbarrier.arrive $0xFFFF  }
0x7b: {  	[sflag:s0] =	ssyncadd.tile.s32 @!p0 $0x1;
	_ =	shalt  }
.Lfunc_end2:
_tile_overlayer_lowered:
.L_overlay_start_2:
0x7c: {  	(tag) =	ssettag $0x2  }
0x7d: {  	s0 =	rddreg [dreg:$0x0];
	s2 =	stileid.u32  }
0x7e: {  	s1 =	rddreg [dreg:$0x1];
	p0 =	sne.s32 s2, $0x0  }
0x7f: {  	s3 =	rddreg [dreg:$0x2];
	[bflag:$0x3] =	sbarrier.arrive $0xFFFF;
	s2 =	simm.s32 @!p0 $0x1C03  }
0x80: {  	[timem:s3], [sflag:s2] =	dma.local @!p0 [hbm:s0], s1  }
0x81: {  	s0 =	simm.s32 @!p0 $0x3  }
0x82: {  	_ =	swait.ge @!p0 [sflag:s0], s1  }
0x83: {  	s1 =	ssub.s32 @!p0 $0x0, s1;
	[sflag:s0] =	ssyncset.done @!p0 $0x0  }
0x84: {  	[sflag:s0] =	ssyncadd.s32 @!p0 s1  }
0x85: {  	[bflag:$0x3] =	sbarrier.arrive $0xFFFF  }
0x86: {  	_ =	shalt  }

</sc_bundles>
